<compile_context>
chip_gen: v7x
topology: tpu7x:2x2x1
jax: 0.10.2.dev20260603
libtpu: 0.0.44.dev20260713+nightly
codegen_flags: <defaults>
</compile_context>

<pallas_src>
import functools

import jax
import jax.numpy as jnp
from jax import lax
from jax.experimental import pallas as pl
from jax.experimental.pallas import tpu as pltpu
from jax.experimental.pallas import tpu_sc as plsc

B = 4096
L = 200
EMB = 64
H1 = 128
NCLS = 100

NC = 2
NS = 16
NW = NC * NS
RPW = B // NW
NBUF = 4
G1 = 104


def _count_nonzero(idx_row):
    cnt = jnp.zeros((16,), jnp.int32)
    for c in range(L // 16):
        cnt = cnt + plsc.all_reduce_population_count(idx_row[pl.ds(c * 16, 16)] != 0)
    chunk = idx_row[pl.ds(L - 16, 16)]
    lane = lax.iota(jnp.int32, 16)
    cnt = cnt + plsc.all_reduce_population_count((chunk != 0) & (lane >= 8))
    return cnt


def _remap(u):
    half_sh = (TT // 2).bit_length() - 1
    return ((u & ~(TT - 1)) + ((u & (TT // 2 - 1)) << 1)
            + ((u >> half_sh) & 1))


def _pool_body(x_hbm, emb_hbm, avg_hbm, idx_v, rows_v, out_v, sems):
    wid = lax.axis_index("s") * NC + lax.axis_index("c")
    base_row = wid * RPW

    pltpu.sync_copy(x_hbm.at[pl.ds(base_row, RPW), :], idx_v)
    idx2 = idx_v

    lane = lax.iota(jnp.int32, 16)

    def remap_row(r, carry):
        for c in range(L // 16):
            chunk = idx2[r, pl.ds(c * 16, 16)]
            idx2[r, pl.ds(c * 16, 16)] = _remap(chunk)
        chunk = idx2[r, pl.ds(L - 16, 16)]
        idx2[r, pl.ds(L - 16, 16)] = jnp.where(lane >= 8, _remap(chunk), chunk)
        return carry

    lax.fori_loop(0, RPW, remap_row, 0)

    def gather_descs(r, k):
        d1 = pltpu.make_async_copy(
            emb_hbm.at[idx2.at[r, pl.ds(0, G1)]],
            rows_v.at[k, pl.ds(0, G1)], sems.at[k])
        d2 = pltpu.make_async_copy(
            emb_hbm.at[idx2.at[r, pl.ds(G1, L - G1)]],
            rows_v.at[k, pl.ds(G1, L - G1)], sems.at[k])
        return d1, d2

    def issue(r, k):
        d1, d2 = gather_descs(r, k)
        d1.start()
        d2.start()

    for k in range(NBUF - 1):
        issue(k, k)

    def row_step(r, k):
        d1, d2 = gather_descs(r, k)
        d1.wait()
        d2.wait()

        @pl.when(r + NBUF - 1 < RPW)
        def _():
            issue(r + NBUF - 1, (k + NBUF - 1) % NBUF)

        inv = 1.0 / jnp.maximum(_count_nonzero(idx2.at[r]).astype(jnp.float32),
                                1e-6)

        z = jnp.zeros((16,), jnp.float32)

        def sum_body(j, accs):
            accs = list(accs)
            for u in range(8):
                row = j * 8 + u
                s = 4 * (u % 2)
                for c in range(4):
                    accs[s + c] = accs[s + c] + rows_v[k, row, pl.ds(c * 16, 16)]
            return tuple(accs)

        a = lax.fori_loop(0, L // 8, sum_body, (z,) * 8)
        for c in range(4):
            out_v[r, pl.ds(c * 16, 16)] = (a[c] + a[4 + c]) * inv

    def loop_body(m, carry):
        for k in range(NBUF):
            row_step(m * NBUF + k, k)
        return carry

    lax.fori_loop(0, RPW // NBUF, loop_body, 0)
    pltpu.sync_copy(out_v, avg_hbm.at[pl.ds(base_row, RPW)])


@jax.jit
def _pool(x_flat, embed):
    mesh = plsc.VectorSubcoreMesh(core_axis_name="c", subcore_axis_name="s")
    return pl.kernel(
        _pool_body,
        mesh=mesh,
        compiler_params=pltpu.CompilerParams(
            needs_layout_passes=False, use_tc_tiling_on_sc=False),
        out_type=jax.ShapeDtypeStruct((B, EMB), jnp.float32),
        scratch_types=[
            pltpu.VMEM((RPW, L), jnp.int32),
            pltpu.VMEM((NBUF, L, EMB), jnp.float32),
            pltpu.VMEM((RPW, EMB), jnp.float32),
            pltpu.SemaphoreType.DMA((NBUF,)),
        ],
    )(x_flat, embed)


TT = 32768
VOCAB = 1000000
V_PAD = ((VOCAB + TT - 1) // TT) * TT


def _tr_body(in_ref, eye_ref, out_ref):
    t = jax.lax.dot_general(
        in_ref[...], eye_ref[...], (((0,), (0,)), ((), ())),
        preferred_element_type=jnp.float32)
    out_ref[:, :EMB] = t[: TT // 2]
    out_ref[:, EMB:] = t[TT // 2 :]


def _transpose(embT):
    grid = V_PAD // TT
    eye = jnp.eye(EMB, dtype=jnp.float32)
    return pl.pallas_call(
        _tr_body,
        grid=(grid,),
        in_specs=[
            pl.BlockSpec((EMB, TT), lambda i: (0, i)),
            pl.BlockSpec((EMB, EMB), lambda i: (0, 0)),
        ],
        out_specs=pl.BlockSpec((TT // 2, 2 * EMB), lambda i: (i, 0)),
        out_shape=jax.ShapeDtypeStruct((V_PAD // 2, 2 * EMB), jnp.float32),
        compiler_params=pltpu.CompilerParams(
            dimension_semantics=("parallel",)),
    )(embT, eye)


def _mlp_body(avg_ref, w1_ref, b1_ref, w2_ref, b2_ref, out_ref):
    h = jnp.dot(avg_ref[...], w1_ref[...], preferred_element_type=jnp.float32)
    h = jnp.maximum(h + b1_ref[...], 0.0)
    out_ref[...] = (
        jnp.dot(h, w2_ref[...], preferred_element_type=jnp.float32) + b2_ref[...])


def _mlp(avg, W1, b1, W2, b2):
    blk = 1024
    return pl.pallas_call(
        _mlp_body,
        grid=(B // blk,),
        in_specs=[
            pl.BlockSpec((blk, EMB), lambda i: (i, 0)),
            pl.BlockSpec((EMB, H1), lambda i: (0, 0)),
            pl.BlockSpec((1, H1), lambda i: (0, 0)),
            pl.BlockSpec((H1, NCLS), lambda i: (0, 0)),
            pl.BlockSpec((1, NCLS), lambda i: (0, 0)),
        ],
        out_specs=pl.BlockSpec((blk, NCLS), lambda i: (i, 0)),
        out_shape=jax.ShapeDtypeStruct((B, NCLS), jnp.float32),
    )(avg, W1, b1.reshape(1, H1), W2, b2.reshape(1, NCLS))


def kernel(x, embed, W1, b1, W2, b2):
    emb_rm = _transpose(embed.T).reshape(V_PAD, EMB)
    avg = _pool(x.astype(jnp.int32), emb_rm)
    return _mlp(avg, W1, b1, W2, b2)

# --- scband reference (transcript-rebuilt; emitter-appended) ---
"""Pipeline reference for scband-avg-emb-classifier-88648124990612 (READ-ONLY COPY).

The authoritative reference and input builder live on the scoring server;
editing this copy changes nothing except your own understanding.
"""

import jax, jax.numpy as jnp
import numpy as np

VOCAB = 1000000
EMB = 64
NCLS = 100
B = 4096
L = 200

def setup_inputs(seed: int = 0) -> dict:
    key = jax.random.key(seed)
    k_x, k_emb, k_w1, k_b1, k_w2, k_b2 = jax.random.split(key, 6)
    x = jax.random.randint(k_x, (B, L), 0, VOCAB, dtype=jnp.int64 if jax.config.jax_enable_x64 else jnp.int32)
    embed = jax.random.normal(k_emb, (VOCAB, EMB), dtype=jnp.float32) * 0.02
    embed = embed.at[0].set(0.0)  # padding_idx=0
    # fc: Linear(EMB,128) -> ReLU -> Linear(128,NCLS), torch default init ~ U(-1/sqrt(fan_in), 1/sqrt(fan_in))
    lim1 = 1.0 / np.sqrt(EMB)
    W1 = jax.random.uniform(k_w1, (EMB, 128), minval=-lim1, maxval=lim1, dtype=jnp.float32)
    b1 = jax.random.uniform(k_b1, (128,), minval=-lim1, maxval=lim1, dtype=jnp.float32)
    lim2 = 1.0 / np.sqrt(128)
    W2 = jax.random.uniform(k_w2, (128, NCLS), minval=-lim2, maxval=lim2, dtype=jnp.float32)
    b2 = jax.random.uniform(k_b2, (NCLS,), minval=-lim2, maxval=lim2, dtype=jnp.float32)
    return {"x": x, "embed": embed, "W1": W1, "b1": b1, "W2": W2, "b2": b2}

def reference(x, embed, W1, b1, W2, b2):
    mask = (x != 0).astype(jnp.float32)[..., None]          # [B, L, 1]
    emb = jnp.take(embed, x, axis=0)                         # gather [B, L, EMB]
    summed = (emb * mask).sum(axis=1)                        # [B, EMB]
    denom = jnp.clip(mask.sum(axis=1), 1e-06, None)          # [B, 1]
    avg = summed / denom
    h = jnp.maximum(avg @ W1 + b1, 0.0)
    out = h @ W2 + b2
    return out

if __name__ == "__main__":
    import jax
    _d = setup_inputs()
    print(jax.jit(kernel)(*tuple(_d.values())))

</pallas_src>

<mosaic_0001>
#map = affine_map<(d0, d1) -> (0, 0)>
module attributes {stable_mosaic.version = 14 : i64} {
  func.func @_pool_body(%arg0: i32, %arg1: i32, %arg2: memref<4096x200xi32, #tpu.memory_space<hbm>>, %arg3: memref<1015808x64xf32, #tpu.memory_space<hbm>>, %arg4: memref<4096x64xf32, #tpu.memory_space<hbm>>, %arg5: memref<128x200xi32, #tpu.memory_space<vmem>>, %arg6: memref<4x200x64xf32, #tpu.memory_space<vmem>>, %arg7: memref<128x64xf32, #tpu.memory_space<vmem>>, %arg8: memref<4x!tpu.dma_semaphore, #tpu.memory_space<semaphore_mem>>) attributes {dimension_semantics = [#tpu.dimension_semantics<core_parallel>, #tpu.dimension_semantics<subcore_parallel>], iteration_bounds = array<i64: 2, 16>, scalar_prefetch = 0 : i64, scratch_operands = 4 : i64, tpu.core_type = #tpu.core_type<sc_vector_subcore>, window_params = [{transform_indices = #map}, {transform_indices = #map}, {transform_indices = #map}]} {
    %mul3A = arith.constant 2 : i32
    %mul3A_0 = arith.muli %arg1, %mul3A : i32
    %add3A = arith.addi %mul3A_0, %arg0 : i32
    %mul3A_1 = arith.constant 128 : i32
    %mul3A_2 = arith.muli %add3A, %mul3A_1 : i32
    "tpu.region"() ({
      %run_scoped3A = tpu.sem_alloc : memref<!tpu.dma_semaphore, #tpu.memory_space<semaphore_mem>>
      %dma_start3A_103 = arith.constant 0 : i32
      %dma_start3A_104 = tpu.memref_slice %arg2[%mul3A_2, %dma_start3A_103] : memref<4096x200xi32, #tpu.memory_space<hbm>> -> memref<128x200xi32, #tpu.memory_space<hbm>>
      %dma_start3A_105 = arith.constant 0 : i32
      %dma_start3A_106 = tpu.memref_slice %arg2[%mul3A_2, %dma_start3A_105] : memref<4096x200xi32, #tpu.memory_space<hbm>> -> memref<128x200xi32, #tpu.memory_space<hbm>>
      tpu.enqueue_dma source(%dma_start3A_106 : memref<128x200xi32, #tpu.memory_space<hbm>>) target(%arg5 : memref<128x200xi32, #tpu.memory_space<vmem>>) target_semaphore(%run_scoped3A : memref<!tpu.dma_semaphore, #tpu.memory_space<semaphore_mem>>)
      %dma_wait3A = arith.constant 0 : i32
      %dma_wait3A_107 = tpu.memref_slice %arg2[%mul3A_2, %dma_wait3A] : memref<4096x200xi32, #tpu.memory_space<hbm>> -> memref<128x200xi32, #tpu.memory_space<hbm>>
      %dma_wait3A_108 = arith.constant 0 : i32
      %dma_wait3A_109 = tpu.memref_slice %arg2[%mul3A_2, %dma_wait3A_108] : memref<4096x200xi32, #tpu.memory_space<hbm>> -> memref<128x200xi32, #tpu.memory_space<hbm>>
      tpu.wait_dma2 semaphore(%run_scoped3A : memref<!tpu.dma_semaphore, #tpu.memory_space<semaphore_mem>>) src(%dma_wait3A_109 : memref<128x200xi32, #tpu.memory_space<hbm>>) dst(%arg5 : memref<128x200xi32, #tpu.memory_space<vmem>>)
      tpu.yield
    }) : () -> ()
    %iota3A = tpu.iota {dimensions = array<i32: 0>} : vector<16xi32>
    %scan3A = arith.constant 0 : i32
    %scan3A_3 = arith.constant 0 : i32
    %scan3A_4 = arith.constant 128 : i32
    %scan3A_5 = arith.addi %scan3A_3, %scan3A_4 : i32
    %scan3A_6 = arith.constant 1 : i32
    scf.for %scan3A_103 = %scan3A_3 to %scan3A_5 step %scan3A_6  : i32 {
      %get3A = arith.index_cast %scan3A_103 : i32 to index
      %get3A_104 = arith.constant 0 : index
      %get3A_105 = tpu.vector_load %arg5[%get3A, %get3A_104] {strides = array<i32>} : memref<128x200xi32, #tpu.memory_space<vmem>>, vector<16xi32>,
      %and3A = arith.constant -32768 : i32
      %and3A_106 = vector.broadcast %and3A : i32 to vector<16xi32>
      %and3A_107 = arith.andi %get3A_105, %and3A_106 : vector<16xi32>
      %and3A_108 = arith.constant 16383 : i32
      %and3A_109 = vector.broadcast %and3A_108 : i32 to vector<16xi32>
      %and3A_110 = arith.andi %get3A_105, %and3A_109 : vector<16xi32>
      %shift_left3A = arith.constant 1 : i32
      %shift_left3A_111 = vector.broadcast %shift_left3A : i32 to vector<16xi32>
      %shift_left3A_112 = arith.shli %and3A_110, %shift_left3A_111 : vector<16xi32>
      %add3A_113 = arith.addi %and3A_107, %shift_left3A_112 : vector<16xi32>
      %shift_right_arithmetic3A = arith.constant 14 : i32
      %shift_right_arithmetic3A_114 = vector.broadcast %shift_right_arithmetic3A : i32 to vector<16xi32>
      %shift_right_arithmetic3A_115 = arith.shrsi %get3A_105, %shift_right_arithmetic3A_114 : vector<16xi32>
      %and3A_116 = arith.constant 1 : i32
      %and3A_117 = vector.broadcast %and3A_116 : i32 to vector<16xi32>
      %and3A_118 = arith.andi %shift_right_arithmetic3A_115, %and3A_117 : vector<16xi32>
      %add3A_119 = arith.addi %add3A_113, %and3A_118 : vector<16xi32>
      %swap3A = arith.index_cast %scan3A_103 : i32 to index
      %swap3A_120 = arith.constant 0 : index
      %swap3A_121 = tpu.vector_load %arg5[%swap3A, %swap3A_120] {strides = array<i32>} : memref<128x200xi32, #tpu.memory_space<vmem>>, vector<16xi32>,
      tpu.vector_store %arg5[%swap3A, %swap3A_120], %add3A_119 {strides = array<i32>} : memref<128x200xi32, #tpu.memory_space<vmem>>, vector<16xi32>,
      %get3A_122 = arith.index_cast %scan3A_103 : i32 to index
      %get3A_123 = arith.constant 16 : index
      %get3A_124 = tpu.vector_load %arg5[%get3A_122, %get3A_123] {strides = array<i32>} : memref<128x200xi32, #tpu.memory_space<vmem>>, vector<16xi32>,
      %and3A_125 = arith.constant -32768 : i32
      %and3A_126 = vector.broadcast %and3A_125 : i32 to vector<16xi32>
      %and3A_127 = arith.andi %get3A_124, %and3A_126 : vector<16xi32>
      %and3A_128 = arith.constant 16383 : i32
      %and3A_129 = vector.broadcast %and3A_128 : i32 to vector<16xi32>
      %and3A_130 = arith.andi %get3A_124, %and3A_129 : vector<16xi32>
      %shift_left3A_131 = arith.constant 1 : i32
      %shift_left3A_132 = vector.broadcast %shift_left3A_131 : i32 to vector<16xi32>
      %shift_left3A_133 = arith.shli %and3A_130, %shift_left3A_132 : vector<16xi32>
      %add3A_134 = arith.addi %and3A_127, %shift_left3A_133 : vector<16xi32>
      %shift_right_arithmetic3A_135 = arith.constant 14 : i32
      %shift_right_arithmetic3A_136 = vector.broadcast %shift_right_arithmetic3A_135 : i32 to vector<16xi32>
      %shift_right_arithmetic3A_137 = arith.shrsi %get3A_124, %shift_right_arithmetic3A_136 : vector<16xi32>
      %and3A_138 = arith.constant 1 : i32
      %and3A_139 = vector.broadcast %and3A_138 : i32 to vector<16xi32>
      %and3A_140 = arith.andi %shift_right_arithmetic3A_137, %and3A_139 : vector<16xi32>
      %add3A_141 = arith.addi %add3A_134, %and3A_140 : vector<16xi32>
      %swap3A_142 = arith.index_cast %scan3A_103 : i32 to index
      %swap3A_143 = arith.constant 16 : index
      %swap3A_144 = tpu.vector_load %arg5[%swap3A_142, %swap3A_143] {strides = array<i32>} : memref<128x200xi32, #tpu.memory_space<vmem>>, vector<16xi32>,
      tpu.vector_store %arg5[%swap3A_142, %swap3A_143], %add3A_141 {strides = array<i32>} : memref<128x200xi32, #tpu.memory_space<vmem>>, vector<16xi32>,
      %get3A_145 = arith.index_cast %scan3A_103 : i32 to index
      %get3A_146 = arith.constant 32 : index
      %get3A_147 = tpu.vector_load %arg5[%get3A_145, %get3A_146] {strides = array<i32>} : memref<128x200xi32, #tpu.memory_space<vmem>>, vector<16xi32>,
      %and3A_148 = arith.constant -32768 : i32
      %and3A_149 = vector.broadcast %and3A_148 : i32 to vector<16xi32>
      %and3A_150 = arith.andi %get3A_147, %and3A_149 : vector<16xi32>
      %and3A_151 = arith.constant 16383 : i32
      %and3A_152 = vector.broadcast %and3A_151 : i32 to vector<16xi32>
      %and3A_153 = arith.andi %get3A_147, %and3A_152 : vector<16xi32>
      %shift_left3A_154 = arith.constant 1 : i32
      %shift_left3A_155 = vector.broadcast %shift_left3A_154 : i32 to vector<16xi32>
      %shift_left3A_156 = arith.shli %and3A_153, %shift_left3A_155 : vector<16xi32>
      %add3A_157 = arith.addi %and3A_150, %shift_left3A_156 : vector<16xi32>
      %shift_right_arithmetic3A_158 = arith.constant 14 : i32
      %shift_right_arithmetic3A_159 = vector.broadcast %shift_right_arithmetic3A_158 : i32 to vector<16xi32>
      %shift_right_arithmetic3A_160 = arith.shrsi %get3A_147, %shift_right_arithmetic3A_159 : vector<16xi32>
      %and3A_161 = arith.constant 1 : i32
      %and3A_162 = vector.broadcast %and3A_161 : i32 to vector<16xi32>
      %and3A_163 = arith.andi %shift_right_arithmetic3A_160, %and3A_162 : vector<16xi32>
      %add3A_164 = arith.addi %add3A_157, %and3A_163 : vector<16xi32>
      %swap3A_165 = arith.index_cast %scan3A_103 : i32 to index
      %swap3A_166 = arith.constant 32 : index
      %swap3A_167 = tpu.vector_load %arg5[%swap3A_165, %swap3A_166] {strides = array<i32>} : memref<128x200xi32, #tpu.memory_space<vmem>>, vector<16xi32>,
      tpu.vector_store %arg5[%swap3A_165, %swap3A_166], %add3A_164 {strides = array<i32>} : memref<128x200xi32, #tpu.memory_space<vmem>>, vector<16xi32>,
      %get3A_168 = arith.index_cast %scan3A_103 : i32 to index
      %get3A_169 = arith.constant 48 : index
      %get3A_170 = tpu.vector_load %arg5[%get3A_168, %get3A_169] {strides = array<i32>} : memref<128x200xi32, #tpu.memory_space<vmem>>, vector<16xi32>,
      %and3A_171 = arith.constant -32768 : i32
      %and3A_172 = vector.broadcast %and3A_171 : i32 to vector<16xi32>
      %and3A_173 = arith.andi %get3A_170, %and3A_172 : vector<16xi32>
      %and3A_174 = arith.constant 16383 : i32
      %and3A_175 = vector.broadcast %and3A_174 : i32 to vector<16xi32>
      %and3A_176 = arith.andi %get3A_170, %and3A_175 : vector<16xi32>
      %shift_left3A_177 = arith.constant 1 : i32
      %shift_left3A_178 = vector.broadcast %shift_left3A_177 : i32 to vector<16xi32>
      %shift_left3A_179 = arith.shli %and3A_176, %shift_left3A_178 : vector<16xi32>
      %add3A_180 = arith.addi %and3A_173, %shift_left3A_179 : vector<16xi32>
      %shift_right_arithmetic3A_181 = arith.constant 14 : i32
      %shift_right_arithmetic3A_182 = vector.broadcast %shift_right_arithmetic3A_181 : i32 to vector<16xi32>
      %shift_right_arithmetic3A_183 = arith.shrsi %get3A_170, %shift_right_arithmetic3A_182 : vector<16xi32>
      %and3A_184 = arith.constant 1 : i32
      %and3A_185 = vector.broadcast %and3A_184 : i32 to vector<16xi32>
      %and3A_186 = arith.andi %shift_right_arithmetic3A_183, %and3A_185 : vector<16xi32>
      %add3A_187 = arith.addi %add3A_180, %and3A_186 : vector<16xi32>
      %swap3A_188 = arith.index_cast %scan3A_103 : i32 to index
      %swap3A_189 = arith.constant 48 : index
      %swap3A_190 = tpu.vector_load %arg5[%swap3A_188, %swap3A_189] {strides = array<i32>} : memref<128x200xi32, #tpu.memory_space<vmem>>, vector<16xi32>,
      tpu.vector_store %arg5[%swap3A_188, %swap3A_189], %add3A_187 {strides = array<i32>} : memref<128x200xi32, #tpu.memory_space<vmem>>, vector<16xi32>,
      %get3A_191 = arith.index_cast %scan3A_103 : i32 to index
      %get3A_192 = arith.constant 64 : index
      %get3A_193 = tpu.vector_load %arg5[%get3A_191, %get3A_192] {strides = array<i32>} : memref<128x200xi32, #tpu.memory_space<vmem>>, vector<16xi32>,
      %and3A_194 = arith.constant -32768 : i32
      %and3A_195 = vector.broadcast %and3A_194 : i32 to vector<16xi32>
      %and3A_196 = arith.andi %get3A_193, %and3A_195 : vector<16xi32>
      %and3A_197 = arith.constant 16383 : i32
      %and3A_198 = vector.broadcast %and3A_197 : i32 to vector<16xi32>
      %and3A_199 = arith.andi %get3A_193, %and3A_198 : vector<16xi32>
      %shift_left3A_200 = arith.constant 1 : i32
      %shift_left3A_201 = vector.broadcast %shift_left3A_200 : i32 to vector<16xi32>
      %shift_left3A_202 = arith.shli %and3A_199, %shift_left3A_201 : vector<16xi32>
      %add3A_203 = arith.addi %and3A_196, %shift_left3A_202 : vector<16xi32>
      %shift_right_arithmetic3A_204 = arith.constant 14 : i32
      %shift_right_arithmetic3A_205 = vector.broadcast %shift_right_arithmetic3A_204 : i32 to vector<16xi32>
      %shift_right_arithmetic3A_206 = arith.shrsi %get3A_193, %shift_right_arithmetic3A_205 : vector<16xi32>
      %and3A_207 = arith.constant 1 : i32
      %and3A_208 = vector.broadcast %and3A_207 : i32 to vector<16xi32>
      %and3A_209 = arith.andi %shift_right_arithmetic3A_206, %and3A_208 : vector<16xi32>
      %add3A_210 = arith.addi %add3A_203, %and3A_209 : vector<16xi32>
      %swap3A_211 = arith.index_cast %scan3A_103 : i32 to index
      %swap3A_212 = arith.constant 64 : index
      %swap3A_213 = tpu.vector_load %arg5[%swap3A_211, %swap3A_212] {strides = array<i32>} : memref<128x200xi32, #tpu.memory_space<vmem>>, vector<16xi32>,
      tpu.vector_store %arg5[%swap3A_211, %swap3A_212], %add3A_210 {strides = array<i32>} : memref<128x200xi32, #tpu.memory_space<vmem>>, vector<16xi32>,
      %get3A_214 = arith.index_cast %scan3A_103 : i32 to index
      %get3A_215 = arith.constant 80 : index
      %get3A_216 = tpu.vector_load %arg5[%get3A_214, %get3A_215] {strides = array<i32>} : memref<128x200xi32, #tpu.memory_space<vmem>>, vector<16xi32>,
      %and3A_217 = arith.constant -32768 : i32
      %and3A_218 = vector.broadcast %and3A_217 : i32 to vector<16xi32>
      %and3A_219 = arith.andi %get3A_216, %and3A_218 : vector<16xi32>
      %and3A_220 = arith.constant 16383 : i32
      %and3A_221 = vector.broadcast %and3A_220 : i32 to vector<16xi32>
      %and3A_222 = arith.andi %get3A_216, %and3A_221 : vector<16xi32>
      %shift_left3A_223 = arith.constant 1 : i32
      %shift_left3A_224 = vector.broadcast %shift_left3A_223 : i32 to vector<16xi32>
      %shift_left3A_225 = arith.shli %and3A_222, %shift_left3A_224 : vector<16xi32>
      %add3A_226 = arith.addi %and3A_219, %shift_left3A_225 : vector<16xi32>
      %shift_right_arithmetic3A_227 = arith.constant 14 : i32
      %shift_right_arithmetic3A_228 = vector.broadcast %shift_right_arithmetic3A_227 : i32 to vector<16xi32>
      %shift_right_arithmetic3A_229 = arith.shrsi %get3A_216, %shift_right_arithmetic3A_228 : vector<16xi32>
      %and3A_230 = arith.constant 1 : i32
      %and3A_231 = vector.broadcast %and3A_230 : i32 to vector<16xi32>
      %and3A_232 = arith.andi %shift_right_arithmetic3A_229, %and3A_231 : vector<16xi32>
      %add3A_233 = arith.addi %add3A_226, %and3A_232 : vector<16xi32>
      %swap3A_234 = arith.index_cast %scan3A_103 : i32 to index
      %swap3A_235 = arith.constant 80 : index
      %swap3A_236 = tpu.vector_load %arg5[%swap3A_234, %swap3A_235] {strides = array<i32>} : memref<128x200xi32, #tpu.memory_space<vmem>>, vector<16xi32>,
      tpu.vector_store %arg5[%swap3A_234, %swap3A_235], %add3A_233 {strides = array<i32>} : memref<128x200xi32, #tpu.memory_space<vmem>>, vector<16xi32>,
      %get3A_237 = arith.index_cast %scan3A_103 : i32 to index
      %get3A_238 = arith.constant 96 : index
      %get3A_239 = tpu.vector_load %arg5[%get3A_237, %get3A_238] {strides = array<i32>} : memref<128x200xi32, #tpu.memory_space<vmem>>, vector<16xi32>,
      %and3A_240 = arith.constant -32768 : i32
      %and3A_241 = vector.broadcast %and3A_240 : i32 to vector<16xi32>
      %and3A_242 = arith.andi %get3A_239, %and3A_241 : vector<16xi32>
      %and3A_243 = arith.constant 16383 : i32
      %and3A_244 = vector.broadcast %and3A_243 : i32 to vector<16xi32>
      %and3A_245 = arith.andi %get3A_239, %and3A_244 : vector<16xi32>
      %shift_left3A_246 = arith.constant 1 : i32
      %shift_left3A_247 = vector.broadcast %shift_left3A_246 : i32 to vector<16xi32>
      %shift_left3A_248 = arith.shli %and3A_245, %shift_left3A_247 : vector<16xi32>
      %add3A_249 = arith.addi %and3A_242, %shift_left3A_248 : vector<16xi32>
      %shift_right_arithmetic3A_250 = arith.constant 14 : i32
      %shift_right_arithmetic3A_251 = vector.broadcast %shift_right_arithmetic3A_250 : i32 to vector<16xi32>
      %shift_right_arithmetic3A_252 = arith.shrsi %get3A_239, %shift_right_arithmetic3A_251 : vector<16xi32>
      %and3A_253 = arith.constant 1 : i32
      %and3A_254 = vector.broadcast %and3A_253 : i32 to vector<16xi32>
      %and3A_255 = arith.andi %shift_right_arithmetic3A_252, %and3A_254 : vector<16xi32>
      %add3A_256 = arith.addi %add3A_249, %and3A_255 : vector<16xi32>
      %swap3A_257 = arith.index_cast %scan3A_103 : i32 to index
      %swap3A_258 = arith.constant 96 : index
      %swap3A_259 = tpu.vector_load %arg5[%swap3A_257, %swap3A_258] {strides = array<i32>} : memref<128x200xi32, #tpu.memory_space<vmem>>, vector<16xi32>,
      tpu.vector_store %arg5[%swap3A_257, %swap3A_258], %add3A_256 {strides = array<i32>} : memref<128x200xi32, #tpu.memory_space<vmem>>, vector<16xi32>,
      %get3A_260 = arith.index_cast %scan3A_103 : i32 to index
      %get3A_261 = arith.constant 112 : index
      %get3A_262 = tpu.vector_load %arg5[%get3A_260, %get3A_261] {strides = array<i32>} : memref<128x200xi32, #tpu.memory_space<vmem>>, vector<16xi32>,
      %and3A_263 = arith.constant -32768 : i32
      %and3A_264 = vector.broadcast %and3A_263 : i32 to vector<16xi32>
      %and3A_265 = arith.andi %get3A_262, %and3A_264 : vector<16xi32>
      %and3A_266 = arith.constant 16383 : i32
      %and3A_267 = vector.broadcast %and3A_266 : i32 to vector<16xi32>
      %and3A_268 = arith.andi %get3A_262, %and3A_267 : vector<16xi32>
      %shift_left3A_269 = arith.constant 1 : i32
      %shift_left3A_270 = vector.broadcast %shift_left3A_269 : i32 to vector<16xi32>
      %shift_left3A_271 = arith.shli %and3A_268, %shift_left3A_270 : vector<16xi32>
      %add3A_272 = arith.addi %and3A_265, %shift_left3A_271 : vector<16xi32>
      %shift_right_arithmetic3A_273 = arith.constant 14 : i32
      %shift_right_arithmetic3A_274 = vector.broadcast %shift_right_arithmetic3A_273 : i32 to vector<16xi32>
      %shift_right_arithmetic3A_275 = arith.shrsi %get3A_262, %shift_right_arithmetic3A_274 : vector<16xi32>
      %and3A_276 = arith.constant 1 : i32
      %and3A_277 = vector.broadcast %and3A_276 : i32 to vector<16xi32>
      %and3A_278 = arith.andi %shift_right_arithmetic3A_275, %and3A_277 : vector<16xi32>
      %add3A_279 = arith.addi %add3A_272, %and3A_278 : vector<16xi32>
      %swap3A_280 = arith.index_cast %scan3A_103 : i32 to index
      %swap3A_281 = arith.constant 112 : index
      %swap3A_282 = tpu.vector_load %arg5[%swap3A_280, %swap3A_281] {strides = array<i32>} : memref<128x200xi32, #tpu.memory_space<vmem>>, vector<16xi32>,
      tpu.vector_store %arg5[%swap3A_280, %swap3A_281], %add3A_279 {strides = array<i32>} : memref<128x200xi32, #tpu.memory_space<vmem>>, vector<16xi32>,
      %get3A_283 = arith.index_cast %scan3A_103 : i32 to index
      %get3A_284 = arith.constant 128 : index
      %get3A_285 = tpu.vector_load %arg5[%get3A_283, %get3A_284] {strides = array<i32>} : memref<128x200xi32, #tpu.memory_space<vmem>>, vector<16xi32>,
      %and3A_286 = arith.constant -32768 : i32
      %and3A_287 = vector.broadcast %and3A_286 : i32 to vector<16xi32>
      %and3A_288 = arith.andi %get3A_285, %and3A_287 : vector<16xi32>
      %and3A_289 = arith.constant 16383 : i32
      %and3A_290 = vector.broadcast %and3A_289 : i32 to vector<16xi32>
      %and3A_291 = arith.andi %get3A_285, %and3A_290 : vector<16xi32>
      %shift_left3A_292 = arith.constant 1 : i32
      %shift_left3A_293 = vector.broadcast %shift_left3A_292 : i32 to vector<16xi32>
      %shift_left3A_294 = arith.shli %and3A_291, %shift_left3A_293 : vector<16xi32>
      %add3A_295 = arith.addi %and3A_288, %shift_left3A_294 : vector<16xi32>
      %shift_right_arithmetic3A_296 = arith.constant 14 : i32
      %shift_right_arithmetic3A_297 = vector.broadcast %shift_right_arithmetic3A_296 : i32 to vector<16xi32>
      %shift_right_arithmetic3A_298 = arith.shrsi %get3A_285, %shift_right_arithmetic3A_297 : vector<16xi32>
      %and3A_299 = arith.constant 1 : i32
      %and3A_300 = vector.broadcast %and3A_299 : i32 to vector<16xi32>
      %and3A_301 = arith.andi %shift_right_arithmetic3A_298, %and3A_300 : vector<16xi32>
      %add3A_302 = arith.addi %add3A_295, %and3A_301 : vector<16xi32>
      %swap3A_303 = arith.index_cast %scan3A_103 : i32 to index
      %swap3A_304 = arith.constant 128 : index
      %swap3A_305 = tpu.vector_load %arg5[%swap3A_303, %swap3A_304] {strides = array<i32>} : memref<128x200xi32, #tpu.memory_space<vmem>>, vector<16xi32>,
      tpu.vector_store %arg5[%swap3A_303, %swap3A_304], %add3A_302 {strides = array<i32>} : memref<128x200xi32, #tpu.memory_space<vmem>>, vector<16xi32>,
      %get3A_306 = arith.index_cast %scan3A_103 : i32 to index
      %get3A_307 = arith.constant 144 : index
      %get3A_308 = tpu.vector_load %arg5[%get3A_306, %get3A_307] {strides = array<i32>} : memref<128x200xi32, #tpu.memory_space<vmem>>, vector<16xi32>,
      %and3A_309 = arith.constant -32768 : i32
      %and3A_310 = vector.broadcast %and3A_309 : i32 to vector<16xi32>
      %and3A_311 = arith.andi %get3A_308, %and3A_310 : vector<16xi32>
      %and3A_312 = arith.constant 16383 : i32
      %and3A_313 = vector.broadcast %and3A_312 : i32 to vector<16xi32>
      %and3A_314 = arith.andi %get3A_308, %and3A_313 : vector<16xi32>
      %shift_left3A_315 = arith.constant 1 : i32
      %shift_left3A_316 = vector.broadcast %shift_left3A_315 : i32 to vector<16xi32>
      %shift_left3A_317 = arith.shli %and3A_314, %shift_left3A_316 : vector<16xi32>
      %add3A_318 = arith.addi %and3A_311, %shift_left3A_317 : vector<16xi32>
      %shift_right_arithmetic3A_319 = arith.constant 14 : i32
      %shift_right_arithmetic3A_320 = vector.broadcast %shift_right_arithmetic3A_319 : i32 to vector<16xi32>
      %shift_right_arithmetic3A_321 = arith.shrsi %get3A_308, %shift_right_arithmetic3A_320 : vector<16xi32>
      %and3A_322 = arith.constant 1 : i32
      %and3A_323 = vector.broadcast %and3A_322 : i32 to vector<16xi32>
      %and3A_324 = arith.andi %shift_right_arithmetic3A_321, %and3A_323 : vector<16xi32>
      %add3A_325 = arith.addi %add3A_318, %and3A_324 : vector<16xi32>
      %swap3A_326 = arith.index_cast %scan3A_103 : i32 to index
      %swap3A_327 = arith.constant 144 : index
      %swap3A_328 = tpu.vector_load %arg5[%swap3A_326, %swap3A_327] {strides = array<i32>} : memref<128x200xi32, #tpu.memory_space<vmem>>, vector<16xi32>,
      tpu.vector_store %arg5[%swap3A_326, %swap3A_327], %add3A_325 {strides = array<i32>} : memref<128x200xi32, #tpu.memory_space<vmem>>, vector<16xi32>,
      %get3A_329 = arith.index_cast %scan3A_103 : i32 to index
      %get3A_330 = arith.constant 160 : index
      %get3A_331 = tpu.vector_load %arg5[%get3A_329, %get3A_330] {strides = array<i32>} : memref<128x200xi32, #tpu.memory_space<vmem>>, vector<16xi32>,
      %and3A_332 = arith.constant -32768 : i32
      %and3A_333 = vector.broadcast %and3A_332 : i32 to vector<16xi32>
      %and3A_334 = arith.andi %get3A_331, %and3A_333 : vector<16xi32>
      %and3A_335 = arith.constant 16383 : i32
      %and3A_336 = vector.broadcast %and3A_335 : i32 to vector<16xi32>
      %and3A_337 = arith.andi %get3A_331, %and3A_336 : vector<16xi32>
      %shift_left3A_338 = arith.constant 1 : i32
      %shift_left3A_339 = vector.broadcast %shift_left3A_338 : i32 to vector<16xi32>
      %shift_left3A_340 = arith.shli %and3A_337, %shift_left3A_339 : vector<16xi32>
      %add3A_341 = arith.addi %and3A_334, %shift_left3A_340 : vector<16xi32>
      %shift_right_arithmetic3A_342 = arith.constant 14 : i32
      %shift_right_arithmetic3A_343 = vector.broadcast %shift_right_arithmetic3A_342 : i32 to vector<16xi32>
      %shift_right_arithmetic3A_344 = arith.shrsi %get3A_331, %shift_right_arithmetic3A_343 : vector<16xi32>
      %and3A_345 = arith.constant 1 : i32
      %and3A_346 = vector.broadcast %and3A_345 : i32 to vector<16xi32>
      %and3A_347 = arith.andi %shift_right_arithmetic3A_344, %and3A_346 : vector<16xi32>
      %add3A_348 = arith.addi %add3A_341, %and3A_347 : vector<16xi32>
      %swap3A_349 = arith.index_cast %scan3A_103 : i32 to index
      %swap3A_350 = arith.constant 160 : index
      %swap3A_351 = tpu.vector_load %arg5[%swap3A_349, %swap3A_350] {strides = array<i32>} : memref<128x200xi32, #tpu.memory_space<vmem>>, vector<16xi32>,
      tpu.vector_store %arg5[%swap3A_349, %swap3A_350], %add3A_348 {strides = array<i32>} : memref<128x200xi32, #tpu.memory_space<vmem>>, vector<16xi32>,
      %get3A_352 = arith.index_cast %scan3A_103 : i32 to index
      %get3A_353 = arith.constant 176 : index
      %get3A_354 = tpu.vector_load %arg5[%get3A_352, %get3A_353] {strides = array<i32>} : memref<128x200xi32, #tpu.memory_space<vmem>>, vector<16xi32>,
      %and3A_355 = arith.constant -32768 : i32
      %and3A_356 = vector.broadcast %and3A_355 : i32 to vector<16xi32>
      %and3A_357 = arith.andi %get3A_354, %and3A_356 : vector<16xi32>
      %and3A_358 = arith.constant 16383 : i32
      %and3A_359 = vector.broadcast %and3A_358 : i32 to vector<16xi32>
      %and3A_360 = arith.andi %get3A_354, %and3A_359 : vector<16xi32>
      %shift_left3A_361 = arith.constant 1 : i32
      %shift_left3A_362 = vector.broadcast %shift_left3A_361 : i32 to vector<16xi32>
      %shift_left3A_363 = arith.shli %and3A_360, %shift_left3A_362 : vector<16xi32>
      %add3A_364 = arith.addi %and3A_357, %shift_left3A_363 : vector<16xi32>
      %shift_right_arithmetic3A_365 = arith.constant 14 : i32
      %shift_right_arithmetic3A_366 = vector.broadcast %shift_right_arithmetic3A_365 : i32 to vector<16xi32>
      %shift_right_arithmetic3A_367 = arith.shrsi %get3A_354, %shift_right_arithmetic3A_366 : vector<16xi32>
      %and3A_368 = arith.constant 1 : i32
      %and3A_369 = vector.broadcast %and3A_368 : i32 to vector<16xi32>
      %and3A_370 = arith.andi %shift_right_arithmetic3A_367, %and3A_369 : vector<16xi32>
      %add3A_371 = arith.addi %add3A_364, %and3A_370 : vector<16xi32>
      %swap3A_372 = arith.index_cast %scan3A_103 : i32 to index
      %swap3A_373 = arith.constant 176 : index
      %swap3A_374 = tpu.vector_load %arg5[%swap3A_372, %swap3A_373] {strides = array<i32>} : memref<128x200xi32, #tpu.memory_space<vmem>>, vector<16xi32>,
      tpu.vector_store %arg5[%swap3A_372, %swap3A_373], %add3A_371 {strides = array<i32>} : memref<128x200xi32, #tpu.memory_space<vmem>>, vector<16xi32>,
      %get3A_375 = arith.index_cast %scan3A_103 : i32 to index
      %get3A_376 = arith.constant 184 : index
      %get3A_377 = tpu.vector_load %arg5[%get3A_375, %get3A_376] {strides = array<i32>} : memref<128x200xi32, #tpu.memory_space<vmem>>, vector<16xi32>,
      %ge3A = arith.constant 8 : i32
      %ge3A_378 = vector.broadcast %ge3A : i32 to vector<16xi32>
      %ge3A_379 = arith.cmpi sge, %iota3A, %ge3A_378 : vector<16xi32>
      %and3A_380 = arith.constant -32768 : i32
      %and3A_381 = vector.broadcast %and3A_380 : i32 to vector<16xi32>
      %and3A_382 = arith.andi %get3A_377, %and3A_381 : vector<16xi32>
      %and3A_383 = arith.constant 16383 : i32
      %and3A_384 = vector.broadcast %and3A_383 : i32 to vector<16xi32>
      %and3A_385 = arith.andi %get3A_377, %and3A_384 : vector<16xi32>
      %shift_left3A_386 = arith.constant 1 : i32
      %shift_left3A_387 = vector.broadcast %shift_left3A_386 : i32 to vector<16xi32>
      %shift_left3A_388 = arith.shli %and3A_385, %shift_left3A_387 : vector<16xi32>
      %add3A_389 = arith.addi %and3A_382, %shift_left3A_388 : vector<16xi32>
      %shift_right_arithmetic3A_390 = arith.constant 14 : i32
      %shift_right_arithmetic3A_391 = vector.broadcast %shift_right_arithmetic3A_390 : i32 to vector<16xi32>
      %shift_right_arithmetic3A_392 = arith.shrsi %get3A_377, %shift_right_arithmetic3A_391 : vector<16xi32>
      %and3A_393 = arith.constant 1 : i32
      %and3A_394 = vector.broadcast %and3A_393 : i32 to vector<16xi32>
      %and3A_395 = arith.andi %shift_right_arithmetic3A_392, %and3A_394 : vector<16xi32>
      %add3A_396 = arith.addi %add3A_389, %and3A_395 : vector<16xi32>
      %select_n3A = arith.select %ge3A_379, %add3A_396, %get3A_377 : vector<16xi1>, vector<16xi32>
      %swap3A_397 = arith.index_cast %scan3A_103 : i32 to index
      %swap3A_398 = arith.constant 184 : index
      %swap3A_399 = tpu.vector_load %arg5[%swap3A_397, %swap3A_398] {strides = array<i32>} : memref<128x200xi32, #tpu.memory_space<vmem>>, vector<16xi32>,
      tpu.vector_store %arg5[%swap3A_397, %swap3A_398], %select_n3A {strides = array<i32>} : memref<128x200xi32, #tpu.memory_space<vmem>>, vector<16xi32>,
    }
    %scan3A_7 = arith.constant 128 : i32
    %dma_start3A = arith.constant 0 : i32
    %dma_start3A_8 = arith.constant 0 : i32
    %dma_start3A_9 = arith.constant 0 : i32
    %dma_start3A_10 = arith.constant 0 : i32
    %dma_start3A_11 = arith.constant 0 : i32
    %dma_start3A_12 = tpu.memref_slice %arg6[%dma_start3A_8, %dma_start3A_10, %dma_start3A_11] : memref<4x200x64xf32, #tpu.memory_space<vmem>> -> memref<1x104x64xf32, #tpu.memory_space<vmem>>
    %dma_start3A_13 = tpu.memref_squeeze %dma_start3A_12 : memref<1x104x64xf32, #tpu.memory_space<vmem>> -> memref<104x64xf32, #tpu.memory_space<vmem>>
    %dma_start3A_14 = arith.constant 0 : i32
    %dma_start3A_15 = tpu.memref_slice %arg5[%dma_start3A, %dma_start3A_14] : memref<128x200xi32, #tpu.memory_space<vmem>> -> memref<1x104xi32, #tpu.memory_space<vmem>>
    %dma_start3A_16 = tpu.memref_squeeze %dma_start3A_15 : memref<1x104xi32, #tpu.memory_space<vmem>> -> memref<104xi32, #tpu.memory_space<vmem>>
    %dma_start3A_17 = arith.constant 0 : i32
    %dma_start3A_18 = arith.constant 0 : i32
    %dma_start3A_19 = tpu.memref_slice %arg3[%dma_start3A_17, %dma_start3A_18] : memref<1015808x64xf32, #tpu.memory_space<hbm>> -> memref<1015808x64xf32, #tpu.memory_space<hbm>>
    %dma_start3A_20 = tpu.memref_slice %arg8[%dma_start3A_9] : memref<4x!tpu.dma_semaphore, #tpu.memory_space<semaphore_mem>> -> memref<1x!tpu.dma_semaphore, #tpu.memory_space<semaphore_mem>>
    %dma_start3A_21 = tpu.memref_squeeze %dma_start3A_20 : memref<1x!tpu.dma_semaphore, #tpu.memory_space<semaphore_mem>> -> memref<!tpu.dma_semaphore, #tpu.memory_space<semaphore_mem>>
    tpu.enqueue_indirect_dma source(%dma_start3A_19 : memref<1015808x64xf32, #tpu.memory_space<hbm>>) target(%dma_start3A_13 : memref<104x64xf32, #tpu.memory_space<vmem>>) offsets(%dma_start3A_16 : memref<104xi32, #tpu.memory_space<vmem>>) semaphore(%dma_start3A_21 : memref<!tpu.dma_semaphore, #tpu.memory_space<semaphore_mem>>)
    %dma_start3A_22 = arith.constant 0 : i32
    %dma_start3A_23 = arith.constant 0 : i32
    %dma_start3A_24 = arith.constant 0 : i32
    %dma_start3A_25 = arith.constant 104 : i32
    %dma_start3A_26 = arith.constant 0 : i32
    %dma_start3A_27 = tpu.memref_slice %arg6[%dma_start3A_23, %dma_start3A_25, %dma_start3A_26] : memref<4x200x64xf32, #tpu.memory_space<vmem>> -> memref<1x96x64xf32, #tpu.memory_space<vmem>>
    %dma_start3A_28 = tpu.memref_squeeze %dma_start3A_27 : memref<1x96x64xf32, #tpu.memory_space<vmem>> -> memref<96x64xf32, #tpu.memory_space<vmem>>
    %dma_start3A_29 = arith.constant 104 : i32
    %dma_start3A_30 = tpu.memref_slice %arg5[%dma_start3A_22, %dma_start3A_29] : memref<128x200xi32, #tpu.memory_space<vmem>> -> memref<1x96xi32, #tpu.memory_space<vmem>>
    %dma_start3A_31 = tpu.memref_squeeze %dma_start3A_30 : memref<1x96xi32, #tpu.memory_space<vmem>> -> memref<96xi32, #tpu.memory_space<vmem>>
    %dma_start3A_32 = arith.constant 0 : i32
    %dma_start3A_33 = arith.constant 0 : i32
    %dma_start3A_34 = tpu.memref_slice %arg3[%dma_start3A_32, %dma_start3A_33] : memref<1015808x64xf32, #tpu.memory_space<hbm>> -> memref<1015808x64xf32, #tpu.memory_space<hbm>>
    %dma_start3A_35 = tpu.memref_slice %arg8[%dma_start3A_24] : memref<4x!tpu.dma_semaphore, #tpu.memory_space<semaphore_mem>> -> memref<1x!tpu.dma_semaphore, #tpu.memory_space<semaphore_mem>>
    %dma_start3A_36 = tpu.memref_squeeze %dma_start3A_35 : memref<1x!tpu.dma_semaphore, #tpu.memory_space<semaphore_mem>> -> memref<!tpu.dma_semaphore, #tpu.memory_space<semaphore_mem>>
    tpu.enqueue_indirect_dma source(%dma_start3A_34 : memref<1015808x64xf32, #tpu.memory_space<hbm>>) target(%dma_start3A_28 : memref<96x64xf32, #tpu.memory_space<vmem>>) offsets(%dma_start3A_31 : memref<96xi32, #tpu.memory_space<vmem>>) semaphore(%dma_start3A_36 : memref<!tpu.dma_semaphore, #tpu.memory_space<semaphore_mem>>)
    %dma_start3A_37 = arith.constant 1 : i32
    %dma_start3A_38 = arith.constant 1 : i32
    %dma_start3A_39 = arith.constant 1 : i32
    %dma_start3A_40 = arith.constant 0 : i32
    %dma_start3A_41 = arith.constant 0 : i32
    %dma_start3A_42 = tpu.memref_slice %arg6[%dma_start3A_38, %dma_start3A_40, %dma_start3A_41] : memref<4x200x64xf32, #tpu.memory_space<vmem>> -> memref<1x104x64xf32, #tpu.memory_space<vmem>>
    %dma_start3A_43 = tpu.memref_squeeze %dma_start3A_42 : memref<1x104x64xf32, #tpu.memory_space<vmem>> -> memref<104x64xf32, #tpu.memory_space<vmem>>
    %dma_start3A_44 = arith.constant 0 : i32
    %dma_start3A_45 = tpu.memref_slice %arg5[%dma_start3A_37, %dma_start3A_44] : memref<128x200xi32, #tpu.memory_space<vmem>> -> memref<1x104xi32, #tpu.memory_space<vmem>>
    %dma_start3A_46 = tpu.memref_squeeze %dma_start3A_45 : memref<1x104xi32, #tpu.memory_space<vmem>> -> memref<104xi32, #tpu.memory_space<vmem>>
    %dma_start3A_47 = arith.constant 0 : i32
    %dma_start3A_48 = arith.constant 0 : i32
    %dma_start3A_49 = tpu.memref_slice %arg3[%dma_start3A_47, %dma_start3A_48] : memref<1015808x64xf32, #tpu.memory_space<hbm>> -> memref<1015808x64xf32, #tpu.memory_space<hbm>>
    %dma_start3A_50 = tpu.memref_slice %arg8[%dma_start3A_39] : memref<4x!tpu.dma_semaphore, #tpu.memory_space<semaphore_mem>> -> memref<1x!tpu.dma_semaphore, #tpu.memory_space<semaphore_mem>>
    %dma_start3A_51 = tpu.memref_squeeze %dma_start3A_50 : memref<1x!tpu.dma_semaphore, #tpu.memory_space<semaphore_mem>> -> memref<!tpu.dma_semaphore, #tpu.memory_space<semaphore_mem>>
    tpu.enqueue_indirect_dma source(%dma_start3A_49 : memref<1015808x64xf32, #tpu.memory_space<hbm>>) target(%dma_start3A_43 : memref<104x64xf32, #tpu.memory_space<vmem>>) offsets(%dma_start3A_46 : memref<104xi32, #tpu.memory_space<vmem>>) semaphore(%dma_start3A_51 : memref<!tpu.dma_semaphore, #tpu.memory_space<semaphore_mem>>)
    %dma_start3A_52 = arith.constant 1 : i32
    %dma_start3A_53 = arith.constant 1 : i32
    %dma_start3A_54 = arith.constant 1 : i32
    %dma_start3A_55 = arith.constant 104 : i32
    %dma_start3A_56 = arith.constant 0 : i32
    %dma_start3A_57 = tpu.memref_slice %arg6[%dma_start3A_53, %dma_start3A_55, %dma_start3A_56] : memref<4x200x64xf32, #tpu.memory_space<vmem>> -> memref<1x96x64xf32, #tpu.memory_space<vmem>>
    %dma_start3A_58 = tpu.memref_squeeze %dma_start3A_57 : memref<1x96x64xf32, #tpu.memory_space<vmem>> -> memref<96x64xf32, #tpu.memory_space<vmem>>
    %dma_start3A_59 = arith.constant 104 : i32
    %dma_start3A_60 = tpu.memref_slice %arg5[%dma_start3A_52, %dma_start3A_59] : memref<128x200xi32, #tpu.memory_space<vmem>> -> memref<1x96xi32, #tpu.memory_space<vmem>>
    %dma_start3A_61 = tpu.memref_squeeze %dma_start3A_60 : memref<1x96xi32, #tpu.memory_space<vmem>> -> memref<96xi32, #tpu.memory_space<vmem>>
    %dma_start3A_62 = arith.constant 0 : i32
    %dma_start3A_63 = arith.constant 0 : i32
    %dma_start3A_64 = tpu.memref_slice %arg3[%dma_start3A_62, %dma_start3A_63] : memref<1015808x64xf32, #tpu.memory_space<hbm>> -> memref<1015808x64xf32, #tpu.memory_space<hbm>>
    %dma_start3A_65 = tpu.memref_slice %arg8[%dma_start3A_54] : memref<4x!tpu.dma_semaphore, #tpu.memory_space<semaphore_mem>> -> memref<1x!tpu.dma_semaphore, #tpu.memory_space<semaphore_mem>>
    %dma_start3A_66 = tpu.memref_squeeze %dma_start3A_65 : memref<1x!tpu.dma_semaphore, #tpu.memory_space<semaphore_mem>> -> memref<!tpu.dma_semaphore, #tpu.memory_space<semaphore_mem>>
    tpu.enqueue_indirect_dma source(%dma_start3A_64 : memref<1015808x64xf32, #tpu.memory_space<hbm>>) target(%dma_start3A_58 : memref<96x64xf32, #tpu.memory_space<vmem>>) offsets(%dma_start3A_61 : memref<96xi32, #tpu.memory_space<vmem>>) semaphore(%dma_start3A_66 : memref<!tpu.dma_semaphore, #tpu.memory_space<semaphore_mem>>)
    %dma_start3A_67 = arith.constant 2 : i32
    %dma_start3A_68 = arith.constant 2 : i32
    %dma_start3A_69 = arith.constant 2 : i32
    %dma_start3A_70 = arith.constant 0 : i32
    %dma_start3A_71 = arith.constant 0 : i32
    %dma_start3A_72 = tpu.memref_slice %arg6[%dma_start3A_68, %dma_start3A_70, %dma_start3A_71] : memref<4x200x64xf32, #tpu.memory_space<vmem>> -> memref<1x104x64xf32, #tpu.memory_space<vmem>>
    %dma_start3A_73 = tpu.memref_squeeze %dma_start3A_72 : memref<1x104x64xf32, #tpu.memory_space<vmem>> -> memref<104x64xf32, #tpu.memory_space<vmem>>
    %dma_start3A_74 = arith.constant 0 : i32
    %dma_start3A_75 = tpu.memref_slice %arg5[%dma_start3A_67, %dma_start3A_74] : memref<128x200xi32, #tpu.memory_space<vmem>> -> memref<1x104xi32, #tpu.memory_space<vmem>>
    %dma_start3A_76 = tpu.memref_squeeze %dma_start3A_75 : memref<1x104xi32, #tpu.memory_space<vmem>> -> memref<104xi32, #tpu.memory_space<vmem>>
    %dma_start3A_77 = arith.constant 0 : i32
    %dma_start3A_78 = arith.constant 0 : i32
    %dma_start3A_79 = tpu.memref_slice %arg3[%dma_start3A_77, %dma_start3A_78] : memref<1015808x64xf32, #tpu.memory_space<hbm>> -> memref<1015808x64xf32, #tpu.memory_space<hbm>>
    %dma_start3A_80 = tpu.memref_slice %arg8[%dma_start3A_69] : memref<4x!tpu.dma_semaphore, #tpu.memory_space<semaphore_mem>> -> memref<1x!tpu.dma_semaphore, #tpu.memory_space<semaphore_mem>>
    %dma_start3A_81 = tpu.memref_squeeze %dma_start3A_80 : memref<1x!tpu.dma_semaphore, #tpu.memory_space<semaphore_mem>> -> memref<!tpu.dma_semaphore, #tpu.memory_space<semaphore_mem>>
    tpu.enqueue_indirect_dma source(%dma_start3A_79 : memref<1015808x64xf32, #tpu.memory_space<hbm>>) target(%dma_start3A_73 : memref<104x64xf32, #tpu.memory_space<vmem>>) offsets(%dma_start3A_76 : memref<104xi32, #tpu.memory_space<vmem>>) semaphore(%dma_start3A_81 : memref<!tpu.dma_semaphore, #tpu.memory_space<semaphore_mem>>)
    %dma_start3A_82 = arith.constant 2 : i32
    %dma_start3A_83 = arith.constant 2 : i32
    %dma_start3A_84 = arith.constant 2 : i32
    %dma_start3A_85 = arith.constant 104 : i32
    %dma_start3A_86 = arith.constant 0 : i32
    %dma_start3A_87 = tpu.memref_slice %arg6[%dma_start3A_83, %dma_start3A_85, %dma_start3A_86] : memref<4x200x64xf32, #tpu.memory_space<vmem>> -> memref<1x96x64xf32, #tpu.memory_space<vmem>>
    %dma_start3A_88 = tpu.memref_squeeze %dma_start3A_87 : memref<1x96x64xf32, #tpu.memory_space<vmem>> -> memref<96x64xf32, #tpu.memory_space<vmem>>
    %dma_start3A_89 = arith.constant 104 : i32
    %dma_start3A_90 = tpu.memref_slice %arg5[%dma_start3A_82, %dma_start3A_89] : memref<128x200xi32, #tpu.memory_space<vmem>> -> memref<1x96xi32, #tpu.memory_space<vmem>>
    %dma_start3A_91 = tpu.memref_squeeze %dma_start3A_90 : memref<1x96xi32, #tpu.memory_space<vmem>> -> memref<96xi32, #tpu.memory_space<vmem>>
    %dma_start3A_92 = arith.constant 0 : i32
    %dma_start3A_93 = arith.constant 0 : i32
    %dma_start3A_94 = tpu.memref_slice %arg3[%dma_start3A_92, %dma_start3A_93] : memref<1015808x64xf32, #tpu.memory_space<hbm>> -> memref<1015808x64xf32, #tpu.memory_space<hbm>>
    %dma_start3A_95 = tpu.memref_slice %arg8[%dma_start3A_84] : memref<4x!tpu.dma_semaphore, #tpu.memory_space<semaphore_mem>> -> memref<1x!tpu.dma_semaphore, #tpu.memory_space<semaphore_mem>>
    %dma_start3A_96 = tpu.memref_squeeze %dma_start3A_95 : memref<1x!tpu.dma_semaphore, #tpu.memory_space<semaphore_mem>> -> memref<!tpu.dma_semaphore, #tpu.memory_space<semaphore_mem>>
    tpu.enqueue_indirect_dma source(%dma_start3A_94 : memref<1015808x64xf32, #tpu.memory_space<hbm>>) target(%dma_start3A_88 : memref<96x64xf32, #tpu.memory_space<vmem>>) offsets(%dma_start3A_91 : memref<96xi32, #tpu.memory_space<vmem>>) semaphore(%dma_start3A_96 : memref<!tpu.dma_semaphore, #tpu.memory_space<semaphore_mem>>)
    %scan3A_97 = arith.constant 0 : i32
    %scan3A_98 = arith.constant 0 : i32
    %scan3A_99 = arith.constant 32 : i32
    %scan3A_100 = arith.addi %scan3A_98, %scan3A_99 : i32
    %scan3A_101 = arith.constant 1 : i32
    scf.for %scan3A_103 = %scan3A_98 to %scan3A_100 step %scan3A_101  : i32 {
      %mul3A_104 = arith.constant 4 : i32
      %mul3A_105 = arith.muli %scan3A_103, %mul3A_104 : i32
      %add3A_106 = arith.constant 0 : i32
      %add3A_107 = arith.addi %mul3A_105, %add3A_106 : i32
      %dma_wait3A = arith.constant 0 : i32
      %dma_wait3A_108 = arith.constant 0 : i32
      %dma_wait3A_109 = arith.constant 0 : i32
      %dma_wait3A_110 = arith.constant 0 : i32
      %dma_wait3A_111 = tpu.memref_slice %arg6[%dma_wait3A, %dma_wait3A_109, %dma_wait3A_110] : memref<4x200x64xf32, #tpu.memory_space<vmem>> -> memref<1x104x64xf32, #tpu.memory_space<vmem>>
      %dma_wait3A_112 = tpu.memref_squeeze %dma_wait3A_111 : memref<1x104x64xf32, #tpu.memory_space<vmem>> -> memref<104x64xf32, #tpu.memory_space<vmem>>
      %dma_wait3A_113 = arith.constant 0 : i32
      %dma_wait3A_114 = tpu.memref_slice %arg5[%add3A_107, %dma_wait3A_113] : memref<128x200xi32, #tpu.memory_space<vmem>> -> memref<1x104xi32, #tpu.memory_space<vmem>>
      %dma_wait3A_115 = tpu.memref_squeeze %dma_wait3A_114 : memref<1x104xi32, #tpu.memory_space<vmem>> -> memref<104xi32, #tpu.memory_space<vmem>>
      %dma_wait3A_116 = arith.constant 0 : i32
      %dma_wait3A_117 = arith.constant 0 : i32
      %dma_wait3A_118 = tpu.memref_slice %arg3[%dma_wait3A_116, %dma_wait3A_117] : memref<1015808x64xf32, #tpu.memory_space<hbm>> -> memref<1015808x64xf32, #tpu.memory_space<hbm>>
      %dma_wait3A_119 = tpu.memref_slice %arg8[%dma_wait3A_108] : memref<4x!tpu.dma_semaphore, #tpu.memory_space<semaphore_mem>> -> memref<1x!tpu.dma_semaphore, #tpu.memory_space<semaphore_mem>>
      %dma_wait3A_120 = tpu.memref_squeeze %dma_wait3A_119 : memref<1x!tpu.dma_semaphore, #tpu.memory_space<semaphore_mem>> -> memref<!tpu.dma_semaphore, #tpu.memory_space<semaphore_mem>>
      tpu.wait_indirect_dma semaphore(%dma_wait3A_120 : memref<!tpu.dma_semaphore, #tpu.memory_space<semaphore_mem>>) src(%dma_wait3A_118 : memref<1015808x64xf32, #tpu.memory_space<hbm>>) dst(%dma_wait3A_112 : memref<104x64xf32, #tpu.memory_space<vmem>>)
      %dma_wait3A_121 = arith.constant 0 : i32
      %dma_wait3A_122 = arith.constant 0 : i32
      %dma_wait3A_123 = arith.constant 104 : i32
      %dma_wait3A_124 = arith.constant 0 : i32
      %dma_wait3A_125 = tpu.memref_slice %arg6[%dma_wait3A_121, %dma_wait3A_123, %dma_wait3A_124] : memref<4x200x64xf32, #tpu.memory_space<vmem>> -> memref<1x96x64xf32, #tpu.memory_space<vmem>>
      %dma_wait3A_126 = tpu.memref_squeeze %dma_wait3A_125 : memref<1x96x64xf32, #tpu.memory_space<vmem>> -> memref<96x64xf32, #tpu.memory_space<vmem>>
      %dma_wait3A_127 = arith.constant 104 : i32
      %dma_wait3A_128 = tpu.memref_slice %arg5[%add3A_107, %dma_wait3A_127] : memref<128x200xi32, #tpu.memory_space<vmem>> -> memref<1x96xi32, #tpu.memory_space<vmem>>
      %dma_wait3A_129 = tpu.memref_squeeze %dma_wait3A_128 : memref<1x96xi32, #tpu.memory_space<vmem>> -> memref<96xi32, #tpu.memory_space<vmem>>
      %dma_wait3A_130 = arith.constant 0 : i32
      %dma_wait3A_131 = arith.constant 0 : i32
      %dma_wait3A_132 = tpu.memref_slice %arg3[%dma_wait3A_130, %dma_wait3A_131] : memref<1015808x64xf32, #tpu.memory_space<hbm>> -> memref<1015808x64xf32, #tpu.memory_space<hbm>>
      %dma_wait3A_133 = tpu.memref_slice %arg8[%dma_wait3A_122] : memref<4x!tpu.dma_semaphore, #tpu.memory_space<semaphore_mem>> -> memref<1x!tpu.dma_semaphore, #tpu.memory_space<semaphore_mem>>
      %dma_wait3A_134 = tpu.memref_squeeze %dma_wait3A_133 : memref<1x!tpu.dma_semaphore, #tpu.memory_space<semaphore_mem>> -> memref<!tpu.dma_semaphore, #tpu.memory_space<semaphore_mem>>
      tpu.wait_indirect_dma semaphore(%dma_wait3A_134 : memref<!tpu.dma_semaphore, #tpu.memory_space<semaphore_mem>>) src(%dma_wait3A_132 : memref<1015808x64xf32, #tpu.memory_space<hbm>>) dst(%dma_wait3A_126 : memref<96x64xf32, #tpu.memory_space<vmem>>)
      %add3A_135 = arith.constant 4 : i32
      %add3A_136 = arith.addi %add3A_107, %add3A_135 : i32
      %sub3A = arith.constant 1 : i32
      %sub3A_137 = arith.subi %add3A_136, %sub3A : i32
      %lt3A = arith.constant 128 : i32
      %lt3A_138 = arith.cmpi slt, %sub3A_137, %lt3A : i32
      %convert_element_type3A = arith.extui %lt3A_138 : i1 to i32
      %cond3A = arith.constant 0 : i32
      %cond3A_139 = arith.cmpi ne, %convert_element_type3A, %cond3A : i32
      scf.if %cond3A_139 {
        %add3A_942 = arith.constant 4 : i32
        %add3A_943 = arith.addi %add3A_107, %add3A_942 : i32
        %sub3A_944 = arith.constant 1 : i32
        %sub3A_945 = arith.subi %add3A_943, %sub3A_944 : i32
        %dma_start3A_946 = arith.constant 3 : i32
        %dma_start3A_947 = arith.constant 3 : i32
        %dma_start3A_948 = arith.constant 0 : i32
        %dma_start3A_949 = arith.constant 0 : i32
        %dma_start3A_950 = tpu.memref_slice %arg6[%dma_start3A_946, %dma_start3A_948, %dma_start3A_949] : memref<4x200x64xf32, #tpu.memory_space<vmem>> -> memref<1x104x64xf32, #tpu.memory_space<vmem>>
        %dma_start3A_951 = tpu.memref_squeeze %dma_start3A_950 : memref<1x104x64xf32, #tpu.memory_space<vmem>> -> memref<104x64xf32, #tpu.memory_space<vmem>>
        %dma_start3A_952 = arith.constant 0 : i32
        %dma_start3A_953 = tpu.memref_slice %arg5[%sub3A_945, %dma_start3A_952] : memref<128x200xi32, #tpu.memory_space<vmem>> -> memref<1x104xi32, #tpu.memory_space<vmem>>
        %dma_start3A_954 = tpu.memref_squeeze %dma_start3A_953 : memref<1x104xi32, #tpu.memory_space<vmem>> -> memref<104xi32, #tpu.memory_space<vmem>>
        %dma_start3A_955 = arith.constant 0 : i32
        %dma_start3A_956 = arith.constant 0 : i32
        %dma_start3A_957 = tpu.memref_slice %arg3[%dma_start3A_955, %dma_start3A_956] : memref<1015808x64xf32, #tpu.memory_space<hbm>> -> memref<1015808x64xf32, #tpu.memory_space<hbm>>
        %dma_start3A_958 = tpu.memref_slice %arg8[%dma_start3A_947] : memref<4x!tpu.dma_semaphore, #tpu.memory_space<semaphore_mem>> -> memref<1x!tpu.dma_semaphore, #tpu.memory_space<semaphore_mem>>
        %dma_start3A_959 = tpu.memref_squeeze %dma_start3A_958 : memref<1x!tpu.dma_semaphore, #tpu.memory_space<semaphore_mem>> -> memref<!tpu.dma_semaphore, #tpu.memory_space<semaphore_mem>>
        tpu.enqueue_indirect_dma source(%dma_start3A_957 : memref<1015808x64xf32, #tpu.memory_space<hbm>>) target(%dma_start3A_951 : memref<104x64xf32, #tpu.memory_space<vmem>>) offsets(%dma_start3A_954 : memref<104xi32, #tpu.memory_space<vmem>>) semaphore(%dma_start3A_959 : memref<!tpu.dma_semaphore, #tpu.memory_space<semaphore_mem>>)
        %dma_start3A_960 = arith.constant 3 : i32
        %dma_start3A_961 = arith.constant 3 : i32
        %dma_start3A_962 = arith.constant 104 : i32
        %dma_start3A_963 = arith.constant 0 : i32
        %dma_start3A_964 = tpu.memref_slice %arg6[%dma_start3A_960, %dma_start3A_962, %dma_start3A_963] : memref<4x200x64xf32, #tpu.memory_space<vmem>> -> memref<1x96x64xf32, #tpu.memory_space<vmem>>
        %dma_start3A_965 = tpu.memref_squeeze %dma_start3A_964 : memref<1x96x64xf32, #tpu.memory_space<vmem>> -> memref<96x64xf32, #tpu.memory_space<vmem>>
        %dma_start3A_966 = arith.constant 104 : i32
        %dma_start3A_967 = tpu.memref_slice %arg5[%sub3A_945, %dma_start3A_966] : memref<128x200xi32, #tpu.memory_space<vmem>> -> memref<1x96xi32, #tpu.memory_space<vmem>>
        %dma_start3A_968 = tpu.memref_squeeze %dma_start3A_967 : memref<1x96xi32, #tpu.memory_space<vmem>> -> memref<96xi32, #tpu.memory_space<vmem>>
        %dma_start3A_969 = arith.constant 0 : i32
        %dma_start3A_970 = arith.constant 0 : i32
        %dma_start3A_971 = tpu.memref_slice %arg3[%dma_start3A_969, %dma_start3A_970] : memref<1015808x64xf32, #tpu.memory_space<hbm>> -> memref<1015808x64xf32, #tpu.memory_space<hbm>>
        %dma_start3A_972 = tpu.memref_slice %arg8[%dma_start3A_961] : memref<4x!tpu.dma_semaphore, #tpu.memory_space<semaphore_mem>> -> memref<1x!tpu.dma_semaphore, #tpu.memory_space<semaphore_mem>>
        %dma_start3A_973 = tpu.memref_squeeze %dma_start3A_972 : memref<1x!tpu.dma_semaphore, #tpu.memory_space<semaphore_mem>> -> memref<!tpu.dma_semaphore, #tpu.memory_space<semaphore_mem>>
        tpu.enqueue_indirect_dma source(%dma_start3A_971 : memref<1015808x64xf32, #tpu.memory_space<hbm>>) target(%dma_start3A_965 : memref<96x64xf32, #tpu.memory_space<vmem>>) offsets(%dma_start3A_968 : memref<96xi32, #tpu.memory_space<vmem>>) semaphore(%dma_start3A_973 : memref<!tpu.dma_semaphore, #tpu.memory_space<semaphore_mem>>)
      } else {
      }
      %broadcast_in_dim3A = arith.constant 0 : i32
      %broadcast_in_dim3A_140 = vector.broadcast %broadcast_in_dim3A : i32 to vector<16xi32>
      %get3A = arith.constant 0 : i32
      %get3A_141 = tpu.memref_slice %arg5[%add3A_107, %get3A] : memref<128x200xi32, #tpu.memory_space<vmem>> -> memref<1x200xi32, #tpu.memory_space<vmem>>
      %get3A_142 = tpu.memref_squeeze %get3A_141 : memref<1x200xi32, #tpu.memory_space<vmem>> -> memref<200xi32, #tpu.memory_space<vmem>>
      %get3A_143 = arith.constant 0 : index
      %get3A_144 = tpu.vector_load %get3A_142[%get3A_143] {strides = array<i32>} : memref<200xi32, #tpu.memory_space<vmem>>, vector<16xi32>,
      %ne3A = arith.constant 0 : i32
      %ne3A_145 = vector.broadcast %ne3A : i32 to vector<16xi32>
      %ne3A_146 = arith.cmpi ne, %get3A_144, %ne3A_145 : vector<16xi32>
      %all_reduce_population_count3A = tpu.all_reduce %ne3A_146 {dim = 0 : i64, kind = #tpu.reduction_kind<sum>} : vector<16xi1> -> vector<16xi32>
      %add3A_147 = arith.addi %broadcast_in_dim3A_140, %all_reduce_population_count3A : vector<16xi32>
      %get3A_148 = arith.constant 0 : i32
      %get3A_149 = tpu.memref_slice %arg5[%add3A_107, %get3A_148] : memref<128x200xi32, #tpu.memory_space<vmem>> -> memref<1x200xi32, #tpu.memory_space<vmem>>
      %get3A_150 = tpu.memref_squeeze %get3A_149 : memref<1x200xi32, #tpu.memory_space<vmem>> -> memref<200xi32, #tpu.memory_space<vmem>>
      %get3A_151 = arith.constant 16 : index
      %get3A_152 = tpu.vector_load %get3A_150[%get3A_151] {strides = array<i32>} : memref<200xi32, #tpu.memory_space<vmem>>, vector<16xi32>,
      %ne3A_153 = arith.constant 0 : i32
      %ne3A_154 = vector.broadcast %ne3A_153 : i32 to vector<16xi32>
      %ne3A_155 = arith.cmpi ne, %get3A_152, %ne3A_154 : vector<16xi32>
      %all_reduce_population_count3A_156 = tpu.all_reduce %ne3A_155 {dim = 0 : i64, kind = #tpu.reduction_kind<sum>} : vector<16xi1> -> vector<16xi32>
      %add3A_157 = arith.addi %add3A_147, %all_reduce_population_count3A_156 : vector<16xi32>
      %get3A_158 = arith.constant 0 : i32
      %get3A_159 = tpu.memref_slice %arg5[%add3A_107, %get3A_158] : memref<128x200xi32, #tpu.memory_space<vmem>> -> memref<1x200xi32, #tpu.memory_space<vmem>>
      %get3A_160 = tpu.memref_squeeze %get3A_159 : memref<1x200xi32, #tpu.memory_space<vmem>> -> memref<200xi32, #tpu.memory_space<vmem>>
      %get3A_161 = arith.constant 32 : index
      %get3A_162 = tpu.vector_load %get3A_160[%get3A_161] {strides = array<i32>} : memref<200xi32, #tpu.memory_space<vmem>>, vector<16xi32>,
      %ne3A_163 = arith.constant 0 : i32
      %ne3A_164 = vector.broadcast %ne3A_163 : i32 to vector<16xi32>
      %ne3A_165 = arith.cmpi ne, %get3A_162, %ne3A_164 : vector<16xi32>
      %all_reduce_population_count3A_166 = tpu.all_reduce %ne3A_165 {dim = 0 : i64, kind = #tpu.reduction_kind<sum>} : vector<16xi1> -> vector<16xi32>
      %add3A_167 = arith.addi %add3A_157, %all_reduce_population_count3A_166 : vector<16xi32>
      %get3A_168 = arith.constant 0 : i32
      %get3A_169 = tpu.memref_slice %arg5[%add3A_107, %get3A_168] : memref<128x200xi32, #tpu.memory_space<vmem>> -> memref<1x200xi32, #tpu.memory_space<vmem>>
      %get3A_170 = tpu.memref_squeeze %get3A_169 : memref<1x200xi32, #tpu.memory_space<vmem>> -> memref<200xi32, #tpu.memory_space<vmem>>
      %get3A_171 = arith.constant 48 : index
      %get3A_172 = tpu.vector_load %get3A_170[%get3A_171] {strides = array<i32>} : memref<200xi32, #tpu.memory_space<vmem>>, vector<16xi32>,
      %ne3A_173 = arith.constant 0 : i32
      %ne3A_174 = vector.broadcast %ne3A_173 : i32 to vector<16xi32>
      %ne3A_175 = arith.cmpi ne, %get3A_172, %ne3A_174 : vector<16xi32>
      %all_reduce_population_count3A_176 = tpu.all_reduce %ne3A_175 {dim = 0 : i64, kind = #tpu.reduction_kind<sum>} : vector<16xi1> -> vector<16xi32>
      %add3A_177 = arith.addi %add3A_167, %all_reduce_population_count3A_176 : vector<16xi32>
      %get3A_178 = arith.constant 0 : i32
      %get3A_179 = tpu.memref_slice %arg5[%add3A_107, %get3A_178] : memref<128x200xi32, #tpu.memory_space<vmem>> -> memref<1x200xi32, #tpu.memory_space<vmem>>
      %get3A_180 = tpu.memref_squeeze %get3A_179 : memref<1x200xi32, #tpu.memory_space<vmem>> -> memref<200xi32, #tpu.memory_space<vmem>>
      %get3A_181 = arith.constant 64 : index
      %get3A_182 = tpu.vector_load %get3A_180[%get3A_181] {strides = array<i32>} : memref<200xi32, #tpu.memory_space<vmem>>, vector<16xi32>,
      %ne3A_183 = arith.constant 0 : i32
      %ne3A_184 = vector.broadcast %ne3A_183 : i32 to vector<16xi32>
      %ne3A_185 = arith.cmpi ne, %get3A_182, %ne3A_184 : vector<16xi32>
      %all_reduce_population_count3A_186 = tpu.all_reduce %ne3A_185 {dim = 0 : i64, kind = #tpu.reduction_kind<sum>} : vector<16xi1> -> vector<16xi32>
      %add3A_187 = arith.addi %add3A_177, %all_reduce_population_count3A_186 : vector<16xi32>
      %get3A_188 = arith.constant 0 : i32
      %get3A_189 = tpu.memref_slice %arg5[%add3A_107, %get3A_188] : memref<128x200xi32, #tpu.memory_space<vmem>> -> memref<1x200xi32, #tpu.memory_space<vmem>>
      %get3A_190 = tpu.memref_squeeze %get3A_189 : memref<1x200xi32, #tpu.memory_space<vmem>> -> memref<200xi32, #tpu.memory_space<vmem>>
      %get3A_191 = arith.constant 80 : index
      %get3A_192 = tpu.vector_load %get3A_190[%get3A_191] {strides = array<i32>} : memref<200xi32, #tpu.memory_space<vmem>>, vector<16xi32>,
      %ne3A_193 = arith.constant 0 : i32
      %ne3A_194 = vector.broadcast %ne3A_193 : i32 to vector<16xi32>
      %ne3A_195 = arith.cmpi ne, %get3A_192, %ne3A_194 : vector<16xi32>
      %all_reduce_population_count3A_196 = tpu.all_reduce %ne3A_195 {dim = 0 : i64, kind = #tpu.reduction_kind<sum>} : vector<16xi1> -> vector<16xi32>
      %add3A_197 = arith.addi %add3A_187, %all_reduce_population_count3A_196 : vector<16xi32>
      %get3A_198 = arith.constant 0 : i32
      %get3A_199 = tpu.memref_slice %arg5[%add3A_107, %get3A_198] : memref<128x200xi32, #tpu.memory_space<vmem>> -> memref<1x200xi32, #tpu.memory_space<vmem>>
      %get3A_200 = tpu.memref_squeeze %get3A_199 : memref<1x200xi32, #tpu.memory_space<vmem>> -> memref<200xi32, #tpu.memory_space<vmem>>
      %get3A_201 = arith.constant 96 : index
      %get3A_202 = tpu.vector_load %get3A_200[%get3A_201] {strides = array<i32>} : memref<200xi32, #tpu.memory_space<vmem>>, vector<16xi32>,
      %ne3A_203 = arith.constant 0 : i32
      %ne3A_204 = vector.broadcast %ne3A_203 : i32 to vector<16xi32>
      %ne3A_205 = arith.cmpi ne, %get3A_202, %ne3A_204 : vector<16xi32>
      %all_reduce_population_count3A_206 = tpu.all_reduce %ne3A_205 {dim = 0 : i64, kind = #tpu.reduction_kind<sum>} : vector<16xi1> -> vector<16xi32>
      %add3A_207 = arith.addi %add3A_197, %all_reduce_population_count3A_206 : vector<16xi32>
      %get3A_208 = arith.constant 0 : i32
      %get3A_209 = tpu.memref_slice %arg5[%add3A_107, %get3A_208] : memref<128x200xi32, #tpu.memory_space<vmem>> -> memref<1x200xi32, #tpu.memory_space<vmem>>
      %get3A_210 = tpu.memref_squeeze %get3A_209 : memref<1x200xi32, #tpu.memory_space<vmem>> -> memref<200xi32, #tpu.memory_space<vmem>>
      %get3A_211 = arith.constant 112 : index
      %get3A_212 = tpu.vector_load %get3A_210[%get3A_211] {strides = array<i32>} : memref<200xi32, #tpu.memory_space<vmem>>, vector<16xi32>,
      %ne3A_213 = arith.constant 0 : i32
      %ne3A_214 = vector.broadcast %ne3A_213 : i32 to vector<16xi32>
      %ne3A_215 = arith.cmpi ne, %get3A_212, %ne3A_214 : vector<16xi32>
      %all_reduce_population_count3A_216 = tpu.all_reduce %ne3A_215 {dim = 0 : i64, kind = #tpu.reduction_kind<sum>} : vector<16xi1> -> vector<16xi32>
      %add3A_217 = arith.addi %add3A_207, %all_reduce_population_count3A_216 : vector<16xi32>
      %get3A_218 = arith.constant 0 : i32
      %get3A_219 = tpu.memref_slice %arg5[%add3A_107, %get3A_218] : memref<128x200xi32, #tpu.memory_space<vmem>> -> memref<1x200xi32, #tpu.memory_space<vmem>>
      %get3A_220 = tpu.memref_squeeze %get3A_219 : memref<1x200xi32, #tpu.memory_space<vmem>> -> memref<200xi32, #tpu.memory_space<vmem>>
      %get3A_221 = arith.constant 128 : index
      %get3A_222 = tpu.vector_load %get3A_220[%get3A_221] {strides = array<i32>} : memref<200xi32, #tpu.memory_space<vmem>>, vector<16xi32>,
      %ne3A_223 = arith.constant 0 : i32
      %ne3A_224 = vector.broadcast %ne3A_223 : i32 to vector<16xi32>
      %ne3A_225 = arith.cmpi ne, %get3A_222, %ne3A_224 : vector<16xi32>
      %all_reduce_population_count3A_226 = tpu.all_reduce %ne3A_225 {dim = 0 : i64, kind = #tpu.reduction_kind<sum>} : vector<16xi1> -> vector<16xi32>
      %add3A_227 = arith.addi %add3A_217, %all_reduce_population_count3A_226 : vector<16xi32>
      %get3A_228 = arith.constant 0 : i32
      %get3A_229 = tpu.memref_slice %arg5[%add3A_107, %get3A_228] : memref<128x200xi32, #tpu.memory_space<vmem>> -> memref<1x200xi32, #tpu.memory_space<vmem>>
      %get3A_230 = tpu.memref_squeeze %get3A_229 : memref<1x200xi32, #tpu.memory_space<vmem>> -> memref<200xi32, #tpu.memory_space<vmem>>
      %get3A_231 = arith.constant 144 : index
      %get3A_232 = tpu.vector_load %get3A_230[%get3A_231] {strides = array<i32>} : memref<200xi32, #tpu.memory_space<vmem>>, vector<16xi32>,
      %ne3A_233 = arith.constant 0 : i32
      %ne3A_234 = vector.broadcast %ne3A_233 : i32 to vector<16xi32>
      %ne3A_235 = arith.cmpi ne, %get3A_232, %ne3A_234 : vector<16xi32>
      %all_reduce_population_count3A_236 = tpu.all_reduce %ne3A_235 {dim = 0 : i64, kind = #tpu.reduction_kind<sum>} : vector<16xi1> -> vector<16xi32>
      %add3A_237 = arith.addi %add3A_227, %all_reduce_population_count3A_236 : vector<16xi32>
      %get3A_238 = arith.constant 0 : i32
      %get3A_239 = tpu.memref_slice %arg5[%add3A_107, %get3A_238] : memref<128x200xi32, #tpu.memory_space<vmem>> -> memref<1x200xi32, #tpu.memory_space<vmem>>
      %get3A_240 = tpu.memref_squeeze %get3A_239 : memref<1x200xi32, #tpu.memory_space<vmem>> -> memref<200xi32, #tpu.memory_space<vmem>>
      %get3A_241 = arith.constant 160 : index
      %get3A_242 = tpu.vector_load %get3A_240[%get3A_241] {strides = array<i32>} : memref<200xi32, #tpu.memory_space<vmem>>, vector<16xi32>,
      %ne3A_243 = arith.constant 0 : i32
      %ne3A_244 = vector.broadcast %ne3A_243 : i32 to vector<16xi32>
      %ne3A_245 = arith.cmpi ne, %get3A_242, %ne3A_244 : vector<16xi32>
      %all_reduce_population_count3A_246 = tpu.all_reduce %ne3A_245 {dim = 0 : i64, kind = #tpu.reduction_kind<sum>} : vector<16xi1> -> vector<16xi32>
      %add3A_247 = arith.addi %add3A_237, %all_reduce_population_count3A_246 : vector<16xi32>
      %get3A_248 = arith.constant 0 : i32
      %get3A_249 = tpu.memref_slice %arg5[%add3A_107, %get3A_248] : memref<128x200xi32, #tpu.memory_space<vmem>> -> memref<1x200xi32, #tpu.memory_space<vmem>>
      %get3A_250 = tpu.memref_squeeze %get3A_249 : memref<1x200xi32, #tpu.memory_space<vmem>> -> memref<200xi32, #tpu.memory_space<vmem>>
      %get3A_251 = arith.constant 176 : index
      %get3A_252 = tpu.vector_load %get3A_250[%get3A_251] {strides = array<i32>} : memref<200xi32, #tpu.memory_space<vmem>>, vector<16xi32>,
      %ne3A_253 = arith.constant 0 : i32
      %ne3A_254 = vector.broadcast %ne3A_253 : i32 to vector<16xi32>
      %ne3A_255 = arith.cmpi ne, %get3A_252, %ne3A_254 : vector<16xi32>
      %all_reduce_population_count3A_256 = tpu.all_reduce %ne3A_255 {dim = 0 : i64, kind = #tpu.reduction_kind<sum>} : vector<16xi1> -> vector<16xi32>
      %add3A_257 = arith.addi %add3A_247, %all_reduce_population_count3A_256 : vector<16xi32>
      %get3A_258 = arith.constant 0 : i32
      %get3A_259 = tpu.memref_slice %arg5[%add3A_107, %get3A_258] : memref<128x200xi32, #tpu.memory_space<vmem>> -> memref<1x200xi32, #tpu.memory_space<vmem>>
      %get3A_260 = tpu.memref_squeeze %get3A_259 : memref<1x200xi32, #tpu.memory_space<vmem>> -> memref<200xi32, #tpu.memory_space<vmem>>
      %get3A_261 = arith.constant 184 : index
      %get3A_262 = tpu.vector_load %get3A_260[%get3A_261] {strides = array<i32>} : memref<200xi32, #tpu.memory_space<vmem>>, vector<16xi32>,
      %iota3A_263 = tpu.iota {dimensions = array<i32: 0>} : vector<16xi32>
      %ne3A_264 = arith.constant 0 : i32
      %ne3A_265 = vector.broadcast %ne3A_264 : i32 to vector<16xi32>
      %ne3A_266 = arith.cmpi ne, %get3A_262, %ne3A_265 : vector<16xi32>
      %ge3A = arith.constant 8 : i32
      %ge3A_267 = vector.broadcast %ge3A : i32 to vector<16xi32>
      %ge3A_268 = arith.cmpi sge, %iota3A_263, %ge3A_267 : vector<16xi32>
      %and3A = arith.andi %ne3A_266, %ge3A_268 : vector<16xi1>
      %all_reduce_population_count3A_269 = tpu.all_reduce %and3A {dim = 0 : i64, kind = #tpu.reduction_kind<sum>} : vector<16xi1> -> vector<16xi32>
      %add3A_270 = arith.addi %add3A_257, %all_reduce_population_count3A_269 : vector<16xi32>
      %convert_element_type3A_271 = arith.sitofp %add3A_270 : vector<16xi32> to vector<16xf32>
      %max3A = arith.constant 9.99999997E-7 : f32
      %max3A_272 = vector.broadcast %max3A : f32 to vector<16xf32>
      %max3A_273 = arith.maximumf %convert_element_type3A_271, %max3A_272 : vector<16xf32>
      %div3A = arith.constant 1.000000e+00 : f32
      %div3A_274 = vector.broadcast %div3A : f32 to vector<16xf32>
      %div3A_275 = arith.divf %div3A_274, %max3A_273 : vector<16xf32>
      %broadcast_in_dim3A_276 = arith.constant 0.000000e+00 : f32
      %broadcast_in_dim3A_277 = vector.broadcast %broadcast_in_dim3A_276 : f32 to vector<16xf32>
      %scan3A_278 = arith.constant 0 : i32
      %scan3A_279 = arith.constant 25 : i32
      %scan3A_280 = arith.addi %scan3A_278, %scan3A_279 : i32
      %scan3A_281 = arith.constant 1 : i32
      %scan3A_282:8 = scf.for %scan3A_942 = %scan3A_278 to %scan3A_280 step %scan3A_281 iter_args(%scan3A_943 = %broadcast_in_dim3A_277, %scan3A_944 = %broadcast_in_dim3A_277, %scan3A_945 = %broadcast_in_dim3A_277, %scan3A_946 = %broadcast_in_dim3A_277, %scan3A_947 = %broadcast_in_dim3A_277, %scan3A_948 = %broadcast_in_dim3A_277, %scan3A_949 = %broadcast_in_dim3A_277, %scan3A_950 = %broadcast_in_dim3A_277) -> (vector<16xf32>, vector<16xf32>, vector<16xf32>, vector<16xf32>, vector<16xf32>, vector<16xf32>, vector<16xf32>, vector<16xf32>)  : i32 {
        %mul3A_951 = arith.constant 8 : i32
        %mul3A_952 = arith.muli %scan3A_942, %mul3A_951 : i32
        %add3A_953 = arith.constant 0 : i32
        %add3A_954 = arith.addi %mul3A_952, %add3A_953 : i32
        %get3A_955 = arith.constant 0 : i32
        %get3A_956 = arith.index_cast %get3A_955 : i32 to index
        %get3A_957 = arith.index_cast %add3A_954 : i32 to index
        %get3A_958 = arith.constant 0 : index
        %get3A_959 = tpu.vector_load %arg6[%get3A_956, %get3A_957, %get3A_958] {strides = array<i32>} : memref<4x200x64xf32, #tpu.memory_space<vmem>>, vector<16xf32>,
        %add3A_960 = arith.addf %scan3A_943, %get3A_959 : vector<16xf32>
        %get3A_961 = arith.constant 0 : i32
        %get3A_962 = arith.index_cast %get3A_961 : i32 to index
        %get3A_963 = arith.index_cast %add3A_954 : i32 to index
        %get3A_964 = arith.constant 16 : index
        %get3A_965 = tpu.vector_load %arg6[%get3A_962, %get3A_963, %get3A_964] {strides = array<i32>} : memref<4x200x64xf32, #tpu.memory_space<vmem>>, vector<16xf32>,
        %add3A_966 = arith.addf %scan3A_944, %get3A_965 : vector<16xf32>
        %get3A_967 = arith.constant 0 : i32
        %get3A_968 = arith.index_cast %get3A_967 : i32 to index
        %get3A_969 = arith.index_cast %add3A_954 : i32 to index
        %get3A_970 = arith.constant 32 : index
        %get3A_971 = tpu.vector_load %arg6[%get3A_968, %get3A_969, %get3A_970] {strides = array<i32>} : memref<4x200x64xf32, #tpu.memory_space<vmem>>, vector<16xf32>,
        %add3A_972 = arith.addf %scan3A_945, %get3A_971 : vector<16xf32>
        %get3A_973 = arith.constant 0 : i32
        %get3A_974 = arith.index_cast %get3A_973 : i32 to index
        %get3A_975 = arith.index_cast %add3A_954 : i32 to index
        %get3A_976 = arith.constant 48 : index
        %get3A_977 = tpu.vector_load %arg6[%get3A_974, %get3A_975, %get3A_976] {strides = array<i32>} : memref<4x200x64xf32, #tpu.memory_space<vmem>>, vector<16xf32>,
        %add3A_978 = arith.addf %scan3A_946, %get3A_977 : vector<16xf32>
        %mul3A_979 = arith.constant 8 : i32
        %mul3A_980 = arith.muli %scan3A_942, %mul3A_979 : i32
        %add3A_981 = arith.constant 1 : i32
        %add3A_982 = arith.addi %mul3A_980, %add3A_981 : i32
        %get3A_983 = arith.constant 0 : i32
        %get3A_984 = arith.index_cast %get3A_983 : i32 to index
        %get3A_985 = arith.index_cast %add3A_982 : i32 to index
        %get3A_986 = arith.constant 0 : index
        %get3A_987 = tpu.vector_load %arg6[%get3A_984, %get3A_985, %get3A_986] {strides = array<i32>} : memref<4x200x64xf32, #tpu.memory_space<vmem>>, vector<16xf32>,
        %add3A_988 = arith.addf %scan3A_947, %get3A_987 : vector<16xf32>
        %get3A_989 = arith.constant 0 : i32
        %get3A_990 = arith.index_cast %get3A_989 : i32 to index
        %get3A_991 = arith.index_cast %add3A_982 : i32 to index
        %get3A_992 = arith.constant 16 : index
        %get3A_993 = tpu.vector_load %arg6[%get3A_990, %get3A_991, %get3A_992] {strides = array<i32>} : memref<4x200x64xf32, #tpu.memory_space<vmem>>, vector<16xf32>,
        %add3A_994 = arith.addf %scan3A_948, %get3A_993 : vector<16xf32>
        %get3A_995 = arith.constant 0 : i32
        %get3A_996 = arith.index_cast %get3A_995 : i32 to index
        %get3A_997 = arith.index_cast %add3A_982 : i32 to index
        %get3A_998 = arith.constant 32 : index
        %get3A_999 = tpu.vector_load %arg6[%get3A_996, %get3A_997, %get3A_998] {strides = array<i32>} : memref<4x200x64xf32, #tpu.memory_space<vmem>>, vector<16xf32>,
        %add3A_1000 = arith.addf %scan3A_949, %get3A_999 : vector<16xf32>
        %get3A_1001 = arith.constant 0 : i32
        %get3A_1002 = arith.index_cast %get3A_1001 : i32 to index
        %get3A_1003 = arith.index_cast %add3A_982 : i32 to index
        %get3A_1004 = arith.constant 48 : index
        %get3A_1005 = tpu.vector_load %arg6[%get3A_1002, %get3A_1003, %get3A_1004] {strides = array<i32>} : memref<4x200x64xf32, #tpu.memory_space<vmem>>, vector<16xf32>,
        %add3A_1006 = arith.addf %scan3A_950, %get3A_1005 : vector<16xf32>
        %mul3A_1007 = arith.constant 8 : i32
        %mul3A_1008 = arith.muli %scan3A_942, %mul3A_1007 : i32
        %add3A_1009 = arith.constant 2 : i32
        %add3A_1010 = arith.addi %mul3A_1008, %add3A_1009 : i32
        %get3A_1011 = arith.constant 0 : i32
        %get3A_1012 = arith.index_cast %get3A_1011 : i32 to index
        %get3A_1013 = arith.index_cast %add3A_1010 : i32 to index
        %get3A_1014 = arith.constant 0 : index
        %get3A_1015 = tpu.vector_load %arg6[%get3A_1012, %get3A_1013, %get3A_1014] {strides = array<i32>} : memref<4x200x64xf32, #tpu.memory_space<vmem>>, vector<16xf32>,
        %add3A_1016 = arith.addf %add3A_960, %get3A_1015 : vector<16xf32>
        %get3A_1017 = arith.constant 0 : i32
        %get3A_1018 = arith.index_cast %get3A_1017 : i32 to index
        %get3A_1019 = arith.index_cast %add3A_1010 : i32 to index
        %get3A_1020 = arith.constant 16 : index
        %get3A_1021 = tpu.vector_load %arg6[%get3A_1018, %get3A_1019, %get3A_1020] {strides = array<i32>} : memref<4x200x64xf32, #tpu.memory_space<vmem>>, vector<16xf32>,
        %add3A_1022 = arith.addf %add3A_966, %get3A_1021 : vector<16xf32>
        %get3A_1023 = arith.constant 0 : i32
        %get3A_1024 = arith.index_cast %get3A_1023 : i32 to index
        %get3A_1025 = arith.index_cast %add3A_1010 : i32 to index
        %get3A_1026 = arith.constant 32 : index
        %get3A_1027 = tpu.vector_load %arg6[%get3A_1024, %get3A_1025, %get3A_1026] {strides = array<i32>} : memref<4x200x64xf32, #tpu.memory_space<vmem>>, vector<16xf32>,
        %add3A_1028 = arith.addf %add3A_972, %get3A_1027 : vector<16xf32>
        %get3A_1029 = arith.constant 0 : i32
        %get3A_1030 = arith.index_cast %get3A_1029 : i32 to index
        %get3A_1031 = arith.index_cast %add3A_1010 : i32 to index
        %get3A_1032 = arith.constant 48 : index
        %get3A_1033 = tpu.vector_load %arg6[%get3A_1030, %get3A_1031, %get3A_1032] {strides = array<i32>} : memref<4x200x64xf32, #tpu.memory_space<vmem>>, vector<16xf32>,
        %add3A_1034 = arith.addf %add3A_978, %get3A_1033 : vector<16xf32>
        %mul3A_1035 = arith.constant 8 : i32
        %mul3A_1036 = arith.muli %scan3A_942, %mul3A_1035 : i32
        %add3A_1037 = arith.constant 3 : i32
        %add3A_1038 = arith.addi %mul3A_1036, %add3A_1037 : i32
        %get3A_1039 = arith.constant 0 : i32
        %get3A_1040 = arith.index_cast %get3A_1039 : i32 to index
        %get3A_1041 = arith.index_cast %add3A_1038 : i32 to index
        %get3A_1042 = arith.constant 0 : index
        %get3A_1043 = tpu.vector_load %arg6[%get3A_1040, %get3A_1041, %get3A_1042] {strides = array<i32>} : memref<4x200x64xf32, #tpu.memory_space<vmem>>, vector<16xf32>,
        %add3A_1044 = arith.addf %add3A_988, %get3A_1043 : vector<16xf32>
        %get3A_1045 = arith.constant 0 : i32
        %get3A_1046 = arith.index_cast %get3A_1045 : i32 to index
        %get3A_1047 = arith.index_cast %add3A_1038 : i32 to index
        %get3A_1048 = arith.constant 16 : index
        %get3A_1049 = tpu.vector_load %arg6[%get3A_1046, %get3A_1047, %get3A_1048] {strides = array<i32>} : memref<4x200x64xf32, #tpu.memory_space<vmem>>, vector<16xf32>,
        %add3A_1050 = arith.addf %add3A_994, %get3A_1049 : vector<16xf32>
        %get3A_1051 = arith.constant 0 : i32
        %get3A_1052 = arith.index_cast %get3A_1051 : i32 to index
        %get3A_1053 = arith.index_cast %add3A_1038 : i32 to index
        %get3A_1054 = arith.constant 32 : index
        %get3A_1055 = tpu.vector_load %arg6[%get3A_1052, %get3A_1053, %get3A_1054] {strides = array<i32>} : memref<4x200x64xf32, #tpu.memory_space<vmem>>, vector<16xf32>,
        %add3A_1056 = arith.addf %add3A_1000, %get3A_1055 : vector<16xf32>
        %get3A_1057 = arith.constant 0 : i32
        %get3A_1058 = arith.index_cast %get3A_1057 : i32 to index
        %get3A_1059 = arith.index_cast %add3A_1038 : i32 to index
        %get3A_1060 = arith.constant 48 : index
        %get3A_1061 = tpu.vector_load %arg6[%get3A_1058, %get3A_1059, %get3A_1060] {strides = array<i32>} : memref<4x200x64xf32, #tpu.memory_space<vmem>>, vector<16xf32>,
        %add3A_1062 = arith.addf %add3A_1006, %get3A_1061 : vector<16xf32>
        %mul3A_1063 = arith.constant 8 : i32
        %mul3A_1064 = arith.muli %scan3A_942, %mul3A_1063 : i32
        %add3A_1065 = arith.constant 4 : i32
        %add3A_1066 = arith.addi %mul3A_1064, %add3A_1065 : i32
        %get3A_1067 = arith.constant 0 : i32
        %get3A_1068 = arith.index_cast %get3A_1067 : i32 to index
        %get3A_1069 = arith.index_cast %add3A_1066 : i32 to index
        %get3A_1070 = arith.constant 0 : index
        %get3A_1071 = tpu.vector_load %arg6[%get3A_1068, %get3A_1069, %get3A_1070] {strides = array<i32>} : memref<4x200x64xf32, #tpu.memory_space<vmem>>, vector<16xf32>,
        %add3A_1072 = arith.addf %add3A_1016, %get3A_1071 : vector<16xf32>
        %get3A_1073 = arith.constant 0 : i32
        %get3A_1074 = arith.index_cast %get3A_1073 : i32 to index
        %get3A_1075 = arith.index_cast %add3A_1066 : i32 to index
        %get3A_1076 = arith.constant 16 : index
        %get3A_1077 = tpu.vector_load %arg6[%get3A_1074, %get3A_1075, %get3A_1076] {strides = array<i32>} : memref<4x200x64xf32, #tpu.memory_space<vmem>>, vector<16xf32>,
        %add3A_1078 = arith.addf %add3A_1022, %get3A_1077 : vector<16xf32>
        %get3A_1079 = arith.constant 0 : i32
        %get3A_1080 = arith.index_cast %get3A_1079 : i32 to index
        %get3A_1081 = arith.index_cast %add3A_1066 : i32 to index
        %get3A_1082 = arith.constant 32 : index
        %get3A_1083 = tpu.vector_load %arg6[%get3A_1080, %get3A_1081, %get3A_1082] {strides = array<i32>} : memref<4x200x64xf32, #tpu.memory_space<vmem>>, vector<16xf32>,
        %add3A_1084 = arith.addf %add3A_1028, %get3A_1083 : vector<16xf32>
        %get3A_1085 = arith.constant 0 : i32
        %get3A_1086 = arith.index_cast %get3A_1085 : i32 to index
        %get3A_1087 = arith.index_cast %add3A_1066 : i32 to index
        %get3A_1088 = arith.constant 48 : index
        %get3A_1089 = tpu.vector_load %arg6[%get3A_1086, %get3A_1087, %get3A_1088] {strides = array<i32>} : memref<4x200x64xf32, #tpu.memory_space<vmem>>, vector<16xf32>,
        %add3A_1090 = arith.addf %add3A_1034, %get3A_1089 : vector<16xf32>
        %mul3A_1091 = arith.constant 8 : i32
        %mul3A_1092 = arith.muli %scan3A_942, %mul3A_1091 : i32
        %add3A_1093 = arith.constant 5 : i32
        %add3A_1094 = arith.addi %mul3A_1092, %add3A_1093 : i32
        %get3A_1095 = arith.constant 0 : i32
        %get3A_1096 = arith.index_cast %get3A_1095 : i32 to index
        %get3A_1097 = arith.index_cast %add3A_1094 : i32 to index
        %get3A_1098 = arith.constant 0 : index
        %get3A_1099 = tpu.vector_load %arg6[%get3A_1096, %get3A_1097, %get3A_1098] {strides = array<i32>} : memref<4x200x64xf32, #tpu.memory_space<vmem>>, vector<16xf32>,
        %add3A_1100 = arith.addf %add3A_1044, %get3A_1099 : vector<16xf32>
        %get3A_1101 = arith.constant 0 : i32
        %get3A_1102 = arith.index_cast %get3A_1101 : i32 to index
        %get3A_1103 = arith.index_cast %add3A_1094 : i32 to index
        %get3A_1104 = arith.constant 16 : index
        %get3A_1105 = tpu.vector_load %arg6[%get3A_1102, %get3A_1103, %get3A_1104] {strides = array<i32>} : memref<4x200x64xf32, #tpu.memory_space<vmem>>, vector<16xf32>,
        %add3A_1106 = arith.addf %add3A_1050, %get3A_1105 : vector<16xf32>
        %get3A_1107 = arith.constant 0 : i32
        %get3A_1108 = arith.index_cast %get3A_1107 : i32 to index
        %get3A_1109 = arith.index_cast %add3A_1094 : i32 to index
        %get3A_1110 = arith.constant 32 : index
        %get3A_1111 = tpu.vector_load %arg6[%get3A_1108, %get3A_1109, %get3A_1110] {strides = array<i32>} : memref<4x200x64xf32, #tpu.memory_space<vmem>>, vector<16xf32>,
        %add3A_1112 = arith.addf %add3A_1056, %get3A_1111 : vector<16xf32>
        %get3A_1113 = arith.constant 0 : i32
        %get3A_1114 = arith.index_cast %get3A_1113 : i32 to index
        %get3A_1115 = arith.index_cast %add3A_1094 : i32 to index
        %get3A_1116 = arith.constant 48 : index
        %get3A_1117 = tpu.vector_load %arg6[%get3A_1114, %get3A_1115, %get3A_1116] {strides = array<i32>} : memref<4x200x64xf32, #tpu.memory_space<vmem>>, vector<16xf32>,
        %add3A_1118 = arith.addf %add3A_1062, %get3A_1117 : vector<16xf32>
        %mul3A_1119 = arith.constant 8 : i32
        %mul3A_1120 = arith.muli %scan3A_942, %mul3A_1119 : i32
        %add3A_1121 = arith.constant 6 : i32
        %add3A_1122 = arith.addi %mul3A_1120, %add3A_1121 : i32
        %get3A_1123 = arith.constant 0 : i32
        %get3A_1124 = arith.index_cast %get3A_1123 : i32 to index
        %get3A_1125 = arith.index_cast %add3A_1122 : i32 to index
        %get3A_1126 = arith.constant 0 : index
        %get3A_1127 = tpu.vector_load %arg6[%get3A_1124, %get3A_1125, %get3A_1126] {strides = array<i32>} : memref<4x200x64xf32, #tpu.memory_space<vmem>>, vector<16xf32>,
        %add3A_1128 = arith.addf %add3A_1072, %get3A_1127 : vector<16xf32>
        %get3A_1129 = arith.constant 0 : i32
        %get3A_1130 = arith.index_cast %get3A_1129 : i32 to index
        %get3A_1131 = arith.index_cast %add3A_1122 : i32 to index
        %get3A_1132 = arith.constant 16 : index
        %get3A_1133 = tpu.vector_load %arg6[%get3A_1130, %get3A_1131, %get3A_1132] {strides = array<i32>} : memref<4x200x64xf32, #tpu.memory_space<vmem>>, vector<16xf32>,
        %add3A_1134 = arith.addf %add3A_1078, %get3A_1133 : vector<16xf32>
        %get3A_1135 = arith.constant 0 : i32
        %get3A_1136 = arith.index_cast %get3A_1135 : i32 to index
        %get3A_1137 = arith.index_cast %add3A_1122 : i32 to index
        %get3A_1138 = arith.constant 32 : index
        %get3A_1139 = tpu.vector_load %arg6[%get3A_1136, %get3A_1137, %get3A_1138] {strides = array<i32>} : memref<4x200x64xf32, #tpu.memory_space<vmem>>, vector<16xf32>,
        %add3A_1140 = arith.addf %add3A_1084, %get3A_1139 : vector<16xf32>
        %get3A_1141 = arith.constant 0 : i32
        %get3A_1142 = arith.index_cast %get3A_1141 : i32 to index
        %get3A_1143 = arith.index_cast %add3A_1122 : i32 to index
        %get3A_1144 = arith.constant 48 : index
        %get3A_1145 = tpu.vector_load %arg6[%get3A_1142, %get3A_1143, %get3A_1144] {strides = array<i32>} : memref<4x200x64xf32, #tpu.memory_space<vmem>>, vector<16xf32>,
        %add3A_1146 = arith.addf %add3A_1090, %get3A_1145 : vector<16xf32>
        %mul3A_1147 = arith.constant 8 : i32
        %mul3A_1148 = arith.muli %scan3A_942, %mul3A_1147 : i32
        %add3A_1149 = arith.constant 7 : i32
        %add3A_1150 = arith.addi %mul3A_1148, %add3A_1149 : i32
        %get3A_1151 = arith.constant 0 : i32
        %get3A_1152 = arith.index_cast %get3A_1151 : i32 to index
        %get3A_1153 = arith.index_cast %add3A_1150 : i32 to index
        %get3A_1154 = arith.constant 0 : index
        %get3A_1155 = tpu.vector_load %arg6[%get3A_1152, %get3A_1153, %get3A_1154] {strides = array<i32>} : memref<4x200x64xf32, #tpu.memory_space<vmem>>, vector<16xf32>,
        %add3A_1156 = arith.addf %add3A_1100, %get3A_1155 : vector<16xf32>
        %get3A_1157 = arith.constant 0 : i32
        %get3A_1158 = arith.index_cast %get3A_1157 : i32 to index
        %get3A_1159 = arith.index_cast %add3A_1150 : i32 to index
        %get3A_1160 = arith.constant 16 : index
        %get3A_1161 = tpu.vector_load %arg6[%get3A_1158, %get3A_1159, %get3A_1160] {strides = array<i32>} : memref<4x200x64xf32, #tpu.memory_space<vmem>>, vector<16xf32>,
        %add3A_1162 = arith.addf %add3A_1106, %get3A_1161 : vector<16xf32>
        %get3A_1163 = arith.constant 0 : i32
        %get3A_1164 = arith.index_cast %get3A_1163 : i32 to index
        %get3A_1165 = arith.index_cast %add3A_1150 : i32 to index
        %get3A_1166 = arith.constant 32 : index
        %get3A_1167 = tpu.vector_load %arg6[%get3A_1164, %get3A_1165, %get3A_1166] {strides = array<i32>} : memref<4x200x64xf32, #tpu.memory_space<vmem>>, vector<16xf32>,
        %add3A_1168 = arith.addf %add3A_1112, %get3A_1167 : vector<16xf32>
        %get3A_1169 = arith.constant 0 : i32
        %get3A_1170 = arith.index_cast %get3A_1169 : i32 to index
        %get3A_1171 = arith.index_cast %add3A_1150 : i32 to index
        %get3A_1172 = arith.constant 48 : index
        %get3A_1173 = tpu.vector_load %arg6[%get3A_1170, %get3A_1171, %get3A_1172] {strides = array<i32>} : memref<4x200x64xf32, #tpu.memory_space<vmem>>, vector<16xf32>,
        %add3A_1174 = arith.addf %add3A_1118, %get3A_1173 : vector<16xf32>
        scf.yield %add3A_1128, %add3A_1134, %add3A_1140, %add3A_1146, %add3A_1156, %add3A_1162, %add3A_1168, %add3A_1174 : vector<16xf32>, vector<16xf32>, vector<16xf32>, vector<16xf32>, vector<16xf32>, vector<16xf32>, vector<16xf32>, vector<16xf32>
      }
      %scan3A_283 = arith.constant 25 : i32
      %add3A_284 = arith.addf %scan3A_282#0, %scan3A_282#4 : vector<16xf32>
      %mul3A_285 = arith.mulf %add3A_284, %div3A_275 : vector<16xf32>
      %swap3A = arith.index_cast %add3A_107 : i32 to index
      %swap3A_286 = arith.constant 0 : index
      %swap3A_287 = tpu.vector_load %arg7[%swap3A, %swap3A_286] {strides = array<i32>} : memref<128x64xf32, #tpu.memory_space<vmem>>, vector<16xf32>,
      tpu.vector_store %arg7[%swap3A, %swap3A_286], %mul3A_285 {strides = array<i32>} : memref<128x64xf32, #tpu.memory_space<vmem>>, vector<16xf32>,
      %add3A_288 = arith.addf %scan3A_282#1, %scan3A_282#5 : vector<16xf32>
      %mul3A_289 = arith.mulf %add3A_288, %div3A_275 : vector<16xf32>
      %swap3A_290 = arith.index_cast %add3A_107 : i32 to index
      %swap3A_291 = arith.constant 16 : index
      %swap3A_292 = tpu.vector_load %arg7[%swap3A_290, %swap3A_291] {strides = array<i32>} : memref<128x64xf32, #tpu.memory_space<vmem>>, vector<16xf32>,
      tpu.vector_store %arg7[%swap3A_290, %swap3A_291], %mul3A_289 {strides = array<i32>} : memref<128x64xf32, #tpu.memory_space<vmem>>, vector<16xf32>,
      %add3A_293 = arith.addf %scan3A_282#2, %scan3A_282#6 : vector<16xf32>
      %mul3A_294 = arith.mulf %add3A_293, %div3A_275 : vector<16xf32>
      %swap3A_295 = arith.index_cast %add3A_107 : i32 to index
      %swap3A_296 = arith.constant 32 : index
      %swap3A_297 = tpu.vector_load %arg7[%swap3A_295, %swap3A_296] {strides = array<i32>} : memref<128x64xf32, #tpu.memory_space<vmem>>, vector<16xf32>,
      tpu.vector_store %arg7[%swap3A_295, %swap3A_296], %mul3A_294 {strides = array<i32>} : memref<128x64xf32, #tpu.memory_space<vmem>>, vector<16xf32>,
      %add3A_298 = arith.addf %scan3A_282#3, %scan3A_282#7 : vector<16xf32>
      %mul3A_299 = arith.mulf %add3A_298, %div3A_275 : vector<16xf32>
      %swap3A_300 = arith.index_cast %add3A_107 : i32 to index
      %swap3A_301 = arith.constant 48 : index
      %swap3A_302 = tpu.vector_load %arg7[%swap3A_300, %swap3A_301] {strides = array<i32>} : memref<128x64xf32, #tpu.memory_space<vmem>>, vector<16xf32>,
      tpu.vector_store %arg7[%swap3A_300, %swap3A_301], %mul3A_299 {strides = array<i32>} : memref<128x64xf32, #tpu.memory_space<vmem>>, vector<16xf32>,
      %mul3A_303 = arith.constant 4 : i32
      %mul3A_304 = arith.muli %scan3A_103, %mul3A_303 : i32
      %add3A_305 = arith.constant 1 : i32
      %add3A_306 = arith.addi %mul3A_304, %add3A_305 : i32
      %dma_wait3A_307 = arith.constant 1 : i32
      %dma_wait3A_308 = arith.constant 1 : i32
      %dma_wait3A_309 = arith.constant 0 : i32
      %dma_wait3A_310 = arith.constant 0 : i32
      %dma_wait3A_311 = tpu.memref_slice %arg6[%dma_wait3A_307, %dma_wait3A_309, %dma_wait3A_310] : memref<4x200x64xf32, #tpu.memory_space<vmem>> -> memref<1x104x64xf32, #tpu.memory_space<vmem>>
      %dma_wait3A_312 = tpu.memref_squeeze %dma_wait3A_311 : memref<1x104x64xf32, #tpu.memory_space<vmem>> -> memref<104x64xf32, #tpu.memory_space<vmem>>
      %dma_wait3A_313 = arith.constant 0 : i32
      %dma_wait3A_314 = tpu.memref_slice %arg5[%add3A_306, %dma_wait3A_313] : memref<128x200xi32, #tpu.memory_space<vmem>> -> memref<1x104xi32, #tpu.memory_space<vmem>>
      %dma_wait3A_315 = tpu.memref_squeeze %dma_wait3A_314 : memref<1x104xi32, #tpu.memory_space<vmem>> -> memref<104xi32, #tpu.memory_space<vmem>>
      %dma_wait3A_316 = arith.constant 0 : i32
      %dma_wait3A_317 = arith.constant 0 : i32
      %dma_wait3A_318 = tpu.memref_slice %arg3[%dma_wait3A_316, %dma_wait3A_317] : memref<1015808x64xf32, #tpu.memory_space<hbm>> -> memref<1015808x64xf32, #tpu.memory_space<hbm>>
      %dma_wait3A_319 = tpu.memref_slice %arg8[%dma_wait3A_308] : memref<4x!tpu.dma_semaphore, #tpu.memory_space<semaphore_mem>> -> memref<1x!tpu.dma_semaphore, #tpu.memory_space<semaphore_mem>>
      %dma_wait3A_320 = tpu.memref_squeeze %dma_wait3A_319 : memref<1x!tpu.dma_semaphore, #tpu.memory_space<semaphore_mem>> -> memref<!tpu.dma_semaphore, #tpu.memory_space<semaphore_mem>>
      tpu.wait_indirect_dma semaphore(%dma_wait3A_320 : memref<!tpu.dma_semaphore, #tpu.memory_space<semaphore_mem>>) src(%dma_wait3A_318 : memref<1015808x64xf32, #tpu.memory_space<hbm>>) dst(%dma_wait3A_312 : memref<104x64xf32, #tpu.memory_space<vmem>>)
      %dma_wait3A_321 = arith.constant 1 : i32
      %dma_wait3A_322 = arith.constant 1 : i32
      %dma_wait3A_323 = arith.constant 104 : i32
      %dma_wait3A_324 = arith.constant 0 : i32
      %dma_wait3A_325 = tpu.memref_slice %arg6[%dma_wait3A_321, %dma_wait3A_323, %dma_wait3A_324] : memref<4x200x64xf32, #tpu.memory_space<vmem>> -> memref<1x96x64xf32, #tpu.memory_space<vmem>>
      %dma_wait3A_326 = tpu.memref_squeeze %dma_wait3A_325 : memref<1x96x64xf32, #tpu.memory_space<vmem>> -> memref<96x64xf32, #tpu.memory_space<vmem>>
      %dma_wait3A_327 = arith.constant 104 : i32
      %dma_wait3A_328 = tpu.memref_slice %arg5[%add3A_306, %dma_wait3A_327] : memref<128x200xi32, #tpu.memory_space<vmem>> -> memref<1x96xi32, #tpu.memory_space<vmem>>
      %dma_wait3A_329 = tpu.memref_squeeze %dma_wait3A_328 : memref<1x96xi32, #tpu.memory_space<vmem>> -> memref<96xi32, #tpu.memory_space<vmem>>
      %dma_wait3A_330 = arith.constant 0 : i32
      %dma_wait3A_331 = arith.constant 0 : i32
      %dma_wait3A_332 = tpu.memref_slice %arg3[%dma_wait3A_330, %dma_wait3A_331] : memref<1015808x64xf32, #tpu.memory_space<hbm>> -> memref<1015808x64xf32, #tpu.memory_space<hbm>>
      %dma_wait3A_333 = tpu.memref_slice %arg8[%dma_wait3A_322] : memref<4x!tpu.dma_semaphore, #tpu.memory_space<semaphore_mem>> -> memref<1x!tpu.dma_semaphore, #tpu.memory_space<semaphore_mem>>
      %dma_wait3A_334 = tpu.memref_squeeze %dma_wait3A_333 : memref<1x!tpu.dma_semaphore, #tpu.memory_space<semaphore_mem>> -> memref<!tpu.dma_semaphore, #tpu.memory_space<semaphore_mem>>
      tpu.wait_indirect_dma semaphore(%dma_wait3A_334 : memref<!tpu.dma_semaphore, #tpu.memory_space<semaphore_mem>>) src(%dma_wait3A_332 : memref<1015808x64xf32, #tpu.memory_space<hbm>>) dst(%dma_wait3A_326 : memref<96x64xf32, #tpu.memory_space<vmem>>)
      %add3A_335 = arith.constant 4 : i32
      %add3A_336 = arith.addi %add3A_306, %add3A_335 : i32
      %sub3A_337 = arith.constant 1 : i32
      %sub3A_338 = arith.subi %add3A_336, %sub3A_337 : i32
      %lt3A_339 = arith.constant 128 : i32
      %lt3A_340 = arith.cmpi slt, %sub3A_338, %lt3A_339 : i32
      %convert_element_type3A_341 = arith.extui %lt3A_340 : i1 to i32
      %cond3A_342 = arith.constant 0 : i32
      %cond3A_343 = arith.cmpi ne, %convert_element_type3A_341, %cond3A_342 : i32
      scf.if %cond3A_343 {
        %add3A_942 = arith.constant 4 : i32
        %add3A_943 = arith.addi %add3A_306, %add3A_942 : i32
        %sub3A_944 = arith.constant 1 : i32
        %sub3A_945 = arith.subi %add3A_943, %sub3A_944 : i32
        %dma_start3A_946 = arith.constant 0 : i32
        %dma_start3A_947 = arith.constant 0 : i32
        %dma_start3A_948 = arith.constant 0 : i32
        %dma_start3A_949 = arith.constant 0 : i32
        %dma_start3A_950 = tpu.memref_slice %arg6[%dma_start3A_946, %dma_start3A_948, %dma_start3A_949] : memref<4x200x64xf32, #tpu.memory_space<vmem>> -> memref<1x104x64xf32, #tpu.memory_space<vmem>>
        %dma_start3A_951 = tpu.memref_squeeze %dma_start3A_950 : memref<1x104x64xf32, #tpu.memory_space<vmem>> -> memref<104x64xf32, #tpu.memory_space<vmem>>
        %dma_start3A_952 = arith.constant 0 : i32
        %dma_start3A_953 = tpu.memref_slice %arg5[%sub3A_945, %dma_start3A_952] : memref<128x200xi32, #tpu.memory_space<vmem>> -> memref<1x104xi32, #tpu.memory_space<vmem>>
        %dma_start3A_954 = tpu.memref_squeeze %dma_start3A_953 : memref<1x104xi32, #tpu.memory_space<vmem>> -> memref<104xi32, #tpu.memory_space<vmem>>
        %dma_start3A_955 = arith.constant 0 : i32
        %dma_start3A_956 = arith.constant 0 : i32
        %dma_start3A_957 = tpu.memref_slice %arg3[%dma_start3A_955, %dma_start3A_956] : memref<1015808x64xf32, #tpu.memory_space<hbm>> -> memref<1015808x64xf32, #tpu.memory_space<hbm>>
        %dma_start3A_958 = tpu.memref_slice %arg8[%dma_start3A_947] : memref<4x!tpu.dma_semaphore, #tpu.memory_space<semaphore_mem>> -> memref<1x!tpu.dma_semaphore, #tpu.memory_space<semaphore_mem>>
        %dma_start3A_959 = tpu.memref_squeeze %dma_start3A_958 : memref<1x!tpu.dma_semaphore, #tpu.memory_space<semaphore_mem>> -> memref<!tpu.dma_semaphore, #tpu.memory_space<semaphore_mem>>
        tpu.enqueue_indirect_dma source(%dma_start3A_957 : memref<1015808x64xf32, #tpu.memory_space<hbm>>) target(%dma_start3A_951 : memref<104x64xf32, #tpu.memory_space<vmem>>) offsets(%dma_start3A_954 : memref<104xi32, #tpu.memory_space<vmem>>) semaphore(%dma_start3A_959 : memref<!tpu.dma_semaphore, #tpu.memory_space<semaphore_mem>>)
        %dma_start3A_960 = arith.constant 0 : i32
        %dma_start3A_961 = arith.constant 0 : i32
        %dma_start3A_962 = arith.constant 104 : i32
        %dma_start3A_963 = arith.constant 0 : i32
        %dma_start3A_964 = tpu.memref_slice %arg6[%dma_start3A_960, %dma_start3A_962, %dma_start3A_963] : memref<4x200x64xf32, #tpu.memory_space<vmem>> -> memref<1x96x64xf32, #tpu.memory_space<vmem>>
        %dma_start3A_965 = tpu.memref_squeeze %dma_start3A_964 : memref<1x96x64xf32, #tpu.memory_space<vmem>> -> memref<96x64xf32, #tpu.memory_space<vmem>>
        %dma_start3A_966 = arith.constant 104 : i32
        %dma_start3A_967 = tpu.memref_slice %arg5[%sub3A_945, %dma_start3A_966] : memref<128x200xi32, #tpu.memory_space<vmem>> -> memref<1x96xi32, #tpu.memory_space<vmem>>
        %dma_start3A_968 = tpu.memref_squeeze %dma_start3A_967 : memref<1x96xi32, #tpu.memory_space<vmem>> -> memref<96xi32, #tpu.memory_space<vmem>>
        %dma_start3A_969 = arith.constant 0 : i32
        %dma_start3A_970 = arith.constant 0 : i32
        %dma_start3A_971 = tpu.memref_slice %arg3[%dma_start3A_969, %dma_start3A_970] : memref<1015808x64xf32, #tpu.memory_space<hbm>> -> memref<1015808x64xf32, #tpu.memory_space<hbm>>
        %dma_start3A_972 = tpu.memref_slice %arg8[%dma_start3A_961] : memref<4x!tpu.dma_semaphore, #tpu.memory_space<semaphore_mem>> -> memref<1x!tpu.dma_semaphore, #tpu.memory_space<semaphore_mem>>
        %dma_start3A_973 = tpu.memref_squeeze %dma_start3A_972 : memref<1x!tpu.dma_semaphore, #tpu.memory_space<semaphore_mem>> -> memref<!tpu.dma_semaphore, #tpu.memory_space<semaphore_mem>>
        tpu.enqueue_indirect_dma source(%dma_start3A_971 : memref<1015808x64xf32, #tpu.memory_space<hbm>>) target(%dma_start3A_965 : memref<96x64xf32, #tpu.memory_space<vmem>>) offsets(%dma_start3A_968 : memref<96xi32, #tpu.memory_space<vmem>>) semaphore(%dma_start3A_973 : memref<!tpu.dma_semaphore, #tpu.memory_space<semaphore_mem>>)
      } else {
      }
      %broadcast_in_dim3A_344 = arith.constant 0 : i32
      %broadcast_in_dim3A_345 = vector.broadcast %broadcast_in_dim3A_344 : i32 to vector<16xi32>
      %get3A_346 = arith.constant 0 : i32
      %get3A_347 = tpu.memref_slice %arg5[%add3A_306, %get3A_346] : memref<128x200xi32, #tpu.memory_space<vmem>> -> memref<1x200xi32, #tpu.memory_space<vmem>>
      %get3A_348 = tpu.memref_squeeze %get3A_347 : memref<1x200xi32, #tpu.memory_space<vmem>> -> memref<200xi32, #tpu.memory_space<vmem>>
      %get3A_349 = arith.constant 0 : index
      %get3A_350 = tpu.vector_load %get3A_348[%get3A_349] {strides = array<i32>} : memref<200xi32, #tpu.memory_space<vmem>>, vector<16xi32>,
      %ne3A_351 = arith.constant 0 : i32
      %ne3A_352 = vector.broadcast %ne3A_351 : i32 to vector<16xi32>
      %ne3A_353 = arith.cmpi ne, %get3A_350, %ne3A_352 : vector<16xi32>
      %all_reduce_population_count3A_354 = tpu.all_reduce %ne3A_353 {dim = 0 : i64, kind = #tpu.reduction_kind<sum>} : vector<16xi1> -> vector<16xi32>
      %add3A_355 = arith.addi %broadcast_in_dim3A_345, %all_reduce_population_count3A_354 : vector<16xi32>
      %get3A_356 = arith.constant 0 : i32
      %get3A_357 = tpu.memref_slice %arg5[%add3A_306, %get3A_356] : memref<128x200xi32, #tpu.memory_space<vmem>> -> memref<1x200xi32, #tpu.memory_space<vmem>>
      %get3A_358 = tpu.memref_squeeze %get3A_357 : memref<1x200xi32, #tpu.memory_space<vmem>> -> memref<200xi32, #tpu.memory_space<vmem>>
      %get3A_359 = arith.constant 16 : index
      %get3A_360 = tpu.vector_load %get3A_358[%get3A_359] {strides = array<i32>} : memref<200xi32, #tpu.memory_space<vmem>>, vector<16xi32>,
      %ne3A_361 = arith.constant 0 : i32
      %ne3A_362 = vector.broadcast %ne3A_361 : i32 to vector<16xi32>
      %ne3A_363 = arith.cmpi ne, %get3A_360, %ne3A_362 : vector<16xi32>
      %all_reduce_population_count3A_364 = tpu.all_reduce %ne3A_363 {dim = 0 : i64, kind = #tpu.reduction_kind<sum>} : vector<16xi1> -> vector<16xi32>
      %add3A_365 = arith.addi %add3A_355, %all_reduce_population_count3A_364 : vector<16xi32>
      %get3A_366 = arith.constant 0 : i32
      %get3A_367 = tpu.memref_slice %arg5[%add3A_306, %get3A_366] : memref<128x200xi32, #tpu.memory_space<vmem>> -> memref<1x200xi32, #tpu.memory_space<vmem>>
      %get3A_368 = tpu.memref_squeeze %get3A_367 : memref<1x200xi32, #tpu.memory_space<vmem>> -> memref<200xi32, #tpu.memory_space<vmem>>
      %get3A_369 = arith.constant 32 : index
      %get3A_370 = tpu.vector_load %get3A_368[%get3A_369] {strides = array<i32>} : memref<200xi32, #tpu.memory_space<vmem>>, vector<16xi32>,
      %ne3A_371 = arith.constant 0 : i32
      %ne3A_372 = vector.broadcast %ne3A_371 : i32 to vector<16xi32>
      %ne3A_373 = arith.cmpi ne, %get3A_370, %ne3A_372 : vector<16xi32>
      %all_reduce_population_count3A_374 = tpu.all_reduce %ne3A_373 {dim = 0 : i64, kind = #tpu.reduction_kind<sum>} : vector<16xi1> -> vector<16xi32>
      %add3A_375 = arith.addi %add3A_365, %all_reduce_population_count3A_374 : vector<16xi32>
      %get3A_376 = arith.constant 0 : i32
      %get3A_377 = tpu.memref_slice %arg5[%add3A_306, %get3A_376] : memref<128x200xi32, #tpu.memory_space<vmem>> -> memref<1x200xi32, #tpu.memory_space<vmem>>
      %get3A_378 = tpu.memref_squeeze %get3A_377 : memref<1x200xi32, #tpu.memory_space<vmem>> -> memref<200xi32, #tpu.memory_space<vmem>>
      %get3A_379 = arith.constant 48 : index
      %get3A_380 = tpu.vector_load %get3A_378[%get3A_379] {strides = array<i32>} : memref<200xi32, #tpu.memory_space<vmem>>, vector<16xi32>,
      %ne3A_381 = arith.constant 0 : i32
      %ne3A_382 = vector.broadcast %ne3A_381 : i32 to vector<16xi32>
      %ne3A_383 = arith.cmpi ne, %get3A_380, %ne3A_382 : vector<16xi32>
      %all_reduce_population_count3A_384 = tpu.all_reduce %ne3A_383 {dim = 0 : i64, kind = #tpu.reduction_kind<sum>} : vector<16xi1> -> vector<16xi32>
      %add3A_385 = arith.addi %add3A_375, %all_reduce_population_count3A_384 : vector<16xi32>
      %get3A_386 = arith.constant 0 : i32
      %get3A_387 = tpu.memref_slice %arg5[%add3A_306, %get3A_386] : memref<128x200xi32, #tpu.memory_space<vmem>> -> memref<1x200xi32, #tpu.memory_space<vmem>>
      %get3A_388 = tpu.memref_squeeze %get3A_387 : memref<1x200xi32, #tpu.memory_space<vmem>> -> memref<200xi32, #tpu.memory_space<vmem>>
      %get3A_389 = arith.constant 64 : index
      %get3A_390 = tpu.vector_load %get3A_388[%get3A_389] {strides = array<i32>} : memref<200xi32, #tpu.memory_space<vmem>>, vector<16xi32>,
      %ne3A_391 = arith.constant 0 : i32
      %ne3A_392 = vector.broadcast %ne3A_391 : i32 to vector<16xi32>
      %ne3A_393 = arith.cmpi ne, %get3A_390, %ne3A_392 : vector<16xi32>
      %all_reduce_population_count3A_394 = tpu.all_reduce %ne3A_393 {dim = 0 : i64, kind = #tpu.reduction_kind<sum>} : vector<16xi1> -> vector<16xi32>
      %add3A_395 = arith.addi %add3A_385, %all_reduce_population_count3A_394 : vector<16xi32>
      %get3A_396 = arith.constant 0 : i32
      %get3A_397 = tpu.memref_slice %arg5[%add3A_306, %get3A_396] : memref<128x200xi32, #tpu.memory_space<vmem>> -> memref<1x200xi32, #tpu.memory_space<vmem>>
      %get3A_398 = tpu.memref_squeeze %get3A_397 : memref<1x200xi32, #tpu.memory_space<vmem>> -> memref<200xi32, #tpu.memory_space<vmem>>
      %get3A_399 = arith.constant 80 : index
      %get3A_400 = tpu.vector_load %get3A_398[%get3A_399] {strides = array<i32>} : memref<200xi32, #tpu.memory_space<vmem>>, vector<16xi32>,
      %ne3A_401 = arith.constant 0 : i32
      %ne3A_402 = vector.broadcast %ne3A_401 : i32 to vector<16xi32>
      %ne3A_403 = arith.cmpi ne, %get3A_400, %ne3A_402 : vector<16xi32>
      %all_reduce_population_count3A_404 = tpu.all_reduce %ne3A_403 {dim = 0 : i64, kind = #tpu.reduction_kind<sum>} : vector<16xi1> -> vector<16xi32>
      %add3A_405 = arith.addi %add3A_395, %all_reduce_population_count3A_404 : vector<16xi32>
      %get3A_406 = arith.constant 0 : i32
      %get3A_407 = tpu.memref_slice %arg5[%add3A_306, %get3A_406] : memref<128x200xi32, #tpu.memory_space<vmem>> -> memref<1x200xi32, #tpu.memory_space<vmem>>
      %get3A_408 = tpu.memref_squeeze %get3A_407 : memref<1x200xi32, #tpu.memory_space<vmem>> -> memref<200xi32, #tpu.memory_space<vmem>>
      %get3A_409 = arith.constant 96 : index
      %get3A_410 = tpu.vector_load %get3A_408[%get3A_409] {strides = array<i32>} : memref<200xi32, #tpu.memory_space<vmem>>, vector<16xi32>,
      %ne3A_411 = arith.constant 0 : i32
      %ne3A_412 = vector.broadcast %ne3A_411 : i32 to vector<16xi32>
      %ne3A_413 = arith.cmpi ne, %get3A_410, %ne3A_412 : vector<16xi32>
      %all_reduce_population_count3A_414 = tpu.all_reduce %ne3A_413 {dim = 0 : i64, kind = #tpu.reduction_kind<sum>} : vector<16xi1> -> vector<16xi32>
      %add3A_415 = arith.addi %add3A_405, %all_reduce_population_count3A_414 : vector<16xi32>
      %get3A_416 = arith.constant 0 : i32
      %get3A_417 = tpu.memref_slice %arg5[%add3A_306, %get3A_416] : memref<128x200xi32, #tpu.memory_space<vmem>> -> memref<1x200xi32, #tpu.memory_space<vmem>>
      %get3A_418 = tpu.memref_squeeze %get3A_417 : memref<1x200xi32, #tpu.memory_space<vmem>> -> memref<200xi32, #tpu.memory_space<vmem>>
      %get3A_419 = arith.constant 112 : index
      %get3A_420 = tpu.vector_load %get3A_418[%get3A_419] {strides = array<i32>} : memref<200xi32, #tpu.memory_space<vmem>>, vector<16xi32>,
      %ne3A_421 = arith.constant 0 : i32
      %ne3A_422 = vector.broadcast %ne3A_421 : i32 to vector<16xi32>
      %ne3A_423 = arith.cmpi ne, %get3A_420, %ne3A_422 : vector<16xi32>
      %all_reduce_population_count3A_424 = tpu.all_reduce %ne3A_423 {dim = 0 : i64, kind = #tpu.reduction_kind<sum>} : vector<16xi1> -> vector<16xi32>
      %add3A_425 = arith.addi %add3A_415, %all_reduce_population_count3A_424 : vector<16xi32>
      %get3A_426 = arith.constant 0 : i32
      %get3A_427 = tpu.memref_slice %arg5[%add3A_306, %get3A_426] : memref<128x200xi32, #tpu.memory_space<vmem>> -> memref<1x200xi32, #tpu.memory_space<vmem>>
      %get3A_428 = tpu.memref_squeeze %get3A_427 : memref<1x200xi32, #tpu.memory_space<vmem>> -> memref<200xi32, #tpu.memory_space<vmem>>
      %get3A_429 = arith.constant 128 : index
      %get3A_430 = tpu.vector_load %get3A_428[%get3A_429] {strides = array<i32>} : memref<200xi32, #tpu.memory_space<vmem>>, vector<16xi32>,
      %ne3A_431 = arith.constant 0 : i32
      %ne3A_432 = vector.broadcast %ne3A_431 : i32 to vector<16xi32>
      %ne3A_433 = arith.cmpi ne, %get3A_430, %ne3A_432 : vector<16xi32>
      %all_reduce_population_count3A_434 = tpu.all_reduce %ne3A_433 {dim = 0 : i64, kind = #tpu.reduction_kind<sum>} : vector<16xi1> -> vector<16xi32>
      %add3A_435 = arith.addi %add3A_425, %all_reduce_population_count3A_434 : vector<16xi32>
      %get3A_436 = arith.constant 0 : i32
      %get3A_437 = tpu.memref_slice %arg5[%add3A_306, %get3A_436] : memref<128x200xi32, #tpu.memory_space<vmem>> -> memref<1x200xi32, #tpu.memory_space<vmem>>
      %get3A_438 = tpu.memref_squeeze %get3A_437 : memref<1x200xi32, #tpu.memory_space<vmem>> -> memref<200xi32, #tpu.memory_space<vmem>>
      %get3A_439 = arith.constant 144 : index
      %get3A_440 = tpu.vector_load %get3A_438[%get3A_439] {strides = array<i32>} : memref<200xi32, #tpu.memory_space<vmem>>, vector<16xi32>,
      %ne3A_441 = arith.constant 0 : i32
      %ne3A_442 = vector.broadcast %ne3A_441 : i32 to vector<16xi32>
      %ne3A_443 = arith.cmpi ne, %get3A_440, %ne3A_442 : vector<16xi32>
      %all_reduce_population_count3A_444 = tpu.all_reduce %ne3A_443 {dim = 0 : i64, kind = #tpu.reduction_kind<sum>} : vector<16xi1> -> vector<16xi32>
      %add3A_445 = arith.addi %add3A_435, %all_reduce_population_count3A_444 : vector<16xi32>
      %get3A_446 = arith.constant 0 : i32
      %get3A_447 = tpu.memref_slice %arg5[%add3A_306, %get3A_446] : memref<128x200xi32, #tpu.memory_space<vmem>> -> memref<1x200xi32, #tpu.memory_space<vmem>>
      %get3A_448 = tpu.memref_squeeze %get3A_447 : memref<1x200xi32, #tpu.memory_space<vmem>> -> memref<200xi32, #tpu.memory_space<vmem>>
      %get3A_449 = arith.constant 160 : index
      %get3A_450 = tpu.vector_load %get3A_448[%get3A_449] {strides = array<i32>} : memref<200xi32, #tpu.memory_space<vmem>>, vector<16xi32>,
      %ne3A_451 = arith.constant 0 : i32
      %ne3A_452 = vector.broadcast %ne3A_451 : i32 to vector<16xi32>
      %ne3A_453 = arith.cmpi ne, %get3A_450, %ne3A_452 : vector<16xi32>
      %all_reduce_population_count3A_454 = tpu.all_reduce %ne3A_453 {dim = 0 : i64, kind = #tpu.reduction_kind<sum>} : vector<16xi1> -> vector<16xi32>
      %add3A_455 = arith.addi %add3A_445, %all_reduce_population_count3A_454 : vector<16xi32>
      %get3A_456 = arith.constant 0 : i32
      %get3A_457 = tpu.memref_slice %arg5[%add3A_306, %get3A_456] : memref<128x200xi32, #tpu.memory_space<vmem>> -> memref<1x200xi32, #tpu.memory_space<vmem>>
      %get3A_458 = tpu.memref_squeeze %get3A_457 : memref<1x200xi32, #tpu.memory_space<vmem>> -> memref<200xi32, #tpu.memory_space<vmem>>
      %get3A_459 = arith.constant 176 : index
      %get3A_460 = tpu.vector_load %get3A_458[%get3A_459] {strides = array<i32>} : memref<200xi32, #tpu.memory_space<vmem>>, vector<16xi32>,
      %ne3A_461 = arith.constant 0 : i32
      %ne3A_462 = vector.broadcast %ne3A_461 : i32 to vector<16xi32>
      %ne3A_463 = arith.cmpi ne, %get3A_460, %ne3A_462 : vector<16xi32>
      %all_reduce_population_count3A_464 = tpu.all_reduce %ne3A_463 {dim = 0 : i64, kind = #tpu.reduction_kind<sum>} : vector<16xi1> -> vector<16xi32>
      %add3A_465 = arith.addi %add3A_455, %all_reduce_population_count3A_464 : vector<16xi32>
      %get3A_466 = arith.constant 0 : i32
      %get3A_467 = tpu.memref_slice %arg5[%add3A_306, %get3A_466] : memref<128x200xi32, #tpu.memory_space<vmem>> -> memref<1x200xi32, #tpu.memory_space<vmem>>
      %get3A_468 = tpu.memref_squeeze %get3A_467 : memref<1x200xi32, #tpu.memory_space<vmem>> -> memref<200xi32, #tpu.memory_space<vmem>>
      %get3A_469 = arith.constant 184 : index
      %get3A_470 = tpu.vector_load %get3A_468[%get3A_469] {strides = array<i32>} : memref<200xi32, #tpu.memory_space<vmem>>, vector<16xi32>,
      %iota3A_471 = tpu.iota {dimensions = array<i32: 0>} : vector<16xi32>
      %ne3A_472 = arith.constant 0 : i32
      %ne3A_473 = vector.broadcast %ne3A_472 : i32 to vector<16xi32>
      %ne3A_474 = arith.cmpi ne, %get3A_470, %ne3A_473 : vector<16xi32>
      %ge3A_475 = arith.constant 8 : i32
      %ge3A_476 = vector.broadcast %ge3A_475 : i32 to vector<16xi32>
      %ge3A_477 = arith.cmpi sge, %iota3A_471, %ge3A_476 : vector<16xi32>
      %and3A_478 = arith.andi %ne3A_474, %ge3A_477 : vector<16xi1>
      %all_reduce_population_count3A_479 = tpu.all_reduce %and3A_478 {dim = 0 : i64, kind = #tpu.reduction_kind<sum>} : vector<16xi1> -> vector<16xi32>
      %add3A_480 = arith.addi %add3A_465, %all_reduce_population_count3A_479 : vector<16xi32>
      %convert_element_type3A_481 = arith.sitofp %add3A_480 : vector<16xi32> to vector<16xf32>
      %max3A_482 = arith.constant 9.99999997E-7 : f32
      %max3A_483 = vector.broadcast %max3A_482 : f32 to vector<16xf32>
      %max3A_484 = arith.maximumf %convert_element_type3A_481, %max3A_483 : vector<16xf32>
      %div3A_485 = arith.constant 1.000000e+00 : f32
      %div3A_486 = vector.broadcast %div3A_485 : f32 to vector<16xf32>
      %div3A_487 = arith.divf %div3A_486, %max3A_484 : vector<16xf32>
      %broadcast_in_dim3A_488 = arith.constant 0.000000e+00 : f32
      %broadcast_in_dim3A_489 = vector.broadcast %broadcast_in_dim3A_488 : f32 to vector<16xf32>
      %scan3A_490 = arith.constant 0 : i32
      %scan3A_491 = arith.constant 25 : i32
      %scan3A_492 = arith.addi %scan3A_490, %scan3A_491 : i32
      %scan3A_493 = arith.constant 1 : i32
      %scan3A_494:8 = scf.for %scan3A_942 = %scan3A_490 to %scan3A_492 step %scan3A_493 iter_args(%scan3A_943 = %broadcast_in_dim3A_489, %scan3A_944 = %broadcast_in_dim3A_489, %scan3A_945 = %broadcast_in_dim3A_489, %scan3A_946 = %broadcast_in_dim3A_489, %scan3A_947 = %broadcast_in_dim3A_489, %scan3A_948 = %broadcast_in_dim3A_489, %scan3A_949 = %broadcast_in_dim3A_489, %scan3A_950 = %broadcast_in_dim3A_489) -> (vector<16xf32>, vector<16xf32>, vector<16xf32>, vector<16xf32>, vector<16xf32>, vector<16xf32>, vector<16xf32>, vector<16xf32>)  : i32 {
        %mul3A_951 = arith.constant 8 : i32
        %mul3A_952 = arith.muli %scan3A_942, %mul3A_951 : i32
        %add3A_953 = arith.constant 0 : i32
        %add3A_954 = arith.addi %mul3A_952, %add3A_953 : i32
        %get3A_955 = arith.constant 1 : i32
        %get3A_956 = arith.index_cast %get3A_955 : i32 to index
        %get3A_957 = arith.index_cast %add3A_954 : i32 to index
        %get3A_958 = arith.constant 0 : index
        %get3A_959 = tpu.vector_load %arg6[%get3A_956, %get3A_957, %get3A_958] {strides = array<i32>} : memref<4x200x64xf32, #tpu.memory_space<vmem>>, vector<16xf32>,
        %add3A_960 = arith.addf %scan3A_943, %get3A_959 : vector<16xf32>
        %get3A_961 = arith.constant 1 : i32
        %get3A_962 = arith.index_cast %get3A_961 : i32 to index
        %get3A_963 = arith.index_cast %add3A_954 : i32 to index
        %get3A_964 = arith.constant 16 : index
        %get3A_965 = tpu.vector_load %arg6[%get3A_962, %get3A_963, %get3A_964] {strides = array<i32>} : memref<4x200x64xf32, #tpu.memory_space<vmem>>, vector<16xf32>,
        %add3A_966 = arith.addf %scan3A_944, %get3A_965 : vector<16xf32>
        %get3A_967 = arith.constant 1 : i32
        %get3A_968 = arith.index_cast %get3A_967 : i32 to index
        %get3A_969 = arith.index_cast %add3A_954 : i32 to index
        %get3A_970 = arith.constant 32 : index
        %get3A_971 = tpu.vector_load %arg6[%get3A_968, %get3A_969, %get3A_970] {strides = array<i32>} : memref<4x200x64xf32, #tpu.memory_space<vmem>>, vector<16xf32>,
        %add3A_972 = arith.addf %scan3A_945, %get3A_971 : vector<16xf32>
        %get3A_973 = arith.constant 1 : i32
        %get3A_974 = arith.index_cast %get3A_973 : i32 to index
        %get3A_975 = arith.index_cast %add3A_954 : i32 to index
        %get3A_976 = arith.constant 48 : index
        %get3A_977 = tpu.vector_load %arg6[%get3A_974, %get3A_975, %get3A_976] {strides = array<i32>} : memref<4x200x64xf32, #tpu.memory_space<vmem>>, vector<16xf32>,
        %add3A_978 = arith.addf %scan3A_946, %get3A_977 : vector<16xf32>
        %mul3A_979 = arith.constant 8 : i32
        %mul3A_980 = arith.muli %scan3A_942, %mul3A_979 : i32
        %add3A_981 = arith.constant 1 : i32
        %add3A_982 = arith.addi %mul3A_980, %add3A_981 : i32
        %get3A_983 = arith.constant 1 : i32
        %get3A_984 = arith.index_cast %get3A_983 : i32 to index
        %get3A_985 = arith.index_cast %add3A_982 : i32 to index
        %get3A_986 = arith.constant 0 : index
        %get3A_987 = tpu.vector_load %arg6[%get3A_984, %get3A_985, %get3A_986] {strides = array<i32>} : memref<4x200x64xf32, #tpu.memory_space<vmem>>, vector<16xf32>,
        %add3A_988 = arith.addf %scan3A_947, %get3A_987 : vector<16xf32>
        %get3A_989 = arith.constant 1 : i32
        %get3A_990 = arith.index_cast %get3A_989 : i32 to index
        %get3A_991 = arith.index_cast %add3A_982 : i32 to index
        %get3A_992 = arith.constant 16 : index
        %get3A_993 = tpu.vector_load %arg6[%get3A_990, %get3A_991, %get3A_992] {strides = array<i32>} : memref<4x200x64xf32, #tpu.memory_space<vmem>>, vector<16xf32>,
        %add3A_994 = arith.addf %scan3A_948, %get3A_993 : vector<16xf32>
        %get3A_995 = arith.constant 1 : i32
        %get3A_996 = arith.index_cast %get3A_995 : i32 to index
        %get3A_997 = arith.index_cast %add3A_982 : i32 to index
        %get3A_998 = arith.constant 32 : index
        %get3A_999 = tpu.vector_load %arg6[%get3A_996, %get3A_997, %get3A_998] {strides = array<i32>} : memref<4x200x64xf32, #tpu.memory_space<vmem>>, vector<16xf32>,
        %add3A_1000 = arith.addf %scan3A_949, %get3A_999 : vector<16xf32>
        %get3A_1001 = arith.constant 1 : i32
        %get3A_1002 = arith.index_cast %get3A_1001 : i32 to index
        %get3A_1003 = arith.index_cast %add3A_982 : i32 to index
        %get3A_1004 = arith.constant 48 : index
        %get3A_1005 = tpu.vector_load %arg6[%get3A_1002, %get3A_1003, %get3A_1004] {strides = array<i32>} : memref<4x200x64xf32, #tpu.memory_space<vmem>>, vector<16xf32>,
        %add3A_1006 = arith.addf %scan3A_950, %get3A_1005 : vector<16xf32>
        %mul3A_1007 = arith.constant 8 : i32
        %mul3A_1008 = arith.muli %scan3A_942, %mul3A_1007 : i32
        %add3A_1009 = arith.constant 2 : i32
        %add3A_1010 = arith.addi %mul3A_1008, %add3A_1009 : i32
        %get3A_1011 = arith.constant 1 : i32
        %get3A_1012 = arith.index_cast %get3A_1011 : i32 to index
        %get3A_1013 = arith.index_cast %add3A_1010 : i32 to index
        %get3A_1014 = arith.constant 0 : index
        %get3A_1015 = tpu.vector_load %arg6[%get3A_1012, %get3A_1013, %get3A_1014] {strides = array<i32>} : memref<4x200x64xf32, #tpu.memory_space<vmem>>, vector<16xf32>,
        %add3A_1016 = arith.addf %add3A_960, %get3A_1015 : vector<16xf32>
        %get3A_1017 = arith.constant 1 : i32
        %get3A_1018 = arith.index_cast %get3A_1017 : i32 to index
        %get3A_1019 = arith.index_cast %add3A_1010 : i32 to index
        %get3A_1020 = arith.constant 16 : index
        %get3A_1021 = tpu.vector_load %arg6[%get3A_1018, %get3A_1019, %get3A_1020] {strides = array<i32>} : memref<4x200x64xf32, #tpu.memory_space<vmem>>, vector<16xf32>,
        %add3A_1022 = arith.addf %add3A_966, %get3A_1021 : vector<16xf32>
        %get3A_1023 = arith.constant 1 : i32
        %get3A_1024 = arith.index_cast %get3A_1023 : i32 to index
        %get3A_1025 = arith.index_cast %add3A_1010 : i32 to index
        %get3A_1026 = arith.constant 32 : index
        %get3A_1027 = tpu.vector_load %arg6[%get3A_1024, %get3A_1025, %get3A_1026] {strides = array<i32>} : memref<4x200x64xf32, #tpu.memory_space<vmem>>, vector<16xf32>,
        %add3A_1028 = arith.addf %add3A_972, %get3A_1027 : vector<16xf32>
        %get3A_1029 = arith.constant 1 : i32
        %get3A_1030 = arith.index_cast %get3A_1029 : i32 to index
        %get3A_1031 = arith.index_cast %add3A_1010 : i32 to index
        %get3A_1032 = arith.constant 48 : index
        %get3A_1033 = tpu.vector_load %arg6[%get3A_1030, %get3A_1031, %get3A_1032] {strides = array<i32>} : memref<4x200x64xf32, #tpu.memory_space<vmem>>, vector<16xf32>,
        %add3A_1034 = arith.addf %add3A_978, %get3A_1033 : vector<16xf32>
        %mul3A_1035 = arith.constant 8 : i32
        %mul3A_1036 = arith.muli %scan3A_942, %mul3A_1035 : i32
        %add3A_1037 = arith.constant 3 : i32
        %add3A_1038 = arith.addi %mul3A_1036, %add3A_1037 : i32
        %get3A_1039 = arith.constant 1 : i32
        %get3A_1040 = arith.index_cast %get3A_1039 : i32 to index
        %get3A_1041 = arith.index_cast %add3A_1038 : i32 to index
        %get3A_1042 = arith.constant 0 : index
        %get3A_1043 = tpu.vector_load %arg6[%get3A_1040, %get3A_1041, %get3A_1042] {strides = array<i32>} : memref<4x200x64xf32, #tpu.memory_space<vmem>>, vector<16xf32>,
        %add3A_1044 = arith.addf %add3A_988, %get3A_1043 : vector<16xf32>
        %get3A_1045 = arith.constant 1 : i32
        %get3A_1046 = arith.index_cast %get3A_1045 : i32 to index
        %get3A_1047 = arith.index_cast %add3A_1038 : i32 to index
        %get3A_1048 = arith.constant 16 : index
        %get3A_1049 = tpu.vector_load %arg6[%get3A_1046, %get3A_1047, %get3A_1048] {strides = array<i32>} : memref<4x200x64xf32, #tpu.memory_space<vmem>>, vector<16xf32>,
        %add3A_1050 = arith.addf %add3A_994, %get3A_1049 : vector<16xf32>
        %get3A_1051 = arith.constant 1 : i32
        %get3A_1052 = arith.index_cast %get3A_1051 : i32 to index
        %get3A_1053 = arith.index_cast %add3A_1038 : i32 to index
        %get3A_1054 = arith.constant 32 : index
        %get3A_1055 = tpu.vector_load %arg6[%get3A_1052, %get3A_1053, %get3A_1054] {strides = array<i32>} : memref<4x200x64xf32, #tpu.memory_space<vmem>>, vector<16xf32>,
        %add3A_1056 = arith.addf %add3A_1000, %get3A_1055 : vector<16xf32>
        %get3A_1057 = arith.constant 1 : i32
        %get3A_1058 = arith.index_cast %get3A_1057 : i32 to index
        %get3A_1059 = arith.index_cast %add3A_1038 : i32 to index
        %get3A_1060 = arith.constant 48 : index
        %get3A_1061 = tpu.vector_load %arg6[%get3A_1058, %get3A_1059, %get3A_1060] {strides = array<i32>} : memref<4x200x64xf32, #tpu.memory_space<vmem>>, vector<16xf32>,
        %add3A_1062 = arith.addf %add3A_1006, %get3A_1061 : vector<16xf32>
        %mul3A_1063 = arith.constant 8 : i32
        %mul3A_1064 = arith.muli %scan3A_942, %mul3A_1063 : i32
        %add3A_1065 = arith.constant 4 : i32
        %add3A_1066 = arith.addi %mul3A_1064, %add3A_1065 : i32
        %get3A_1067 = arith.constant 1 : i32
        %get3A_1068 = arith.index_cast %get3A_1067 : i32 to index
        %get3A_1069 = arith.index_cast %add3A_1066 : i32 to index
        %get3A_1070 = arith.constant 0 : index
        %get3A_1071 = tpu.vector_load %arg6[%get3A_1068, %get3A_1069, %get3A_1070] {strides = array<i32>} : memref<4x200x64xf32, #tpu.memory_space<vmem>>, vector<16xf32>,
        %add3A_1072 = arith.addf %add3A_1016, %get3A_1071 : vector<16xf32>
        %get3A_1073 = arith.constant 1 : i32
        %get3A_1074 = arith.index_cast %get3A_1073 : i32 to index
        %get3A_1075 = arith.index_cast %add3A_1066 : i32 to index
        %get3A_1076 = arith.constant 16 : index
        %get3A_1077 = tpu.vector_load %arg6[%get3A_1074, %get3A_1075, %get3A_1076] {strides = array<i32>} : memref<4x200x64xf32, #tpu.memory_space<vmem>>, vector<16xf32>,
        %add3A_1078 = arith.addf %add3A_1022, %get3A_1077 : vector<16xf32>
        %get3A_1079 = arith.constant 1 : i32
        %get3A_1080 = arith.index_cast %get3A_1079 : i32 to index
        %get3A_1081 = arith.index_cast %add3A_1066 : i32 to index
        %get3A_1082 = arith.constant 32 : index
        %get3A_1083 = tpu.vector_load %arg6[%get3A_1080, %get3A_1081, %get3A_1082] {strides = array<i32>} : memref<4x200x64xf32, #tpu.memory_space<vmem>>, vector<16xf32>,
        %add3A_1084 = arith.addf %add3A_1028, %get3A_1083 : vector<16xf32>
        %get3A_1085 = arith.constant 1 : i32
        %get3A_1086 = arith.index_cast %get3A_1085 : i32 to index
        %get3A_1087 = arith.index_cast %add3A_1066 : i32 to index
        %get3A_1088 = arith.constant 48 : index
        %get3A_1089 = tpu.vector_load %arg6[%get3A_1086, %get3A_1087, %get3A_1088] {strides = array<i32>} : memref<4x200x64xf32, #tpu.memory_space<vmem>>, vector<16xf32>,
        %add3A_1090 = arith.addf %add3A_1034, %get3A_1089 : vector<16xf32>
        %mul3A_1091 = arith.constant 8 : i32
        %mul3A_1092 = arith.muli %scan3A_942, %mul3A_1091 : i32
        %add3A_1093 = arith.constant 5 : i32
        %add3A_1094 = arith.addi %mul3A_1092, %add3A_1093 : i32
        %get3A_1095 = arith.constant 1 : i32
        %get3A_1096 = arith.index_cast %get3A_1095 : i32 to index
        %get3A_1097 = arith.index_cast %add3A_1094 : i32 to index
        %get3A_1098 = arith.constant 0 : index
        %get3A_1099 = tpu.vector_load %arg6[%get3A_1096, %get3A_1097, %get3A_1098] {strides = array<i32>} : memref<4x200x64xf32, #tpu.memory_space<vmem>>, vector<16xf32>,
        %add3A_1100 = arith.addf %add3A_1044, %get3A_1099 : vector<16xf32>
        %get3A_1101 = arith.constant 1 : i32
        %get3A_1102 = arith.index_cast %get3A_1101 : i32 to index
        %get3A_1103 = arith.index_cast %add3A_1094 : i32 to index
        %get3A_1104 = arith.constant 16 : index
        %get3A_1105 = tpu.vector_load %arg6[%get3A_1102, %get3A_1103, %get3A_1104] {strides = array<i32>} : memref<4x200x64xf32, #tpu.memory_space<vmem>>, vector<16xf32>,
        %add3A_1106 = arith.addf %add3A_1050, %get3A_1105 : vector<16xf32>
        %get3A_1107 = arith.constant 1 : i32
        %get3A_1108 = arith.index_cast %get3A_1107 : i32 to index
        %get3A_1109 = arith.index_cast %add3A_1094 : i32 to index
        %get3A_1110 = arith.constant 32 : index
        %get3A_1111 = tpu.vector_load %arg6[%get3A_1108, %get3A_1109, %get3A_1110] {strides = array<i32>} : memref<4x200x64xf32, #tpu.memory_space<vmem>>, vector<16xf32>,
        %add3A_1112 = arith.addf %add3A_1056, %get3A_1111 : vector<16xf32>
        %get3A_1113 = arith.constant 1 : i32
        %get3A_1114 = arith.index_cast %get3A_1113 : i32 to index
        %get3A_1115 = arith.index_cast %add3A_1094 : i32 to index
        %get3A_1116 = arith.constant 48 : index
        %get3A_1117 = tpu.vector_load %arg6[%get3A_1114, %get3A_1115, %get3A_1116] {strides = array<i32>} : memref<4x200x64xf32, #tpu.memory_space<vmem>>, vector<16xf32>,
        %add3A_1118 = arith.addf %add3A_1062, %get3A_1117 : vector<16xf32>
        %mul3A_1119 = arith.constant 8 : i32
        %mul3A_1120 = arith.muli %scan3A_942, %mul3A_1119 : i32
        %add3A_1121 = arith.constant 6 : i32
        %add3A_1122 = arith.addi %mul3A_1120, %add3A_1121 : i32
        %get3A_1123 = arith.constant 1 : i32
        %get3A_1124 = arith.index_cast %get3A_1123 : i32 to index
        %get3A_1125 = arith.index_cast %add3A_1122 : i32 to index
        %get3A_1126 = arith.constant 0 : index
        %get3A_1127 = tpu.vector_load %arg6[%get3A_1124, %get3A_1125, %get3A_1126] {strides = array<i32>} : memref<4x200x64xf32, #tpu.memory_space<vmem>>, vector<16xf32>,
        %add3A_1128 = arith.addf %add3A_1072, %get3A_1127 : vector<16xf32>
        %get3A_1129 = arith.constant 1 : i32
        %get3A_1130 = arith.index_cast %get3A_1129 : i32 to index
        %get3A_1131 = arith.index_cast %add3A_1122 : i32 to index
        %get3A_1132 = arith.constant 16 : index
        %get3A_1133 = tpu.vector_load %arg6[%get3A_1130, %get3A_1131, %get3A_1132] {strides = array<i32>} : memref<4x200x64xf32, #tpu.memory_space<vmem>>, vector<16xf32>,
        %add3A_1134 = arith.addf %add3A_1078, %get3A_1133 : vector<16xf32>
        %get3A_1135 = arith.constant 1 : i32
        %get3A_1136 = arith.index_cast %get3A_1135 : i32 to index
        %get3A_1137 = arith.index_cast %add3A_1122 : i32 to index
        %get3A_1138 = arith.constant 32 : index
        %get3A_1139 = tpu.vector_load %arg6[%get3A_1136, %get3A_1137, %get3A_1138] {strides = array<i32>} : memref<4x200x64xf32, #tpu.memory_space<vmem>>, vector<16xf32>,
        %add3A_1140 = arith.addf %add3A_1084, %get3A_1139 : vector<16xf32>
        %get3A_1141 = arith.constant 1 : i32
        %get3A_1142 = arith.index_cast %get3A_1141 : i32 to index
        %get3A_1143 = arith.index_cast %add3A_1122 : i32 to index
        %get3A_1144 = arith.constant 48 : index
        %get3A_1145 = tpu.vector_load %arg6[%get3A_1142, %get3A_1143, %get3A_1144] {strides = array<i32>} : memref<4x200x64xf32, #tpu.memory_space<vmem>>, vector<16xf32>,
        %add3A_1146 = arith.addf %add3A_1090, %get3A_1145 : vector<16xf32>
        %mul3A_1147 = arith.constant 8 : i32
        %mul3A_1148 = arith.muli %scan3A_942, %mul3A_1147 : i32
        %add3A_1149 = arith.constant 7 : i32
        %add3A_1150 = arith.addi %mul3A_1148, %add3A_1149 : i32
        %get3A_1151 = arith.constant 1 : i32
        %get3A_1152 = arith.index_cast %get3A_1151 : i32 to index
        %get3A_1153 = arith.index_cast %add3A_1150 : i32 to index
        %get3A_1154 = arith.constant 0 : index
        %get3A_1155 = tpu.vector_load %arg6[%get3A_1152, %get3A_1153, %get3A_1154] {strides = array<i32>} : memref<4x200x64xf32, #tpu.memory_space<vmem>>, vector<16xf32>,
        %add3A_1156 = arith.addf %add3A_1100, %get3A_1155 : vector<16xf32>
        %get3A_1157 = arith.constant 1 : i32
        %get3A_1158 = arith.index_cast %get3A_1157 : i32 to index
        %get3A_1159 = arith.index_cast %add3A_1150 : i32 to index
        %get3A_1160 = arith.constant 16 : index
        %get3A_1161 = tpu.vector_load %arg6[%get3A_1158, %get3A_1159, %get3A_1160] {strides = array<i32>} : memref<4x200x64xf32, #tpu.memory_space<vmem>>, vector<16xf32>,
        %add3A_1162 = arith.addf %add3A_1106, %get3A_1161 : vector<16xf32>
        %get3A_1163 = arith.constant 1 : i32
        %get3A_1164 = arith.index_cast %get3A_1163 : i32 to index
        %get3A_1165 = arith.index_cast %add3A_1150 : i32 to index
        %get3A_1166 = arith.constant 32 : index
        %get3A_1167 = tpu.vector_load %arg6[%get3A_1164, %get3A_1165, %get3A_1166] {strides = array<i32>} : memref<4x200x64xf32, #tpu.memory_space<vmem>>, vector<16xf32>,
        %add3A_1168 = arith.addf %add3A_1112, %get3A_1167 : vector<16xf32>
        %get3A_1169 = arith.constant 1 : i32
        %get3A_1170 = arith.index_cast %get3A_1169 : i32 to index
        %get3A_1171 = arith.index_cast %add3A_1150 : i32 to index
        %get3A_1172 = arith.constant 48 : index
        %get3A_1173 = tpu.vector_load %arg6[%get3A_1170, %get3A_1171, %get3A_1172] {strides = array<i32>} : memref<4x200x64xf32, #tpu.memory_space<vmem>>, vector<16xf32>,
        %add3A_1174 = arith.addf %add3A_1118, %get3A_1173 : vector<16xf32>
        scf.yield %add3A_1128, %add3A_1134, %add3A_1140, %add3A_1146, %add3A_1156, %add3A_1162, %add3A_1168, %add3A_1174 : vector<16xf32>, vector<16xf32>, vector<16xf32>, vector<16xf32>, vector<16xf32>, vector<16xf32>, vector<16xf32>, vector<16xf32>
      }
      %scan3A_495 = arith.constant 25 : i32
      %add3A_496 = arith.addf %scan3A_494#0, %scan3A_494#4 : vector<16xf32>
      %mul3A_497 = arith.mulf %add3A_496, %div3A_487 : vector<16xf32>
      %swap3A_498 = arith.index_cast %add3A_306 : i32 to index
      %swap3A_499 = arith.constant 0 : index
      %swap3A_500 = tpu.vector_load %arg7[%swap3A_498, %swap3A_499] {strides = array<i32>} : memref<128x64xf32, #tpu.memory_space<vmem>>, vector<16xf32>,
      tpu.vector_store %arg7[%swap3A_498, %swap3A_499], %mul3A_497 {strides = array<i32>} : memref<128x64xf32, #tpu.memory_space<vmem>>, vector<16xf32>,
      %add3A_501 = arith.addf %scan3A_494#1, %scan3A_494#5 : vector<16xf32>
      %mul3A_502 = arith.mulf %add3A_501, %div3A_487 : vector<16xf32>
      %swap3A_503 = arith.index_cast %add3A_306 : i32 to index
      %swap3A_504 = arith.constant 16 : index
      %swap3A_505 = tpu.vector_load %arg7[%swap3A_503, %swap3A_504] {strides = array<i32>} : memref<128x64xf32, #tpu.memory_space<vmem>>, vector<16xf32>,
      tpu.vector_store %arg7[%swap3A_503, %swap3A_504], %mul3A_502 {strides = array<i32>} : memref<128x64xf32, #tpu.memory_space<vmem>>, vector<16xf32>,
      %add3A_506 = arith.addf %scan3A_494#2, %scan3A_494#6 : vector<16xf32>
      %mul3A_507 = arith.mulf %add3A_506, %div3A_487 : vector<16xf32>
      %swap3A_508 = arith.index_cast %add3A_306 : i32 to index
      %swap3A_509 = arith.constant 32 : index
      %swap3A_510 = tpu.vector_load %arg7[%swap3A_508, %swap3A_509] {strides = array<i32>} : memref<128x64xf32, #tpu.memory_space<vmem>>, vector<16xf32>,
      tpu.vector_store %arg7[%swap3A_508, %swap3A_509], %mul3A_507 {strides = array<i32>} : memref<128x64xf32, #tpu.memory_space<vmem>>, vector<16xf32>,
      %add3A_511 = arith.addf %scan3A_494#3, %scan3A_494#7 : vector<16xf32>
      %mul3A_512 = arith.mulf %add3A_511, %div3A_487 : vector<16xf32>
      %swap3A_513 = arith.index_cast %add3A_306 : i32 to index
      %swap3A_514 = arith.constant 48 : index
      %swap3A_515 = tpu.vector_load %arg7[%swap3A_513, %swap3A_514] {strides = array<i32>} : memref<128x64xf32, #tpu.memory_space<vmem>>, vector<16xf32>,
      tpu.vector_store %arg7[%swap3A_513, %swap3A_514], %mul3A_512 {strides = array<i32>} : memref<128x64xf32, #tpu.memory_space<vmem>>, vector<16xf32>,
      %mul3A_516 = arith.constant 4 : i32
      %mul3A_517 = arith.muli %scan3A_103, %mul3A_516 : i32
      %add3A_518 = arith.constant 2 : i32
      %add3A_519 = arith.addi %mul3A_517, %add3A_518 : i32
      %dma_wait3A_520 = arith.constant 2 : i32
      %dma_wait3A_521 = arith.constant 2 : i32
      %dma_wait3A_522 = arith.constant 0 : i32
      %dma_wait3A_523 = arith.constant 0 : i32
      %dma_wait3A_524 = tpu.memref_slice %arg6[%dma_wait3A_520, %dma_wait3A_522, %dma_wait3A_523] : memref<4x200x64xf32, #tpu.memory_space<vmem>> -> memref<1x104x64xf32, #tpu.memory_space<vmem>>
      %dma_wait3A_525 = tpu.memref_squeeze %dma_wait3A_524 : memref<1x104x64xf32, #tpu.memory_space<vmem>> -> memref<104x64xf32, #tpu.memory_space<vmem>>
      %dma_wait3A_526 = arith.constant 0 : i32
      %dma_wait3A_527 = tpu.memref_slice %arg5[%add3A_519, %dma_wait3A_526] : memref<128x200xi32, #tpu.memory_space<vmem>> -> memref<1x104xi32, #tpu.memory_space<vmem>>
      %dma_wait3A_528 = tpu.memref_squeeze %dma_wait3A_527 : memref<1x104xi32, #tpu.memory_space<vmem>> -> memref<104xi32, #tpu.memory_space<vmem>>
      %dma_wait3A_529 = arith.constant 0 : i32
      %dma_wait3A_530 = arith.constant 0 : i32
      %dma_wait3A_531 = tpu.memref_slice %arg3[%dma_wait3A_529, %dma_wait3A_530] : memref<1015808x64xf32, #tpu.memory_space<hbm>> -> memref<1015808x64xf32, #tpu.memory_space<hbm>>
      %dma_wait3A_532 = tpu.memref_slice %arg8[%dma_wait3A_521] : memref<4x!tpu.dma_semaphore, #tpu.memory_space<semaphore_mem>> -> memref<1x!tpu.dma_semaphore, #tpu.memory_space<semaphore_mem>>
      %dma_wait3A_533 = tpu.memref_squeeze %dma_wait3A_532 : memref<1x!tpu.dma_semaphore, #tpu.memory_space<semaphore_mem>> -> memref<!tpu.dma_semaphore, #tpu.memory_space<semaphore_mem>>
      tpu.wait_indirect_dma semaphore(%dma_wait3A_533 : memref<!tpu.dma_semaphore, #tpu.memory_space<semaphore_mem>>) src(%dma_wait3A_531 : memref<1015808x64xf32, #tpu.memory_space<hbm>>) dst(%dma_wait3A_525 : memref<104x64xf32, #tpu.memory_space<vmem>>)
      %dma_wait3A_534 = arith.constant 2 : i32
      %dma_wait3A_535 = arith.constant 2 : i32
      %dma_wait3A_536 = arith.constant 104 : i32
      %dma_wait3A_537 = arith.constant 0 : i32
      %dma_wait3A_538 = tpu.memref_slice %arg6[%dma_wait3A_534, %dma_wait3A_536, %dma_wait3A_537] : memref<4x200x64xf32, #tpu.memory_space<vmem>> -> memref<1x96x64xf32, #tpu.memory_space<vmem>>
      %dma_wait3A_539 = tpu.memref_squeeze %dma_wait3A_538 : memref<1x96x64xf32, #tpu.memory_space<vmem>> -> memref<96x64xf32, #tpu.memory_space<vmem>>
      %dma_wait3A_540 = arith.constant 104 : i32
      %dma_wait3A_541 = tpu.memref_slice %arg5[%add3A_519, %dma_wait3A_540] : memref<128x200xi32, #tpu.memory_space<vmem>> -> memref<1x96xi32, #tpu.memory_space<vmem>>
      %dma_wait3A_542 = tpu.memref_squeeze %dma_wait3A_541 : memref<1x96xi32, #tpu.memory_space<vmem>> -> memref<96xi32, #tpu.memory_space<vmem>>
      %dma_wait3A_543 = arith.constant 0 : i32
      %dma_wait3A_544 = arith.constant 0 : i32
      %dma_wait3A_545 = tpu.memref_slice %arg3[%dma_wait3A_543, %dma_wait3A_544] : memref<1015808x64xf32, #tpu.memory_space<hbm>> -> memref<1015808x64xf32, #tpu.memory_space<hbm>>
      %dma_wait3A_546 = tpu.memref_slice %arg8[%dma_wait3A_535] : memref<4x!tpu.dma_semaphore, #tpu.memory_space<semaphore_mem>> -> memref<1x!tpu.dma_semaphore, #tpu.memory_space<semaphore_mem>>
      %dma_wait3A_547 = tpu.memref_squeeze %dma_wait3A_546 : memref<1x!tpu.dma_semaphore, #tpu.memory_space<semaphore_mem>> -> memref<!tpu.dma_semaphore, #tpu.memory_space<semaphore_mem>>
      tpu.wait_indirect_dma semaphore(%dma_wait3A_547 : memref<!tpu.dma_semaphore, #tpu.memory_space<semaphore_mem>>) src(%dma_wait3A_545 : memref<1015808x64xf32, #tpu.memory_space<hbm>>) dst(%dma_wait3A_539 : memref<96x64xf32, #tpu.memory_space<vmem>>)
      %add3A_548 = arith.constant 4 : i32
      %add3A_549 = arith.addi %add3A_519, %add3A_548 : i32
      %sub3A_550 = arith.constant 1 : i32
      %sub3A_551 = arith.subi %add3A_549, %sub3A_550 : i32
      %lt3A_552 = arith.constant 128 : i32
      %lt3A_553 = arith.cmpi slt, %sub3A_551, %lt3A_552 : i32
      %convert_element_type3A_554 = arith.extui %lt3A_553 : i1 to i32
      %cond3A_555 = arith.constant 0 : i32
      %cond3A_556 = arith.cmpi ne, %convert_element_type3A_554, %cond3A_555 : i32
      scf.if %cond3A_556 {
        %add3A_942 = arith.constant 4 : i32
        %add3A_943 = arith.addi %add3A_519, %add3A_942 : i32
        %sub3A_944 = arith.constant 1 : i32
        %sub3A_945 = arith.subi %add3A_943, %sub3A_944 : i32
        %dma_start3A_946 = arith.constant 1 : i32
        %dma_start3A_947 = arith.constant 1 : i32
        %dma_start3A_948 = arith.constant 0 : i32
        %dma_start3A_949 = arith.constant 0 : i32
        %dma_start3A_950 = tpu.memref_slice %arg6[%dma_start3A_946, %dma_start3A_948, %dma_start3A_949] : memref<4x200x64xf32, #tpu.memory_space<vmem>> -> memref<1x104x64xf32, #tpu.memory_space<vmem>>
        %dma_start3A_951 = tpu.memref_squeeze %dma_start3A_950 : memref<1x104x64xf32, #tpu.memory_space<vmem>> -> memref<104x64xf32, #tpu.memory_space<vmem>>
        %dma_start3A_952 = arith.constant 0 : i32
        %dma_start3A_953 = tpu.memref_slice %arg5[%sub3A_945, %dma_start3A_952] : memref<128x200xi32, #tpu.memory_space<vmem>> -> memref<1x104xi32, #tpu.memory_space<vmem>>
        %dma_start3A_954 = tpu.memref_squeeze %dma_start3A_953 : memref<1x104xi32, #tpu.memory_space<vmem>> -> memref<104xi32, #tpu.memory_space<vmem>>
        %dma_start3A_955 = arith.constant 0 : i32
        %dma_start3A_956 = arith.constant 0 : i32
        %dma_start3A_957 = tpu.memref_slice %arg3[%dma_start3A_955, %dma_start3A_956] : memref<1015808x64xf32, #tpu.memory_space<hbm>> -> memref<1015808x64xf32, #tpu.memory_space<hbm>>
        %dma_start3A_958 = tpu.memref_slice %arg8[%dma_start3A_947] : memref<4x!tpu.dma_semaphore, #tpu.memory_space<semaphore_mem>> -> memref<1x!tpu.dma_semaphore, #tpu.memory_space<semaphore_mem>>
        %dma_start3A_959 = tpu.memref_squeeze %dma_start3A_958 : memref<1x!tpu.dma_semaphore, #tpu.memory_space<semaphore_mem>> -> memref<!tpu.dma_semaphore, #tpu.memory_space<semaphore_mem>>
        tpu.enqueue_indirect_dma source(%dma_start3A_957 : memref<1015808x64xf32, #tpu.memory_space<hbm>>) target(%dma_start3A_951 : memref<104x64xf32, #tpu.memory_space<vmem>>) offsets(%dma_start3A_954 : memref<104xi32, #tpu.memory_space<vmem>>) semaphore(%dma_start3A_959 : memref<!tpu.dma_semaphore, #tpu.memory_space<semaphore_mem>>)
        %dma_start3A_960 = arith.constant 1 : i32
        %dma_start3A_961 = arith.constant 1 : i32
        %dma_start3A_962 = arith.constant 104 : i32
        %dma_start3A_963 = arith.constant 0 : i32
        %dma_start3A_964 = tpu.memref_slice %arg6[%dma_start3A_960, %dma_start3A_962, %dma_start3A_963] : memref<4x200x64xf32, #tpu.memory_space<vmem>> -> memref<1x96x64xf32, #tpu.memory_space<vmem>>
        %dma_start3A_965 = tpu.memref_squeeze %dma_start3A_964 : memref<1x96x64xf32, #tpu.memory_space<vmem>> -> memref<96x64xf32, #tpu.memory_space<vmem>>
        %dma_start3A_966 = arith.constant 104 : i32
        %dma_start3A_967 = tpu.memref_slice %arg5[%sub3A_945, %dma_start3A_966] : memref<128x200xi32, #tpu.memory_space<vmem>> -> memref<1x96xi32, #tpu.memory_space<vmem>>
        %dma_start3A_968 = tpu.memref_squeeze %dma_start3A_967 : memref<1x96xi32, #tpu.memory_space<vmem>> -> memref<96xi32, #tpu.memory_space<vmem>>
        %dma_start3A_969 = arith.constant 0 : i32
        %dma_start3A_970 = arith.constant 0 : i32
        %dma_start3A_971 = tpu.memref_slice %arg3[%dma_start3A_969, %dma_start3A_970] : memref<1015808x64xf32, #tpu.memory_space<hbm>> -> memref<1015808x64xf32, #tpu.memory_space<hbm>>
        %dma_start3A_972 = tpu.memref_slice %arg8[%dma_start3A_961] : memref<4x!tpu.dma_semaphore, #tpu.memory_space<semaphore_mem>> -> memref<1x!tpu.dma_semaphore, #tpu.memory_space<semaphore_mem>>
        %dma_start3A_973 = tpu.memref_squeeze %dma_start3A_972 : memref<1x!tpu.dma_semaphore, #tpu.memory_space<semaphore_mem>> -> memref<!tpu.dma_semaphore, #tpu.memory_space<semaphore_mem>>
        tpu.enqueue_indirect_dma source(%dma_start3A_971 : memref<1015808x64xf32, #tpu.memory_space<hbm>>) target(%dma_start3A_965 : memref<96x64xf32, #tpu.memory_space<vmem>>) offsets(%dma_start3A_968 : memref<96xi32, #tpu.memory_space<vmem>>) semaphore(%dma_start3A_973 : memref<!tpu.dma_semaphore, #tpu.memory_space<semaphore_mem>>)
      } else {
      }
      %broadcast_in_dim3A_557 = arith.constant 0 : i32
      %broadcast_in_dim3A_558 = vector.broadcast %broadcast_in_dim3A_557 : i32 to vector<16xi32>
      %get3A_559 = arith.constant 0 : i32
      %get3A_560 = tpu.memref_slice %arg5[%add3A_519, %get3A_559] : memref<128x200xi32, #tpu.memory_space<vmem>> -> memref<1x200xi32, #tpu.memory_space<vmem>>
      %get3A_561 = tpu.memref_squeeze %get3A_560 : memref<1x200xi32, #tpu.memory_space<vmem>> -> memref<200xi32, #tpu.memory_space<vmem>>
      %get3A_562 = arith.constant 0 : index
      %get3A_563 = tpu.vector_load %get3A_561[%get3A_562] {strides = array<i32>} : memref<200xi32, #tpu.memory_space<vmem>>, vector<16xi32>,
      %ne3A_564 = arith.constant 0 : i32
      %ne3A_565 = vector.broadcast %ne3A_564 : i32 to vector<16xi32>
      %ne3A_566 = arith.cmpi ne, %get3A_563, %ne3A_565 : vector<16xi32>
      %all_reduce_population_count3A_567 = tpu.all_reduce %ne3A_566 {dim = 0 : i64, kind = #tpu.reduction_kind<sum>} : vector<16xi1> -> vector<16xi32>
      %add3A_568 = arith.addi %broadcast_in_dim3A_558, %all_reduce_population_count3A_567 : vector<16xi32>
      %get3A_569 = arith.constant 0 : i32
      %get3A_570 = tpu.memref_slice %arg5[%add3A_519, %get3A_569] : memref<128x200xi32, #tpu.memory_space<vmem>> -> memref<1x200xi32, #tpu.memory_space<vmem>>
      %get3A_571 = tpu.memref_squeeze %get3A_570 : memref<1x200xi32, #tpu.memory_space<vmem>> -> memref<200xi32, #tpu.memory_space<vmem>>
      %get3A_572 = arith.constant 16 : index
      %get3A_573 = tpu.vector_load %get3A_571[%get3A_572] {strides = array<i32>} : memref<200xi32, #tpu.memory_space<vmem>>, vector<16xi32>,
      %ne3A_574 = arith.constant 0 : i32
      %ne3A_575 = vector.broadcast %ne3A_574 : i32 to vector<16xi32>
      %ne3A_576 = arith.cmpi ne, %get3A_573, %ne3A_575 : vector<16xi32>
      %all_reduce_population_count3A_577 = tpu.all_reduce %ne3A_576 {dim = 0 : i64, kind = #tpu.reduction_kind<sum>} : vector<16xi1> -> vector<16xi32>
      %add3A_578 = arith.addi %add3A_568, %all_reduce_population_count3A_577 : vector<16xi32>
      %get3A_579 = arith.constant 0 : i32
      %get3A_580 = tpu.memref_slice %arg5[%add3A_519, %get3A_579] : memref<128x200xi32, #tpu.memory_space<vmem>> -> memref<1x200xi32, #tpu.memory_space<vmem>>
      %get3A_581 = tpu.memref_squeeze %get3A_580 : memref<1x200xi32, #tpu.memory_space<vmem>> -> memref<200xi32, #tpu.memory_space<vmem>>
      %get3A_582 = arith.constant 32 : index
      %get3A_583 = tpu.vector_load %get3A_581[%get3A_582] {strides = array<i32>} : memref<200xi32, #tpu.memory_space<vmem>>, vector<16xi32>,
      %ne3A_584 = arith.constant 0 : i32
      %ne3A_585 = vector.broadcast %ne3A_584 : i32 to vector<16xi32>
      %ne3A_586 = arith.cmpi ne, %get3A_583, %ne3A_585 : vector<16xi32>
      %all_reduce_population_count3A_587 = tpu.all_reduce %ne3A_586 {dim = 0 : i64, kind = #tpu.reduction_kind<sum>} : vector<16xi1> -> vector<16xi32>
      %add3A_588 = arith.addi %add3A_578, %all_reduce_population_count3A_587 : vector<16xi32>
      %get3A_589 = arith.constant 0 : i32
      %get3A_590 = tpu.memref_slice %arg5[%add3A_519, %get3A_589] : memref<128x200xi32, #tpu.memory_space<vmem>> -> memref<1x200xi32, #tpu.memory_space<vmem>>
      %get3A_591 = tpu.memref_squeeze %get3A_590 : memref<1x200xi32, #tpu.memory_space<vmem>> -> memref<200xi32, #tpu.memory_space<vmem>>
      %get3A_592 = arith.constant 48 : index
      %get3A_593 = tpu.vector_load %get3A_591[%get3A_592] {strides = array<i32>} : memref<200xi32, #tpu.memory_space<vmem>>, vector<16xi32>,
      %ne3A_594 = arith.constant 0 : i32
      %ne3A_595 = vector.broadcast %ne3A_594 : i32 to vector<16xi32>
      %ne3A_596 = arith.cmpi ne, %get3A_593, %ne3A_595 : vector<16xi32>
      %all_reduce_population_count3A_597 = tpu.all_reduce %ne3A_596 {dim = 0 : i64, kind = #tpu.reduction_kind<sum>} : vector<16xi1> -> vector<16xi32>
      %add3A_598 = arith.addi %add3A_588, %all_reduce_population_count3A_597 : vector<16xi32>
      %get3A_599 = arith.constant 0 : i32
      %get3A_600 = tpu.memref_slice %arg5[%add3A_519, %get3A_599] : memref<128x200xi32, #tpu.memory_space<vmem>> -> memref<1x200xi32, #tpu.memory_space<vmem>>
      %get3A_601 = tpu.memref_squeeze %get3A_600 : memref<1x200xi32, #tpu.memory_space<vmem>> -> memref<200xi32, #tpu.memory_space<vmem>>
      %get3A_602 = arith.constant 64 : index
      %get3A_603 = tpu.vector_load %get3A_601[%get3A_602] {strides = array<i32>} : memref<200xi32, #tpu.memory_space<vmem>>, vector<16xi32>,
      %ne3A_604 = arith.constant 0 : i32
      %ne3A_605 = vector.broadcast %ne3A_604 : i32 to vector<16xi32>
      %ne3A_606 = arith.cmpi ne, %get3A_603, %ne3A_605 : vector<16xi32>
      %all_reduce_population_count3A_607 = tpu.all_reduce %ne3A_606 {dim = 0 : i64, kind = #tpu.reduction_kind<sum>} : vector<16xi1> -> vector<16xi32>
      %add3A_608 = arith.addi %add3A_598, %all_reduce_population_count3A_607 : vector<16xi32>
      %get3A_609 = arith.constant 0 : i32
      %get3A_610 = tpu.memref_slice %arg5[%add3A_519, %get3A_609] : memref<128x200xi32, #tpu.memory_space<vmem>> -> memref<1x200xi32, #tpu.memory_space<vmem>>
      %get3A_611 = tpu.memref_squeeze %get3A_610 : memref<1x200xi32, #tpu.memory_space<vmem>> -> memref<200xi32, #tpu.memory_space<vmem>>
      %get3A_612 = arith.constant 80 : index
      %get3A_613 = tpu.vector_load %get3A_611[%get3A_612] {strides = array<i32>} : memref<200xi32, #tpu.memory_space<vmem>>, vector<16xi32>,
      %ne3A_614 = arith.constant 0 : i32
      %ne3A_615 = vector.broadcast %ne3A_614 : i32 to vector<16xi32>
      %ne3A_616 = arith.cmpi ne, %get3A_613, %ne3A_615 : vector<16xi32>
      %all_reduce_population_count3A_617 = tpu.all_reduce %ne3A_616 {dim = 0 : i64, kind = #tpu.reduction_kind<sum>} : vector<16xi1> -> vector<16xi32>
      %add3A_618 = arith.addi %add3A_608, %all_reduce_population_count3A_617 : vector<16xi32>
      %get3A_619 = arith.constant 0 : i32
      %get3A_620 = tpu.memref_slice %arg5[%add3A_519, %get3A_619] : memref<128x200xi32, #tpu.memory_space<vmem>> -> memref<1x200xi32, #tpu.memory_space<vmem>>
      %get3A_621 = tpu.memref_squeeze %get3A_620 : memref<1x200xi32, #tpu.memory_space<vmem>> -> memref<200xi32, #tpu.memory_space<vmem>>
      %get3A_622 = arith.constant 96 : index
      %get3A_623 = tpu.vector_load %get3A_621[%get3A_622] {strides = array<i32>} : memref<200xi32, #tpu.memory_space<vmem>>, vector<16xi32>,
      %ne3A_624 = arith.constant 0 : i32
      %ne3A_625 = vector.broadcast %ne3A_624 : i32 to vector<16xi32>
      %ne3A_626 = arith.cmpi ne, %get3A_623, %ne3A_625 : vector<16xi32>
      %all_reduce_population_count3A_627 = tpu.all_reduce %ne3A_626 {dim = 0 : i64, kind = #tpu.reduction_kind<sum>} : vector<16xi1> -> vector<16xi32>
      %add3A_628 = arith.addi %add3A_618, %all_reduce_population_count3A_627 : vector<16xi32>
      %get3A_629 = arith.constant 0 : i32
      %get3A_630 = tpu.memref_slice %arg5[%add3A_519, %get3A_629] : memref<128x200xi32, #tpu.memory_space<vmem>> -> memref<1x200xi32, #tpu.memory_space<vmem>>
      %get3A_631 = tpu.memref_squeeze %get3A_630 : memref<1x200xi32, #tpu.memory_space<vmem>> -> memref<200xi32, #tpu.memory_space<vmem>>
      %get3A_632 = arith.constant 112 : index
      %get3A_633 = tpu.vector_load %get3A_631[%get3A_632] {strides = array<i32>} : memref<200xi32, #tpu.memory_space<vmem>>, vector<16xi32>,
      %ne3A_634 = arith.constant 0 : i32
      %ne3A_635 = vector.broadcast %ne3A_634 : i32 to vector<16xi32>
      %ne3A_636 = arith.cmpi ne, %get3A_633, %ne3A_635 : vector<16xi32>
      %all_reduce_population_count3A_637 = tpu.all_reduce %ne3A_636 {dim = 0 : i64, kind = #tpu.reduction_kind<sum>} : vector<16xi1> -> vector<16xi32>
      %add3A_638 = arith.addi %add3A_628, %all_reduce_population_count3A_637 : vector<16xi32>
      %get3A_639 = arith.constant 0 : i32
      %get3A_640 = tpu.memref_slice %arg5[%add3A_519, %get3A_639] : memref<128x200xi32, #tpu.memory_space<vmem>> -> memref<1x200xi32, #tpu.memory_space<vmem>>
      %get3A_641 = tpu.memref_squeeze %get3A_640 : memref<1x200xi32, #tpu.memory_space<vmem>> -> memref<200xi32, #tpu.memory_space<vmem>>
      %get3A_642 = arith.constant 128 : index
      %get3A_643 = tpu.vector_load %get3A_641[%get3A_642] {strides = array<i32>} : memref<200xi32, #tpu.memory_space<vmem>>, vector<16xi32>,
      %ne3A_644 = arith.constant 0 : i32
      %ne3A_645 = vector.broadcast %ne3A_644 : i32 to vector<16xi32>
      %ne3A_646 = arith.cmpi ne, %get3A_643, %ne3A_645 : vector<16xi32>
      %all_reduce_population_count3A_647 = tpu.all_reduce %ne3A_646 {dim = 0 : i64, kind = #tpu.reduction_kind<sum>} : vector<16xi1> -> vector<16xi32>
      %add3A_648 = arith.addi %add3A_638, %all_reduce_population_count3A_647 : vector<16xi32>
      %get3A_649 = arith.constant 0 : i32
      %get3A_650 = tpu.memref_slice %arg5[%add3A_519, %get3A_649] : memref<128x200xi32, #tpu.memory_space<vmem>> -> memref<1x200xi32, #tpu.memory_space<vmem>>
      %get3A_651 = tpu.memref_squeeze %get3A_650 : memref<1x200xi32, #tpu.memory_space<vmem>> -> memref<200xi32, #tpu.memory_space<vmem>>
      %get3A_652 = arith.constant 144 : index
      %get3A_653 = tpu.vector_load %get3A_651[%get3A_652] {strides = array<i32>} : memref<200xi32, #tpu.memory_space<vmem>>, vector<16xi32>,
      %ne3A_654 = arith.constant 0 : i32
      %ne3A_655 = vector.broadcast %ne3A_654 : i32 to vector<16xi32>
      %ne3A_656 = arith.cmpi ne, %get3A_653, %ne3A_655 : vector<16xi32>
      %all_reduce_population_count3A_657 = tpu.all_reduce %ne3A_656 {dim = 0 : i64, kind = #tpu.reduction_kind<sum>} : vector<16xi1> -> vector<16xi32>
      %add3A_658 = arith.addi %add3A_648, %all_reduce_population_count3A_657 : vector<16xi32>
      %get3A_659 = arith.constant 0 : i32
      %get3A_660 = tpu.memref_slice %arg5[%add3A_519, %get3A_659] : memref<128x200xi32, #tpu.memory_space<vmem>> -> memref<1x200xi32, #tpu.memory_space<vmem>>
      %get3A_661 = tpu.memref_squeeze %get3A_660 : memref<1x200xi32, #tpu.memory_space<vmem>> -> memref<200xi32, #tpu.memory_space<vmem>>
      %get3A_662 = arith.constant 160 : index
      %get3A_663 = tpu.vector_load %get3A_661[%get3A_662] {strides = array<i32>} : memref<200xi32, #tpu.memory_space<vmem>>, vector<16xi32>,
      %ne3A_664 = arith.constant 0 : i32
      %ne3A_665 = vector.broadcast %ne3A_664 : i32 to vector<16xi32>
      %ne3A_666 = arith.cmpi ne, %get3A_663, %ne3A_665 : vector<16xi32>
      %all_reduce_population_count3A_667 = tpu.all_reduce %ne3A_666 {dim = 0 : i64, kind = #tpu.reduction_kind<sum>} : vector<16xi1> -> vector<16xi32>
      %add3A_668 = arith.addi %add3A_658, %all_reduce_population_count3A_667 : vector<16xi32>
      %get3A_669 = arith.constant 0 : i32
      %get3A_670 = tpu.memref_slice %arg5[%add3A_519, %get3A_669] : memref<128x200xi32, #tpu.memory_space<vmem>> -> memref<1x200xi32, #tpu.memory_space<vmem>>
      %get3A_671 = tpu.memref_squeeze %get3A_670 : memref<1x200xi32, #tpu.memory_space<vmem>> -> memref<200xi32, #tpu.memory_space<vmem>>
      %get3A_672 = arith.constant 176 : index
      %get3A_673 = tpu.vector_load %get3A_671[%get3A_672] {strides = array<i32>} : memref<200xi32, #tpu.memory_space<vmem>>, vector<16xi32>,
      %ne3A_674 = arith.constant 0 : i32
      %ne3A_675 = vector.broadcast %ne3A_674 : i32 to vector<16xi32>
      %ne3A_676 = arith.cmpi ne, %get3A_673, %ne3A_675 : vector<16xi32>
      %all_reduce_population_count3A_677 = tpu.all_reduce %ne3A_676 {dim = 0 : i64, kind = #tpu.reduction_kind<sum>} : vector<16xi1> -> vector<16xi32>
      %add3A_678 = arith.addi %add3A_668, %all_reduce_population_count3A_677 : vector<16xi32>
      %get3A_679 = arith.constant 0 : i32
      %get3A_680 = tpu.memref_slice %arg5[%add3A_519, %get3A_679] : memref<128x200xi32, #tpu.memory_space<vmem>> -> memref<1x200xi32, #tpu.memory_space<vmem>>
      %get3A_681 = tpu.memref_squeeze %get3A_680 : memref<1x200xi32, #tpu.memory_space<vmem>> -> memref<200xi32, #tpu.memory_space<vmem>>
      %get3A_682 = arith.constant 184 : index
      %get3A_683 = tpu.vector_load %get3A_681[%get3A_682] {strides = array<i32>} : memref<200xi32, #tpu.memory_space<vmem>>, vector<16xi32>,
      %iota3A_684 = tpu.iota {dimensions = array<i32: 0>} : vector<16xi32>
      %ne3A_685 = arith.constant 0 : i32
      %ne3A_686 = vector.broadcast %ne3A_685 : i32 to vector<16xi32>
      %ne3A_687 = arith.cmpi ne, %get3A_683, %ne3A_686 : vector<16xi32>
      %ge3A_688 = arith.constant 8 : i32
      %ge3A_689 = vector.broadcast %ge3A_688 : i32 to vector<16xi32>
      %ge3A_690 = arith.cmpi sge, %iota3A_684, %ge3A_689 : vector<16xi32>
      %and3A_691 = arith.andi %ne3A_687, %ge3A_690 : vector<16xi1>
      %all_reduce_population_count3A_692 = tpu.all_reduce %and3A_691 {dim = 0 : i64, kind = #tpu.reduction_kind<sum>} : vector<16xi1> -> vector<16xi32>
      %add3A_693 = arith.addi %add3A_678, %all_reduce_population_count3A_692 : vector<16xi32>
      %convert_element_type3A_694 = arith.sitofp %add3A_693 : vector<16xi32> to vector<16xf32>
      %max3A_695 = arith.constant 9.99999997E-7 : f32
      %max3A_696 = vector.broadcast %max3A_695 : f32 to vector<16xf32>
      %max3A_697 = arith.maximumf %convert_element_type3A_694, %max3A_696 : vector<16xf32>
      %div3A_698 = arith.constant 1.000000e+00 : f32
      %div3A_699 = vector.broadcast %div3A_698 : f32 to vector<16xf32>
      %div3A_700 = arith.divf %div3A_699, %max3A_697 : vector<16xf32>
      %broadcast_in_dim3A_701 = arith.constant 0.000000e+00 : f32
      %broadcast_in_dim3A_702 = vector.broadcast %broadcast_in_dim3A_701 : f32 to vector<16xf32>
      %scan3A_703 = arith.constant 0 : i32
      %scan3A_704 = arith.constant 25 : i32
      %scan3A_705 = arith.addi %scan3A_703, %scan3A_704 : i32
      %scan3A_706 = arith.constant 1 : i32
      %scan3A_707:8 = scf.for %scan3A_942 = %scan3A_703 to %scan3A_705 step %scan3A_706 iter_args(%scan3A_943 = %broadcast_in_dim3A_702, %scan3A_944 = %broadcast_in_dim3A_702, %scan3A_945 = %broadcast_in_dim3A_702, %scan3A_946 = %broadcast_in_dim3A_702, %scan3A_947 = %broadcast_in_dim3A_702, %scan3A_948 = %broadcast_in_dim3A_702, %scan3A_949 = %broadcast_in_dim3A_702, %scan3A_950 = %broadcast_in_dim3A_702) -> (vector<16xf32>, vector<16xf32>, vector<16xf32>, vector<16xf32>, vector<16xf32>, vector<16xf32>, vector<16xf32>, vector<16xf32>)  : i32 {
        %mul3A_951 = arith.constant 8 : i32
        %mul3A_952 = arith.muli %scan3A_942, %mul3A_951 : i32
        %add3A_953 = arith.constant 0 : i32
        %add3A_954 = arith.addi %mul3A_952, %add3A_953 : i32
        %get3A_955 = arith.constant 2 : i32
        %get3A_956 = arith.index_cast %get3A_955 : i32 to index
        %get3A_957 = arith.index_cast %add3A_954 : i32 to index
        %get3A_958 = arith.constant 0 : index
        %get3A_959 = tpu.vector_load %arg6[%get3A_956, %get3A_957, %get3A_958] {strides = array<i32>} : memref<4x200x64xf32, #tpu.memory_space<vmem>>, vector<16xf32>,
        %add3A_960 = arith.addf %scan3A_943, %get3A_959 : vector<16xf32>
        %get3A_961 = arith.constant 2 : i32
        %get3A_962 = arith.index_cast %get3A_961 : i32 to index
        %get3A_963 = arith.index_cast %add3A_954 : i32 to index
        %get3A_964 = arith.constant 16 : index
        %get3A_965 = tpu.vector_load %arg6[%get3A_962, %get3A_963, %get3A_964] {strides = array<i32>} : memref<4x200x64xf32, #tpu.memory_space<vmem>>, vector<16xf32>,
        %add3A_966 = arith.addf %scan3A_944, %get3A_965 : vector<16xf32>
        %get3A_967 = arith.constant 2 : i32
        %get3A_968 = arith.index_cast %get3A_967 : i32 to index
        %get3A_969 = arith.index_cast %add3A_954 : i32 to index
        %get3A_970 = arith.constant 32 : index
        %get3A_971 = tpu.vector_load %arg6[%get3A_968, %get3A_969, %get3A_970] {strides = array<i32>} : memref<4x200x64xf32, #tpu.memory_space<vmem>>, vector<16xf32>,
        %add3A_972 = arith.addf %scan3A_945, %get3A_971 : vector<16xf32>
        %get3A_973 = arith.constant 2 : i32
        %get3A_974 = arith.index_cast %get3A_973 : i32 to index
        %get3A_975 = arith.index_cast %add3A_954 : i32 to index
        %get3A_976 = arith.constant 48 : index
        %get3A_977 = tpu.vector_load %arg6[%get3A_974, %get3A_975, %get3A_976] {strides = array<i32>} : memref<4x200x64xf32, #tpu.memory_space<vmem>>, vector<16xf32>,
        %add3A_978 = arith.addf %scan3A_946, %get3A_977 : vector<16xf32>
        %mul3A_979 = arith.constant 8 : i32
        %mul3A_980 = arith.muli %scan3A_942, %mul3A_979 : i32
        %add3A_981 = arith.constant 1 : i32
        %add3A_982 = arith.addi %mul3A_980, %add3A_981 : i32
        %get3A_983 = arith.constant 2 : i32
        %get3A_984 = arith.index_cast %get3A_983 : i32 to index
        %get3A_985 = arith.index_cast %add3A_982 : i32 to index
        %get3A_986 = arith.constant 0 : index
        %get3A_987 = tpu.vector_load %arg6[%get3A_984, %get3A_985, %get3A_986] {strides = array<i32>} : memref<4x200x64xf32, #tpu.memory_space<vmem>>, vector<16xf32>,
        %add3A_988 = arith.addf %scan3A_947, %get3A_987 : vector<16xf32>
        %get3A_989 = arith.constant 2 : i32
        %get3A_990 = arith.index_cast %get3A_989 : i32 to index
        %get3A_991 = arith.index_cast %add3A_982 : i32 to index
        %get3A_992 = arith.constant 16 : index
        %get3A_993 = tpu.vector_load %arg6[%get3A_990, %get3A_991, %get3A_992] {strides = array<i32>} : memref<4x200x64xf32, #tpu.memory_space<vmem>>, vector<16xf32>,
        %add3A_994 = arith.addf %scan3A_948, %get3A_993 : vector<16xf32>
        %get3A_995 = arith.constant 2 : i32
        %get3A_996 = arith.index_cast %get3A_995 : i32 to index
        %get3A_997 = arith.index_cast %add3A_982 : i32 to index
        %get3A_998 = arith.constant 32 : index
        %get3A_999 = tpu.vector_load %arg6[%get3A_996, %get3A_997, %get3A_998] {strides = array<i32>} : memref<4x200x64xf32, #tpu.memory_space<vmem>>, vector<16xf32>,
        %add3A_1000 = arith.addf %scan3A_949, %get3A_999 : vector<16xf32>
        %get3A_1001 = arith.constant 2 : i32
        %get3A_1002 = arith.index_cast %get3A_1001 : i32 to index
        %get3A_1003 = arith.index_cast %add3A_982 : i32 to index
        %get3A_1004 = arith.constant 48 : index
        %get3A_1005 = tpu.vector_load %arg6[%get3A_1002, %get3A_1003, %get3A_1004] {strides = array<i32>} : memref<4x200x64xf32, #tpu.memory_space<vmem>>, vector<16xf32>,
        %add3A_1006 = arith.addf %scan3A_950, %get3A_1005 : vector<16xf32>
        %mul3A_1007 = arith.constant 8 : i32
        %mul3A_1008 = arith.muli %scan3A_942, %mul3A_1007 : i32
        %add3A_1009 = arith.constant 2 : i32
        %add3A_1010 = arith.addi %mul3A_1008, %add3A_1009 : i32
        %get3A_1011 = arith.constant 2 : i32
        %get3A_1012 = arith.index_cast %get3A_1011 : i32 to index
        %get3A_1013 = arith.index_cast %add3A_1010 : i32 to index
        %get3A_1014 = arith.constant 0 : index
        %get3A_1015 = tpu.vector_load %arg6[%get3A_1012, %get3A_1013, %get3A_1014] {strides = array<i32>} : memref<4x200x64xf32, #tpu.memory_space<vmem>>, vector<16xf32>,
        %add3A_1016 = arith.addf %add3A_960, %get3A_1015 : vector<16xf32>
        %get3A_1017 = arith.constant 2 : i32
        %get3A_1018 = arith.index_cast %get3A_1017 : i32 to index
        %get3A_1019 = arith.index_cast %add3A_1010 : i32 to index
        %get3A_1020 = arith.constant 16 : index
        %get3A_1021 = tpu.vector_load %arg6[%get3A_1018, %get3A_1019, %get3A_1020] {strides = array<i32>} : memref<4x200x64xf32, #tpu.memory_space<vmem>>, vector<16xf32>,
        %add3A_1022 = arith.addf %add3A_966, %get3A_1021 : vector<16xf32>
        %get3A_1023 = arith.constant 2 : i32
        %get3A_1024 = arith.index_cast %get3A_1023 : i32 to index
        %get3A_1025 = arith.index_cast %add3A_1010 : i32 to index
        %get3A_1026 = arith.constant 32 : index
        %get3A_1027 = tpu.vector_load %arg6[%get3A_1024, %get3A_1025, %get3A_1026] {strides = array<i32>} : memref<4x200x64xf32, #tpu.memory_space<vmem>>, vector<16xf32>,
        %add3A_1028 = arith.addf %add3A_972, %get3A_1027 : vector<16xf32>
        %get3A_1029 = arith.constant 2 : i32
        %get3A_1030 = arith.index_cast %get3A_1029 : i32 to index
        %get3A_1031 = arith.index_cast %add3A_1010 : i32 to index
        %get3A_1032 = arith.constant 48 : index
        %get3A_1033 = tpu.vector_load %arg6[%get3A_1030, %get3A_1031, %get3A_1032] {strides = array<i32>} : memref<4x200x64xf32, #tpu.memory_space<vmem>>, vector<16xf32>,
        %add3A_1034 = arith.addf %add3A_978, %get3A_1033 : vector<16xf32>
        %mul3A_1035 = arith.constant 8 : i32
        %mul3A_1036 = arith.muli %scan3A_942, %mul3A_1035 : i32
        %add3A_1037 = arith.constant 3 : i32
        %add3A_1038 = arith.addi %mul3A_1036, %add3A_1037 : i32
        %get3A_1039 = arith.constant 2 : i32
        %get3A_1040 = arith.index_cast %get3A_1039 : i32 to index
        %get3A_1041 = arith.index_cast %add3A_1038 : i32 to index
        %get3A_1042 = arith.constant 0 : index
        %get3A_1043 = tpu.vector_load %arg6[%get3A_1040, %get3A_1041, %get3A_1042] {strides = array<i32>} : memref<4x200x64xf32, #tpu.memory_space<vmem>>, vector<16xf32>,
        %add3A_1044 = arith.addf %add3A_988, %get3A_1043 : vector<16xf32>
        %get3A_1045 = arith.constant 2 : i32
        %get3A_1046 = arith.index_cast %get3A_1045 : i32 to index
        %get3A_1047 = arith.index_cast %add3A_1038 : i32 to index
        %get3A_1048 = arith.constant 16 : index
        %get3A_1049 = tpu.vector_load %arg6[%get3A_1046, %get3A_1047, %get3A_1048] {strides = array<i32>} : memref<4x200x64xf32, #tpu.memory_space<vmem>>, vector<16xf32>,
        %add3A_1050 = arith.addf %add3A_994, %get3A_1049 : vector<16xf32>
        %get3A_1051 = arith.constant 2 : i32
        %get3A_1052 = arith.index_cast %get3A_1051 : i32 to index
        %get3A_1053 = arith.index_cast %add3A_1038 : i32 to index
        %get3A_1054 = arith.constant 32 : index
        %get3A_1055 = tpu.vector_load %arg6[%get3A_1052, %get3A_1053, %get3A_1054] {strides = array<i32>} : memref<4x200x64xf32, #tpu.memory_space<vmem>>, vector<16xf32>,
        %add3A_1056 = arith.addf %add3A_1000, %get3A_1055 : vector<16xf32>
        %get3A_1057 = arith.constant 2 : i32
        %get3A_1058 = arith.index_cast %get3A_1057 : i32 to index
        %get3A_1059 = arith.index_cast %add3A_1038 : i32 to index
        %get3A_1060 = arith.constant 48 : index
        %get3A_1061 = tpu.vector_load %arg6[%get3A_1058, %get3A_1059, %get3A_1060] {strides = array<i32>} : memref<4x200x64xf32, #tpu.memory_space<vmem>>, vector<16xf32>,
        %add3A_1062 = arith.addf %add3A_1006, %get3A_1061 : vector<16xf32>
        %mul3A_1063 = arith.constant 8 : i32
        %mul3A_1064 = arith.muli %scan3A_942, %mul3A_1063 : i32
        %add3A_1065 = arith.constant 4 : i32
        %add3A_1066 = arith.addi %mul3A_1064, %add3A_1065 : i32
        %get3A_1067 = arith.constant 2 : i32
        %get3A_1068 = arith.index_cast %get3A_1067 : i32 to index
        %get3A_1069 = arith.index_cast %add3A_1066 : i32 to index
        %get3A_1070 = arith.constant 0 : index
        %get3A_1071 = tpu.vector_load %arg6[%get3A_1068, %get3A_1069, %get3A_1070] {strides = array<i32>} : memref<4x200x64xf32, #tpu.memory_space<vmem>>, vector<16xf32>,
        %add3A_1072 = arith.addf %add3A_1016, %get3A_1071 : vector<16xf32>
        %get3A_1073 = arith.constant 2 : i32
        %get3A_1074 = arith.index_cast %get3A_1073 : i32 to index
        %get3A_1075 = arith.index_cast %add3A_1066 : i32 to index
        %get3A_1076 = arith.constant 16 : index
        %get3A_1077 = tpu.vector_load %arg6[%get3A_1074, %get3A_1075, %get3A_1076] {strides = array<i32>} : memref<4x200x64xf32, #tpu.memory_space<vmem>>, vector<16xf32>,
        %add3A_1078 = arith.addf %add3A_1022, %get3A_1077 : vector<16xf32>
        %get3A_1079 = arith.constant 2 : i32
        %get3A_1080 = arith.index_cast %get3A_1079 : i32 to index
        %get3A_1081 = arith.index_cast %add3A_1066 : i32 to index
        %get3A_1082 = arith.constant 32 : index
        %get3A_1083 = tpu.vector_load %arg6[%get3A_1080, %get3A_1081, %get3A_1082] {strides = array<i32>} : memref<4x200x64xf32, #tpu.memory_space<vmem>>, vector<16xf32>,
        %add3A_1084 = arith.addf %add3A_1028, %get3A_1083 : vector<16xf32>
        %get3A_1085 = arith.constant 2 : i32
        %get3A_1086 = arith.index_cast %get3A_1085 : i32 to index
        %get3A_1087 = arith.index_cast %add3A_1066 : i32 to index
        %get3A_1088 = arith.constant 48 : index
        %get3A_1089 = tpu.vector_load %arg6[%get3A_1086, %get3A_1087, %get3A_1088] {strides = array<i32>} : memref<4x200x64xf32, #tpu.memory_space<vmem>>, vector<16xf32>,
        %add3A_1090 = arith.addf %add3A_1034, %get3A_1089 : vector<16xf32>
        %mul3A_1091 = arith.constant 8 : i32
        %mul3A_1092 = arith.muli %scan3A_942, %mul3A_1091 : i32
        %add3A_1093 = arith.constant 5 : i32
        %add3A_1094 = arith.addi %mul3A_1092, %add3A_1093 : i32
        %get3A_1095 = arith.constant 2 : i32
        %get3A_1096 = arith.index_cast %get3A_1095 : i32 to index
        %get3A_1097 = arith.index_cast %add3A_1094 : i32 to index
        %get3A_1098 = arith.constant 0 : index
        %get3A_1099 = tpu.vector_load %arg6[%get3A_1096, %get3A_1097, %get3A_1098] {strides = array<i32>} : memref<4x200x64xf32, #tpu.memory_space<vmem>>, vector<16xf32>,
        %add3A_1100 = arith.addf %add3A_1044, %get3A_1099 : vector<16xf32>
        %get3A_1101 = arith.constant 2 : i32
        %get3A_1102 = arith.index_cast %get3A_1101 : i32 to index
        %get3A_1103 = arith.index_cast %add3A_1094 : i32 to index
        %get3A_1104 = arith.constant 16 : index
        %get3A_1105 = tpu.vector_load %arg6[%get3A_1102, %get3A_1103, %get3A_1104] {strides = array<i32>} : memref<4x200x64xf32, #tpu.memory_space<vmem>>, vector<16xf32>,
        %add3A_1106 = arith.addf %add3A_1050, %get3A_1105 : vector<16xf32>
        %get3A_1107 = arith.constant 2 : i32
        %get3A_1108 = arith.index_cast %get3A_1107 : i32 to index
        %get3A_1109 = arith.index_cast %add3A_1094 : i32 to index
        %get3A_1110 = arith.constant 32 : index
        %get3A_1111 = tpu.vector_load %arg6[%get3A_1108, %get3A_1109, %get3A_1110] {strides = array<i32>} : memref<4x200x64xf32, #tpu.memory_space<vmem>>, vector<16xf32>,
        %add3A_1112 = arith.addf %add3A_1056, %get3A_1111 : vector<16xf32>
        %get3A_1113 = arith.constant 2 : i32
        %get3A_1114 = arith.index_cast %get3A_1113 : i32 to index
        %get3A_1115 = arith.index_cast %add3A_1094 : i32 to index
        %get3A_1116 = arith.constant 48 : index
        %get3A_1117 = tpu.vector_load %arg6[%get3A_1114, %get3A_1115, %get3A_1116] {strides = array<i32>} : memref<4x200x64xf32, #tpu.memory_space<vmem>>, vector<16xf32>,
        %add3A_1118 = arith.addf %add3A_1062, %get3A_1117 : vector<16xf32>
        %mul3A_1119 = arith.constant 8 : i32
        %mul3A_1120 = arith.muli %scan3A_942, %mul3A_1119 : i32
        %add3A_1121 = arith.constant 6 : i32
        %add3A_1122 = arith.addi %mul3A_1120, %add3A_1121 : i32
        %get3A_1123 = arith.constant 2 : i32
        %get3A_1124 = arith.index_cast %get3A_1123 : i32 to index
        %get3A_1125 = arith.index_cast %add3A_1122 : i32 to index
        %get3A_1126 = arith.constant 0 : index
        %get3A_1127 = tpu.vector_load %arg6[%get3A_1124, %get3A_1125, %get3A_1126] {strides = array<i32>} : memref<4x200x64xf32, #tpu.memory_space<vmem>>, vector<16xf32>,
        %add3A_1128 = arith.addf %add3A_1072, %get3A_1127 : vector<16xf32>
        %get3A_1129 = arith.constant 2 : i32
        %get3A_1130 = arith.index_cast %get3A_1129 : i32 to index
        %get3A_1131 = arith.index_cast %add3A_1122 : i32 to index
        %get3A_1132 = arith.constant 16 : index
        %get3A_1133 = tpu.vector_load %arg6[%get3A_1130, %get3A_1131, %get3A_1132] {strides = array<i32>} : memref<4x200x64xf32, #tpu.memory_space<vmem>>, vector<16xf32>,
        %add3A_1134 = arith.addf %add3A_1078, %get3A_1133 : vector<16xf32>
        %get3A_1135 = arith.constant 2 : i32
        %get3A_1136 = arith.index_cast %get3A_1135 : i32 to index
        %get3A_1137 = arith.index_cast %add3A_1122 : i32 to index
        %get3A_1138 = arith.constant 32 : index
        %get3A_1139 = tpu.vector_load %arg6[%get3A_1136, %get3A_1137, %get3A_1138] {strides = array<i32>} : memref<4x200x64xf32, #tpu.memory_space<vmem>>, vector<16xf32>,
        %add3A_1140 = arith.addf %add3A_1084, %get3A_1139 : vector<16xf32>
        %get3A_1141 = arith.constant 2 : i32
        %get3A_1142 = arith.index_cast %get3A_1141 : i32 to index
        %get3A_1143 = arith.index_cast %add3A_1122 : i32 to index
        %get3A_1144 = arith.constant 48 : index
        %get3A_1145 = tpu.vector_load %arg6[%get3A_1142, %get3A_1143, %get3A_1144] {strides = array<i32>} : memref<4x200x64xf32, #tpu.memory_space<vmem>>, vector<16xf32>,
        %add3A_1146 = arith.addf %add3A_1090, %get3A_1145 : vector<16xf32>
        %mul3A_1147 = arith.constant 8 : i32
        %mul3A_1148 = arith.muli %scan3A_942, %mul3A_1147 : i32
        %add3A_1149 = arith.constant 7 : i32
        %add3A_1150 = arith.addi %mul3A_1148, %add3A_1149 : i32
        %get3A_1151 = arith.constant 2 : i32
        %get3A_1152 = arith.index_cast %get3A_1151 : i32 to index
        %get3A_1153 = arith.index_cast %add3A_1150 : i32 to index
        %get3A_1154 = arith.constant 0 : index
        %get3A_1155 = tpu.vector_load %arg6[%get3A_1152, %get3A_1153, %get3A_1154] {strides = array<i32>} : memref<4x200x64xf32, #tpu.memory_space<vmem>>, vector<16xf32>,
        %add3A_1156 = arith.addf %add3A_1100, %get3A_1155 : vector<16xf32>
        %get3A_1157 = arith.constant 2 : i32
        %get3A_1158 = arith.index_cast %get3A_1157 : i32 to index
        %get3A_1159 = arith.index_cast %add3A_1150 : i32 to index
        %get3A_1160 = arith.constant 16 : index
        %get3A_1161 = tpu.vector_load %arg6[%get3A_1158, %get3A_1159, %get3A_1160] {strides = array<i32>} : memref<4x200x64xf32, #tpu.memory_space<vmem>>, vector<16xf32>,
        %add3A_1162 = arith.addf %add3A_1106, %get3A_1161 : vector<16xf32>
        %get3A_1163 = arith.constant 2 : i32
        %get3A_1164 = arith.index_cast %get3A_1163 : i32 to index
        %get3A_1165 = arith.index_cast %add3A_1150 : i32 to index
        %get3A_1166 = arith.constant 32 : index
        %get3A_1167 = tpu.vector_load %arg6[%get3A_1164, %get3A_1165, %get3A_1166] {strides = array<i32>} : memref<4x200x64xf32, #tpu.memory_space<vmem>>, vector<16xf32>,
        %add3A_1168 = arith.addf %add3A_1112, %get3A_1167 : vector<16xf32>
        %get3A_1169 = arith.constant 2 : i32
        %get3A_1170 = arith.index_cast %get3A_1169 : i32 to index
        %get3A_1171 = arith.index_cast %add3A_1150 : i32 to index
        %get3A_1172 = arith.constant 48 : index
        %get3A_1173 = tpu.vector_load %arg6[%get3A_1170, %get3A_1171, %get3A_1172] {strides = array<i32>} : memref<4x200x64xf32, #tpu.memory_space<vmem>>, vector<16xf32>,
        %add3A_1174 = arith.addf %add3A_1118, %get3A_1173 : vector<16xf32>
        scf.yield %add3A_1128, %add3A_1134, %add3A_1140, %add3A_1146, %add3A_1156, %add3A_1162, %add3A_1168, %add3A_1174 : vector<16xf32>, vector<16xf32>, vector<16xf32>, vector<16xf32>, vector<16xf32>, vector<16xf32>, vector<16xf32>, vector<16xf32>
      }
      %scan3A_708 = arith.constant 25 : i32
      %add3A_709 = arith.addf %scan3A_707#0, %scan3A_707#4 : vector<16xf32>
      %mul3A_710 = arith.mulf %add3A_709, %div3A_700 : vector<16xf32>
      %swap3A_711 = arith.index_cast %add3A_519 : i32 to index
      %swap3A_712 = arith.constant 0 : index
      %swap3A_713 = tpu.vector_load %arg7[%swap3A_711, %swap3A_712] {strides = array<i32>} : memref<128x64xf32, #tpu.memory_space<vmem>>, vector<16xf32>,
      tpu.vector_store %arg7[%swap3A_711, %swap3A_712], %mul3A_710 {strides = array<i32>} : memref<128x64xf32, #tpu.memory_space<vmem>>, vector<16xf32>,
      %add3A_714 = arith.addf %scan3A_707#1, %scan3A_707#5 : vector<16xf32>
      %mul3A_715 = arith.mulf %add3A_714, %div3A_700 : vector<16xf32>
      %swap3A_716 = arith.index_cast %add3A_519 : i32 to index
      %swap3A_717 = arith.constant 16 : index
      %swap3A_718 = tpu.vector_load %arg7[%swap3A_716, %swap3A_717] {strides = array<i32>} : memref<128x64xf32, #tpu.memory_space<vmem>>, vector<16xf32>,
      tpu.vector_store %arg7[%swap3A_716, %swap3A_717], %mul3A_715 {strides = array<i32>} : memref<128x64xf32, #tpu.memory_space<vmem>>, vector<16xf32>,
      %add3A_719 = arith.addf %scan3A_707#2, %scan3A_707#6 : vector<16xf32>
      %mul3A_720 = arith.mulf %add3A_719, %div3A_700 : vector<16xf32>
      %swap3A_721 = arith.index_cast %add3A_519 : i32 to index
      %swap3A_722 = arith.constant 32 : index
      %swap3A_723 = tpu.vector_load %arg7[%swap3A_721, %swap3A_722] {strides = array<i32>} : memref<128x64xf32, #tpu.memory_space<vmem>>, vector<16xf32>,
      tpu.vector_store %arg7[%swap3A_721, %swap3A_722], %mul3A_720 {strides = array<i32>} : memref<128x64xf32, #tpu.memory_space<vmem>>, vector<16xf32>,
      %add3A_724 = arith.addf %scan3A_707#3, %scan3A_707#7 : vector<16xf32>
      %mul3A_725 = arith.mulf %add3A_724, %div3A_700 : vector<16xf32>
      %swap3A_726 = arith.index_cast %add3A_519 : i32 to index
      %swap3A_727 = arith.constant 48 : index
      %swap3A_728 = tpu.vector_load %arg7[%swap3A_726, %swap3A_727] {strides = array<i32>} : memref<128x64xf32, #tpu.memory_space<vmem>>, vector<16xf32>,
      tpu.vector_store %arg7[%swap3A_726, %swap3A_727], %mul3A_725 {strides = array<i32>} : memref<128x64xf32, #tpu.memory_space<vmem>>, vector<16xf32>,
      %mul3A_729 = arith.constant 4 : i32
      %mul3A_730 = arith.muli %scan3A_103, %mul3A_729 : i32
      %add3A_731 = arith.constant 3 : i32
      %add3A_732 = arith.addi %mul3A_730, %add3A_731 : i32
      %dma_wait3A_733 = arith.constant 3 : i32
      %dma_wait3A_734 = arith.constant 3 : i32
      %dma_wait3A_735 = arith.constant 0 : i32
      %dma_wait3A_736 = arith.constant 0 : i32
      %dma_wait3A_737 = tpu.memref_slice %arg6[%dma_wait3A_733, %dma_wait3A_735, %dma_wait3A_736] : memref<4x200x64xf32, #tpu.memory_space<vmem>> -> memref<1x104x64xf32, #tpu.memory_space<vmem>>
      %dma_wait3A_738 = tpu.memref_squeeze %dma_wait3A_737 : memref<1x104x64xf32, #tpu.memory_space<vmem>> -> memref<104x64xf32, #tpu.memory_space<vmem>>
      %dma_wait3A_739 = arith.constant 0 : i32
      %dma_wait3A_740 = tpu.memref_slice %arg5[%add3A_732, %dma_wait3A_739] : memref<128x200xi32, #tpu.memory_space<vmem>> -> memref<1x104xi32, #tpu.memory_space<vmem>>
      %dma_wait3A_741 = tpu.memref_squeeze %dma_wait3A_740 : memref<1x104xi32, #tpu.memory_space<vmem>> -> memref<104xi32, #tpu.memory_space<vmem>>
      %dma_wait3A_742 = arith.constant 0 : i32
      %dma_wait3A_743 = arith.constant 0 : i32
      %dma_wait3A_744 = tpu.memref_slice %arg3[%dma_wait3A_742, %dma_wait3A_743] : memref<1015808x64xf32, #tpu.memory_space<hbm>> -> memref<1015808x64xf32, #tpu.memory_space<hbm>>
      %dma_wait3A_745 = tpu.memref_slice %arg8[%dma_wait3A_734] : memref<4x!tpu.dma_semaphore, #tpu.memory_space<semaphore_mem>> -> memref<1x!tpu.dma_semaphore, #tpu.memory_space<semaphore_mem>>
      %dma_wait3A_746 = tpu.memref_squeeze %dma_wait3A_745 : memref<1x!tpu.dma_semaphore, #tpu.memory_space<semaphore_mem>> -> memref<!tpu.dma_semaphore, #tpu.memory_space<semaphore_mem>>
      tpu.wait_indirect_dma semaphore(%dma_wait3A_746 : memref<!tpu.dma_semaphore, #tpu.memory_space<semaphore_mem>>) src(%dma_wait3A_744 : memref<1015808x64xf32, #tpu.memory_space<hbm>>) dst(%dma_wait3A_738 : memref<104x64xf32, #tpu.memory_space<vmem>>)
      %dma_wait3A_747 = arith.constant 3 : i32
      %dma_wait3A_748 = arith.constant 3 : i32
      %dma_wait3A_749 = arith.constant 104 : i32
      %dma_wait3A_750 = arith.constant 0 : i32
      %dma_wait3A_751 = tpu.memref_slice %arg6[%dma_wait3A_747, %dma_wait3A_749, %dma_wait3A_750] : memref<4x200x64xf32, #tpu.memory_space<vmem>> -> memref<1x96x64xf32, #tpu.memory_space<vmem>>
      %dma_wait3A_752 = tpu.memref_squeeze %dma_wait3A_751 : memref<1x96x64xf32, #tpu.memory_space<vmem>> -> memref<96x64xf32, #tpu.memory_space<vmem>>
      %dma_wait3A_753 = arith.constant 104 : i32
      %dma_wait3A_754 = tpu.memref_slice %arg5[%add3A_732, %dma_wait3A_753] : memref<128x200xi32, #tpu.memory_space<vmem>> -> memref<1x96xi32, #tpu.memory_space<vmem>>
      %dma_wait3A_755 = tpu.memref_squeeze %dma_wait3A_754 : memref<1x96xi32, #tpu.memory_space<vmem>> -> memref<96xi32, #tpu.memory_space<vmem>>
      %dma_wait3A_756 = arith.constant 0 : i32
      %dma_wait3A_757 = arith.constant 0 : i32
      %dma_wait3A_758 = tpu.memref_slice %arg3[%dma_wait3A_756, %dma_wait3A_757] : memref<1015808x64xf32, #tpu.memory_space<hbm>> -> memref<1015808x64xf32, #tpu.memory_space<hbm>>
      %dma_wait3A_759 = tpu.memref_slice %arg8[%dma_wait3A_748] : memref<4x!tpu.dma_semaphore, #tpu.memory_space<semaphore_mem>> -> memref<1x!tpu.dma_semaphore, #tpu.memory_space<semaphore_mem>>
      %dma_wait3A_760 = tpu.memref_squeeze %dma_wait3A_759 : memref<1x!tpu.dma_semaphore, #tpu.memory_space<semaphore_mem>> -> memref<!tpu.dma_semaphore, #tpu.memory_space<semaphore_mem>>
      tpu.wait_indirect_dma semaphore(%dma_wait3A_760 : memref<!tpu.dma_semaphore, #tpu.memory_space<semaphore_mem>>) src(%dma_wait3A_758 : memref<1015808x64xf32, #tpu.memory_space<hbm>>) dst(%dma_wait3A_752 : memref<96x64xf32, #tpu.memory_space<vmem>>)
      %add3A_761 = arith.constant 4 : i32
      %add3A_762 = arith.addi %add3A_732, %add3A_761 : i32
      %sub3A_763 = arith.constant 1 : i32
      %sub3A_764 = arith.subi %add3A_762, %sub3A_763 : i32
      %lt3A_765 = arith.constant 128 : i32
      %lt3A_766 = arith.cmpi slt, %sub3A_764, %lt3A_765 : i32
      %convert_element_type3A_767 = arith.extui %lt3A_766 : i1 to i32
      %cond3A_768 = arith.constant 0 : i32
      %cond3A_769 = arith.cmpi ne, %convert_element_type3A_767, %cond3A_768 : i32
      scf.if %cond3A_769 {
        %add3A_942 = arith.constant 4 : i32
        %add3A_943 = arith.addi %add3A_732, %add3A_942 : i32
        %sub3A_944 = arith.constant 1 : i32
        %sub3A_945 = arith.subi %add3A_943, %sub3A_944 : i32
        %dma_start3A_946 = arith.constant 2 : i32
        %dma_start3A_947 = arith.constant 2 : i32
        %dma_start3A_948 = arith.constant 0 : i32
        %dma_start3A_949 = arith.constant 0 : i32
        %dma_start3A_950 = tpu.memref_slice %arg6[%dma_start3A_946, %dma_start3A_948, %dma_start3A_949] : memref<4x200x64xf32, #tpu.memory_space<vmem>> -> memref<1x104x64xf32, #tpu.memory_space<vmem>>
        %dma_start3A_951 = tpu.memref_squeeze %dma_start3A_950 : memref<1x104x64xf32, #tpu.memory_space<vmem>> -> memref<104x64xf32, #tpu.memory_space<vmem>>
        %dma_start3A_952 = arith.constant 0 : i32
        %dma_start3A_953 = tpu.memref_slice %arg5[%sub3A_945, %dma_start3A_952] : memref<128x200xi32, #tpu.memory_space<vmem>> -> memref<1x104xi32, #tpu.memory_space<vmem>>
        %dma_start3A_954 = tpu.memref_squeeze %dma_start3A_953 : memref<1x104xi32, #tpu.memory_space<vmem>> -> memref<104xi32, #tpu.memory_space<vmem>>
        %dma_start3A_955 = arith.constant 0 : i32
        %dma_start3A_956 = arith.constant 0 : i32
        %dma_start3A_957 = tpu.memref_slice %arg3[%dma_start3A_955, %dma_start3A_956] : memref<1015808x64xf32, #tpu.memory_space<hbm>> -> memref<1015808x64xf32, #tpu.memory_space<hbm>>
        %dma_start3A_958 = tpu.memref_slice %arg8[%dma_start3A_947] : memref<4x!tpu.dma_semaphore, #tpu.memory_space<semaphore_mem>> -> memref<1x!tpu.dma_semaphore, #tpu.memory_space<semaphore_mem>>
        %dma_start3A_959 = tpu.memref_squeeze %dma_start3A_958 : memref<1x!tpu.dma_semaphore, #tpu.memory_space<semaphore_mem>> -> memref<!tpu.dma_semaphore, #tpu.memory_space<semaphore_mem>>
        tpu.enqueue_indirect_dma source(%dma_start3A_957 : memref<1015808x64xf32, #tpu.memory_space<hbm>>) target(%dma_start3A_951 : memref<104x64xf32, #tpu.memory_space<vmem>>) offsets(%dma_start3A_954 : memref<104xi32, #tpu.memory_space<vmem>>) semaphore(%dma_start3A_959 : memref<!tpu.dma_semaphore, #tpu.memory_space<semaphore_mem>>)
        %dma_start3A_960 = arith.constant 2 : i32
        %dma_start3A_961 = arith.constant 2 : i32
        %dma_start3A_962 = arith.constant 104 : i32
        %dma_start3A_963 = arith.constant 0 : i32
        %dma_start3A_964 = tpu.memref_slice %arg6[%dma_start3A_960, %dma_start3A_962, %dma_start3A_963] : memref<4x200x64xf32, #tpu.memory_space<vmem>> -> memref<1x96x64xf32, #tpu.memory_space<vmem>>
        %dma_start3A_965 = tpu.memref_squeeze %dma_start3A_964 : memref<1x96x64xf32, #tpu.memory_space<vmem>> -> memref<96x64xf32, #tpu.memory_space<vmem>>
        %dma_start3A_966 = arith.constant 104 : i32
        %dma_start3A_967 = tpu.memref_slice %arg5[%sub3A_945, %dma_start3A_966] : memref<128x200xi32, #tpu.memory_space<vmem>> -> memref<1x96xi32, #tpu.memory_space<vmem>>
        %dma_start3A_968 = tpu.memref_squeeze %dma_start3A_967 : memref<1x96xi32, #tpu.memory_space<vmem>> -> memref<96xi32, #tpu.memory_space<vmem>>
        %dma_start3A_969 = arith.constant 0 : i32
        %dma_start3A_970 = arith.constant 0 : i32
        %dma_start3A_971 = tpu.memref_slice %arg3[%dma_start3A_969, %dma_start3A_970] : memref<1015808x64xf32, #tpu.memory_space<hbm>> -> memref<1015808x64xf32, #tpu.memory_space<hbm>>
        %dma_start3A_972 = tpu.memref_slice %arg8[%dma_start3A_961] : memref<4x!tpu.dma_semaphore, #tpu.memory_space<semaphore_mem>> -> memref<1x!tpu.dma_semaphore, #tpu.memory_space<semaphore_mem>>
        %dma_start3A_973 = tpu.memref_squeeze %dma_start3A_972 : memref<1x!tpu.dma_semaphore, #tpu.memory_space<semaphore_mem>> -> memref<!tpu.dma_semaphore, #tpu.memory_space<semaphore_mem>>
        tpu.enqueue_indirect_dma source(%dma_start3A_971 : memref<1015808x64xf32, #tpu.memory_space<hbm>>) target(%dma_start3A_965 : memref<96x64xf32, #tpu.memory_space<vmem>>) offsets(%dma_start3A_968 : memref<96xi32, #tpu.memory_space<vmem>>) semaphore(%dma_start3A_973 : memref<!tpu.dma_semaphore, #tpu.memory_space<semaphore_mem>>)
      } else {
      }
      %broadcast_in_dim3A_770 = arith.constant 0 : i32
      %broadcast_in_dim3A_771 = vector.broadcast %broadcast_in_dim3A_770 : i32 to vector<16xi32>
      %get3A_772 = arith.constant 0 : i32
      %get3A_773 = tpu.memref_slice %arg5[%add3A_732, %get3A_772] : memref<128x200xi32, #tpu.memory_space<vmem>> -> memref<1x200xi32, #tpu.memory_space<vmem>>
      %get3A_774 = tpu.memref_squeeze %get3A_773 : memref<1x200xi32, #tpu.memory_space<vmem>> -> memref<200xi32, #tpu.memory_space<vmem>>
      %get3A_775 = arith.constant 0 : index
      %get3A_776 = tpu.vector_load %get3A_774[%get3A_775] {strides = array<i32>} : memref<200xi32, #tpu.memory_space<vmem>>, vector<16xi32>,
      %ne3A_777 = arith.constant 0 : i32
      %ne3A_778 = vector.broadcast %ne3A_777 : i32 to vector<16xi32>
      %ne3A_779 = arith.cmpi ne, %get3A_776, %ne3A_778 : vector<16xi32>
      %all_reduce_population_count3A_780 = tpu.all_reduce %ne3A_779 {dim = 0 : i64, kind = #tpu.reduction_kind<sum>} : vector<16xi1> -> vector<16xi32>
      %add3A_781 = arith.addi %broadcast_in_dim3A_771, %all_reduce_population_count3A_780 : vector<16xi32>
      %get3A_782 = arith.constant 0 : i32
      %get3A_783 = tpu.memref_slice %arg5[%add3A_732, %get3A_782] : memref<128x200xi32, #tpu.memory_space<vmem>> -> memref<1x200xi32, #tpu.memory_space<vmem>>
      %get3A_784 = tpu.memref_squeeze %get3A_783 : memref<1x200xi32, #tpu.memory_space<vmem>> -> memref<200xi32, #tpu.memory_space<vmem>>
      %get3A_785 = arith.constant 16 : index
      %get3A_786 = tpu.vector_load %get3A_784[%get3A_785] {strides = array<i32>} : memref<200xi32, #tpu.memory_space<vmem>>, vector<16xi32>,
      %ne3A_787 = arith.constant 0 : i32
      %ne3A_788 = vector.broadcast %ne3A_787 : i32 to vector<16xi32>
      %ne3A_789 = arith.cmpi ne, %get3A_786, %ne3A_788 : vector<16xi32>
      %all_reduce_population_count3A_790 = tpu.all_reduce %ne3A_789 {dim = 0 : i64, kind = #tpu.reduction_kind<sum>} : vector<16xi1> -> vector<16xi32>
      %add3A_791 = arith.addi %add3A_781, %all_reduce_population_count3A_790 : vector<16xi32>
      %get3A_792 = arith.constant 0 : i32
      %get3A_793 = tpu.memref_slice %arg5[%add3A_732, %get3A_792] : memref<128x200xi32, #tpu.memory_space<vmem>> -> memref<1x200xi32, #tpu.memory_space<vmem>>
      %get3A_794 = tpu.memref_squeeze %get3A_793 : memref<1x200xi32, #tpu.memory_space<vmem>> -> memref<200xi32, #tpu.memory_space<vmem>>
      %get3A_795 = arith.constant 32 : index
      %get3A_796 = tpu.vector_load %get3A_794[%get3A_795] {strides = array<i32>} : memref<200xi32, #tpu.memory_space<vmem>>, vector<16xi32>,
      %ne3A_797 = arith.constant 0 : i32
      %ne3A_798 = vector.broadcast %ne3A_797 : i32 to vector<16xi32>
      %ne3A_799 = arith.cmpi ne, %get3A_796, %ne3A_798 : vector<16xi32>
      %all_reduce_population_count3A_800 = tpu.all_reduce %ne3A_799 {dim = 0 : i64, kind = #tpu.reduction_kind<sum>} : vector<16xi1> -> vector<16xi32>
      %add3A_801 = arith.addi %add3A_791, %all_reduce_population_count3A_800 : vector<16xi32>
      %get3A_802 = arith.constant 0 : i32
      %get3A_803 = tpu.memref_slice %arg5[%add3A_732, %get3A_802] : memref<128x200xi32, #tpu.memory_space<vmem>> -> memref<1x200xi32, #tpu.memory_space<vmem>>
      %get3A_804 = tpu.memref_squeeze %get3A_803 : memref<1x200xi32, #tpu.memory_space<vmem>> -> memref<200xi32, #tpu.memory_space<vmem>>
      %get3A_805 = arith.constant 48 : index
      %get3A_806 = tpu.vector_load %get3A_804[%get3A_805] {strides = array<i32>} : memref<200xi32, #tpu.memory_space<vmem>>, vector<16xi32>,
      %ne3A_807 = arith.constant 0 : i32
      %ne3A_808 = vector.broadcast %ne3A_807 : i32 to vector<16xi32>
      %ne3A_809 = arith.cmpi ne, %get3A_806, %ne3A_808 : vector<16xi32>
      %all_reduce_population_count3A_810 = tpu.all_reduce %ne3A_809 {dim = 0 : i64, kind = #tpu.reduction_kind<sum>} : vector<16xi1> -> vector<16xi32>
      %add3A_811 = arith.addi %add3A_801, %all_reduce_population_count3A_810 : vector<16xi32>
      %get3A_812 = arith.constant 0 : i32
      %get3A_813 = tpu.memref_slice %arg5[%add3A_732, %get3A_812] : memref<128x200xi32, #tpu.memory_space<vmem>> -> memref<1x200xi32, #tpu.memory_space<vmem>>
      %get3A_814 = tpu.memref_squeeze %get3A_813 : memref<1x200xi32, #tpu.memory_space<vmem>> -> memref<200xi32, #tpu.memory_space<vmem>>
      %get3A_815 = arith.constant 64 : index
      %get3A_816 = tpu.vector_load %get3A_814[%get3A_815] {strides = array<i32>} : memref<200xi32, #tpu.memory_space<vmem>>, vector<16xi32>,
      %ne3A_817 = arith.constant 0 : i32
      %ne3A_818 = vector.broadcast %ne3A_817 : i32 to vector<16xi32>
      %ne3A_819 = arith.cmpi ne, %get3A_816, %ne3A_818 : vector<16xi32>
      %all_reduce_population_count3A_820 = tpu.all_reduce %ne3A_819 {dim = 0 : i64, kind = #tpu.reduction_kind<sum>} : vector<16xi1> -> vector<16xi32>
      %add3A_821 = arith.addi %add3A_811, %all_reduce_population_count3A_820 : vector<16xi32>
      %get3A_822 = arith.constant 0 : i32
      %get3A_823 = tpu.memref_slice %arg5[%add3A_732, %get3A_822] : memref<128x200xi32, #tpu.memory_space<vmem>> -> memref<1x200xi32, #tpu.memory_space<vmem>>
      %get3A_824 = tpu.memref_squeeze %get3A_823 : memref<1x200xi32, #tpu.memory_space<vmem>> -> memref<200xi32, #tpu.memory_space<vmem>>
      %get3A_825 = arith.constant 80 : index
      %get3A_826 = tpu.vector_load %get3A_824[%get3A_825] {strides = array<i32>} : memref<200xi32, #tpu.memory_space<vmem>>, vector<16xi32>,
      %ne3A_827 = arith.constant 0 : i32
      %ne3A_828 = vector.broadcast %ne3A_827 : i32 to vector<16xi32>
      %ne3A_829 = arith.cmpi ne, %get3A_826, %ne3A_828 : vector<16xi32>
      %all_reduce_population_count3A_830 = tpu.all_reduce %ne3A_829 {dim = 0 : i64, kind = #tpu.reduction_kind<sum>} : vector<16xi1> -> vector<16xi32>
      %add3A_831 = arith.addi %add3A_821, %all_reduce_population_count3A_830 : vector<16xi32>
      %get3A_832 = arith.constant 0 : i32
      %get3A_833 = tpu.memref_slice %arg5[%add3A_732, %get3A_832] : memref<128x200xi32, #tpu.memory_space<vmem>> -> memref<1x200xi32, #tpu.memory_space<vmem>>
      %get3A_834 = tpu.memref_squeeze %get3A_833 : memref<1x200xi32, #tpu.memory_space<vmem>> -> memref<200xi32, #tpu.memory_space<vmem>>
      %get3A_835 = arith.constant 96 : index
      %get3A_836 = tpu.vector_load %get3A_834[%get3A_835] {strides = array<i32>} : memref<200xi32, #tpu.memory_space<vmem>>, vector<16xi32>,
      %ne3A_837 = arith.constant 0 : i32
      %ne3A_838 = vector.broadcast %ne3A_837 : i32 to vector<16xi32>
      %ne3A_839 = arith.cmpi ne, %get3A_836, %ne3A_838 : vector<16xi32>
      %all_reduce_population_count3A_840 = tpu.all_reduce %ne3A_839 {dim = 0 : i64, kind = #tpu.reduction_kind<sum>} : vector<16xi1> -> vector<16xi32>
      %add3A_841 = arith.addi %add3A_831, %all_reduce_population_count3A_840 : vector<16xi32>
      %get3A_842 = arith.constant 0 : i32
      %get3A_843 = tpu.memref_slice %arg5[%add3A_732, %get3A_842] : memref<128x200xi32, #tpu.memory_space<vmem>> -> memref<1x200xi32, #tpu.memory_space<vmem>>
      %get3A_844 = tpu.memref_squeeze %get3A_843 : memref<1x200xi32, #tpu.memory_space<vmem>> -> memref<200xi32, #tpu.memory_space<vmem>>
      %get3A_845 = arith.constant 112 : index
      %get3A_846 = tpu.vector_load %get3A_844[%get3A_845] {strides = array<i32>} : memref<200xi32, #tpu.memory_space<vmem>>, vector<16xi32>,
      %ne3A_847 = arith.constant 0 : i32
      %ne3A_848 = vector.broadcast %ne3A_847 : i32 to vector<16xi32>
      %ne3A_849 = arith.cmpi ne, %get3A_846, %ne3A_848 : vector<16xi32>
      %all_reduce_population_count3A_850 = tpu.all_reduce %ne3A_849 {dim = 0 : i64, kind = #tpu.reduction_kind<sum>} : vector<16xi1> -> vector<16xi32>
      %add3A_851 = arith.addi %add3A_841, %all_reduce_population_count3A_850 : vector<16xi32>
      %get3A_852 = arith.constant 0 : i32
      %get3A_853 = tpu.memref_slice %arg5[%add3A_732, %get3A_852] : memref<128x200xi32, #tpu.memory_space<vmem>> -> memref<1x200xi32, #tpu.memory_space<vmem>>
      %get3A_854 = tpu.memref_squeeze %get3A_853 : memref<1x200xi32, #tpu.memory_space<vmem>> -> memref<200xi32, #tpu.memory_space<vmem>>
      %get3A_855 = arith.constant 128 : index
      %get3A_856 = tpu.vector_load %get3A_854[%get3A_855] {strides = array<i32>} : memref<200xi32, #tpu.memory_space<vmem>>, vector<16xi32>,
      %ne3A_857 = arith.constant 0 : i32
      %ne3A_858 = vector.broadcast %ne3A_857 : i32 to vector<16xi32>
      %ne3A_859 = arith.cmpi ne, %get3A_856, %ne3A_858 : vector<16xi32>
      %all_reduce_population_count3A_860 = tpu.all_reduce %ne3A_859 {dim = 0 : i64, kind = #tpu.reduction_kind<sum>} : vector<16xi1> -> vector<16xi32>
      %add3A_861 = arith.addi %add3A_851, %all_reduce_population_count3A_860 : vector<16xi32>
      %get3A_862 = arith.constant 0 : i32
      %get3A_863 = tpu.memref_slice %arg5[%add3A_732, %get3A_862] : memref<128x200xi32, #tpu.memory_space<vmem>> -> memref<1x200xi32, #tpu.memory_space<vmem>>
      %get3A_864 = tpu.memref_squeeze %get3A_863 : memref<1x200xi32, #tpu.memory_space<vmem>> -> memref<200xi32, #tpu.memory_space<vmem>>
      %get3A_865 = arith.constant 144 : index
      %get3A_866 = tpu.vector_load %get3A_864[%get3A_865] {strides = array<i32>} : memref<200xi32, #tpu.memory_space<vmem>>, vector<16xi32>,
      %ne3A_867 = arith.constant 0 : i32
      %ne3A_868 = vector.broadcast %ne3A_867 : i32 to vector<16xi32>
      %ne3A_869 = arith.cmpi ne, %get3A_866, %ne3A_868 : vector<16xi32>
      %all_reduce_population_count3A_870 = tpu.all_reduce %ne3A_869 {dim = 0 : i64, kind = #tpu.reduction_kind<sum>} : vector<16xi1> -> vector<16xi32>
      %add3A_871 = arith.addi %add3A_861, %all_reduce_population_count3A_870 : vector<16xi32>
      %get3A_872 = arith.constant 0 : i32
      %get3A_873 = tpu.memref_slice %arg5[%add3A_732, %get3A_872] : memref<128x200xi32, #tpu.memory_space<vmem>> -> memref<1x200xi32, #tpu.memory_space<vmem>>
      %get3A_874 = tpu.memref_squeeze %get3A_873 : memref<1x200xi32, #tpu.memory_space<vmem>> -> memref<200xi32, #tpu.memory_space<vmem>>
      %get3A_875 = arith.constant 160 : index
      %get3A_876 = tpu.vector_load %get3A_874[%get3A_875] {strides = array<i32>} : memref<200xi32, #tpu.memory_space<vmem>>, vector<16xi32>,
      %ne3A_877 = arith.constant 0 : i32
      %ne3A_878 = vector.broadcast %ne3A_877 : i32 to vector<16xi32>
      %ne3A_879 = arith.cmpi ne, %get3A_876, %ne3A_878 : vector<16xi32>
      %all_reduce_population_count3A_880 = tpu.all_reduce %ne3A_879 {dim = 0 : i64, kind = #tpu.reduction_kind<sum>} : vector<16xi1> -> vector<16xi32>
      %add3A_881 = arith.addi %add3A_871, %all_reduce_population_count3A_880 : vector<16xi32>
      %get3A_882 = arith.constant 0 : i32
      %get3A_883 = tpu.memref_slice %arg5[%add3A_732, %get3A_882] : memref<128x200xi32, #tpu.memory_space<vmem>> -> memref<1x200xi32, #tpu.memory_space<vmem>>
      %get3A_884 = tpu.memref_squeeze %get3A_883 : memref<1x200xi32, #tpu.memory_space<vmem>> -> memref<200xi32, #tpu.memory_space<vmem>>
      %get3A_885 = arith.constant 176 : index
      %get3A_886 = tpu.vector_load %get3A_884[%get3A_885] {strides = array<i32>} : memref<200xi32, #tpu.memory_space<vmem>>, vector<16xi32>,
      %ne3A_887 = arith.constant 0 : i32
      %ne3A_888 = vector.broadcast %ne3A_887 : i32 to vector<16xi32>
      %ne3A_889 = arith.cmpi ne, %get3A_886, %ne3A_888 : vector<16xi32>
      %all_reduce_population_count3A_890 = tpu.all_reduce %ne3A_889 {dim = 0 : i64, kind = #tpu.reduction_kind<sum>} : vector<16xi1> -> vector<16xi32>
      %add3A_891 = arith.addi %add3A_881, %all_reduce_population_count3A_890 : vector<16xi32>
      %get3A_892 = arith.constant 0 : i32
      %get3A_893 = tpu.memref_slice %arg5[%add3A_732, %get3A_892] : memref<128x200xi32, #tpu.memory_space<vmem>> -> memref<1x200xi32, #tpu.memory_space<vmem>>
      %get3A_894 = tpu.memref_squeeze %get3A_893 : memref<1x200xi32, #tpu.memory_space<vmem>> -> memref<200xi32, #tpu.memory_space<vmem>>
      %get3A_895 = arith.constant 184 : index
      %get3A_896 = tpu.vector_load %get3A_894[%get3A_895] {strides = array<i32>} : memref<200xi32, #tpu.memory_space<vmem>>, vector<16xi32>,
      %iota3A_897 = tpu.iota {dimensions = array<i32: 0>} : vector<16xi32>
      %ne3A_898 = arith.constant 0 : i32
      %ne3A_899 = vector.broadcast %ne3A_898 : i32 to vector<16xi32>
      %ne3A_900 = arith.cmpi ne, %get3A_896, %ne3A_899 : vector<16xi32>
      %ge3A_901 = arith.constant 8 : i32
      %ge3A_902 = vector.broadcast %ge3A_901 : i32 to vector<16xi32>
      %ge3A_903 = arith.cmpi sge, %iota3A_897, %ge3A_902 : vector<16xi32>
      %and3A_904 = arith.andi %ne3A_900, %ge3A_903 : vector<16xi1>
      %all_reduce_population_count3A_905 = tpu.all_reduce %and3A_904 {dim = 0 : i64, kind = #tpu.reduction_kind<sum>} : vector<16xi1> -> vector<16xi32>
      %add3A_906 = arith.addi %add3A_891, %all_reduce_population_count3A_905 : vector<16xi32>
      %convert_element_type3A_907 = arith.sitofp %add3A_906 : vector<16xi32> to vector<16xf32>
      %max3A_908 = arith.constant 9.99999997E-7 : f32
      %max3A_909 = vector.broadcast %max3A_908 : f32 to vector<16xf32>
      %max3A_910 = arith.maximumf %convert_element_type3A_907, %max3A_909 : vector<16xf32>
      %div3A_911 = arith.constant 1.000000e+00 : f32
      %div3A_912 = vector.broadcast %div3A_911 : f32 to vector<16xf32>
      %div3A_913 = arith.divf %div3A_912, %max3A_910 : vector<16xf32>
      %broadcast_in_dim3A_914 = arith.constant 0.000000e+00 : f32
      %broadcast_in_dim3A_915 = vector.broadcast %broadcast_in_dim3A_914 : f32 to vector<16xf32>
      %scan3A_916 = arith.constant 0 : i32
      %scan3A_917 = arith.constant 25 : i32
      %scan3A_918 = arith.addi %scan3A_916, %scan3A_917 : i32
      %scan3A_919 = arith.constant 1 : i32
      %scan3A_920:8 = scf.for %scan3A_942 = %scan3A_916 to %scan3A_918 step %scan3A_919 iter_args(%scan3A_943 = %broadcast_in_dim3A_915, %scan3A_944 = %broadcast_in_dim3A_915, %scan3A_945 = %broadcast_in_dim3A_915, %scan3A_946 = %broadcast_in_dim3A_915, %scan3A_947 = %broadcast_in_dim3A_915, %scan3A_948 = %broadcast_in_dim3A_915, %scan3A_949 = %broadcast_in_dim3A_915, %scan3A_950 = %broadcast_in_dim3A_915) -> (vector<16xf32>, vector<16xf32>, vector<16xf32>, vector<16xf32>, vector<16xf32>, vector<16xf32>, vector<16xf32>, vector<16xf32>)  : i32 {
        %mul3A_951 = arith.constant 8 : i32
        %mul3A_952 = arith.muli %scan3A_942, %mul3A_951 : i32
        %add3A_953 = arith.constant 0 : i32
        %add3A_954 = arith.addi %mul3A_952, %add3A_953 : i32
        %get3A_955 = arith.constant 3 : i32
        %get3A_956 = arith.index_cast %get3A_955 : i32 to index
        %get3A_957 = arith.index_cast %add3A_954 : i32 to index
        %get3A_958 = arith.constant 0 : index
        %get3A_959 = tpu.vector_load %arg6[%get3A_956, %get3A_957, %get3A_958] {strides = array<i32>} : memref<4x200x64xf32, #tpu.memory_space<vmem>>, vector<16xf32>,
        %add3A_960 = arith.addf %scan3A_943, %get3A_959 : vector<16xf32>
        %get3A_961 = arith.constant 3 : i32
        %get3A_962 = arith.index_cast %get3A_961 : i32 to index
        %get3A_963 = arith.index_cast %add3A_954 : i32 to index
        %get3A_964 = arith.constant 16 : index
        %get3A_965 = tpu.vector_load %arg6[%get3A_962, %get3A_963, %get3A_964] {strides = array<i32>} : memref<4x200x64xf32, #tpu.memory_space<vmem>>, vector<16xf32>,
        %add3A_966 = arith.addf %scan3A_944, %get3A_965 : vector<16xf32>
        %get3A_967 = arith.constant 3 : i32
        %get3A_968 = arith.index_cast %get3A_967 : i32 to index
        %get3A_969 = arith.index_cast %add3A_954 : i32 to index
        %get3A_970 = arith.constant 32 : index
        %get3A_971 = tpu.vector_load %arg6[%get3A_968, %get3A_969, %get3A_970] {strides = array<i32>} : memref<4x200x64xf32, #tpu.memory_space<vmem>>, vector<16xf32>,
        %add3A_972 = arith.addf %scan3A_945, %get3A_971 : vector<16xf32>
        %get3A_973 = arith.constant 3 : i32
        %get3A_974 = arith.index_cast %get3A_973 : i32 to index
        %get3A_975 = arith.index_cast %add3A_954 : i32 to index
        %get3A_976 = arith.constant 48 : index
        %get3A_977 = tpu.vector_load %arg6[%get3A_974, %get3A_975, %get3A_976] {strides = array<i32>} : memref<4x200x64xf32, #tpu.memory_space<vmem>>, vector<16xf32>,
        %add3A_978 = arith.addf %scan3A_946, %get3A_977 : vector<16xf32>
        %mul3A_979 = arith.constant 8 : i32
        %mul3A_980 = arith.muli %scan3A_942, %mul3A_979 : i32
        %add3A_981 = arith.constant 1 : i32
        %add3A_982 = arith.addi %mul3A_980, %add3A_981 : i32
        %get3A_983 = arith.constant 3 : i32
        %get3A_984 = arith.index_cast %get3A_983 : i32 to index
        %get3A_985 = arith.index_cast %add3A_982 : i32 to index
        %get3A_986 = arith.constant 0 : index
        %get3A_987 = tpu.vector_load %arg6[%get3A_984, %get3A_985, %get3A_986] {strides = array<i32>} : memref<4x200x64xf32, #tpu.memory_space<vmem>>, vector<16xf32>,
        %add3A_988 = arith.addf %scan3A_947, %get3A_987 : vector<16xf32>
        %get3A_989 = arith.constant 3 : i32
        %get3A_990 = arith.index_cast %get3A_989 : i32 to index
        %get3A_991 = arith.index_cast %add3A_982 : i32 to index
        %get3A_992 = arith.constant 16 : index
        %get3A_993 = tpu.vector_load %arg6[%get3A_990, %get3A_991, %get3A_992] {strides = array<i32>} : memref<4x200x64xf32, #tpu.memory_space<vmem>>, vector<16xf32>,
        %add3A_994 = arith.addf %scan3A_948, %get3A_993 : vector<16xf32>
        %get3A_995 = arith.constant 3 : i32
        %get3A_996 = arith.index_cast %get3A_995 : i32 to index
        %get3A_997 = arith.index_cast %add3A_982 : i32 to index
        %get3A_998 = arith.constant 32 : index
        %get3A_999 = tpu.vector_load %arg6[%get3A_996, %get3A_997, %get3A_998] {strides = array<i32>} : memref<4x200x64xf32, #tpu.memory_space<vmem>>, vector<16xf32>,
        %add3A_1000 = arith.addf %scan3A_949, %get3A_999 : vector<16xf32>
        %get3A_1001 = arith.constant 3 : i32
        %get3A_1002 = arith.index_cast %get3A_1001 : i32 to index
        %get3A_1003 = arith.index_cast %add3A_982 : i32 to index
        %get3A_1004 = arith.constant 48 : index
        %get3A_1005 = tpu.vector_load %arg6[%get3A_1002, %get3A_1003, %get3A_1004] {strides = array<i32>} : memref<4x200x64xf32, #tpu.memory_space<vmem>>, vector<16xf32>,
        %add3A_1006 = arith.addf %scan3A_950, %get3A_1005 : vector<16xf32>
        %mul3A_1007 = arith.constant 8 : i32
        %mul3A_1008 = arith.muli %scan3A_942, %mul3A_1007 : i32
        %add3A_1009 = arith.constant 2 : i32
        %add3A_1010 = arith.addi %mul3A_1008, %add3A_1009 : i32
        %get3A_1011 = arith.constant 3 : i32
        %get3A_1012 = arith.index_cast %get3A_1011 : i32 to index
        %get3A_1013 = arith.index_cast %add3A_1010 : i32 to index
        %get3A_1014 = arith.constant 0 : index
        %get3A_1015 = tpu.vector_load %arg6[%get3A_1012, %get3A_1013, %get3A_1014] {strides = array<i32>} : memref<4x200x64xf32, #tpu.memory_space<vmem>>, vector<16xf32>,
        %add3A_1016 = arith.addf %add3A_960, %get3A_1015 : vector<16xf32>
        %get3A_1017 = arith.constant 3 : i32
        %get3A_1018 = arith.index_cast %get3A_1017 : i32 to index
        %get3A_1019 = arith.index_cast %add3A_1010 : i32 to index
        %get3A_1020 = arith.constant 16 : index
        %get3A_1021 = tpu.vector_load %arg6[%get3A_1018, %get3A_1019, %get3A_1020] {strides = array<i32>} : memref<4x200x64xf32, #tpu.memory_space<vmem>>, vector<16xf32>,
        %add3A_1022 = arith.addf %add3A_966, %get3A_1021 : vector<16xf32>
        %get3A_1023 = arith.constant 3 : i32
        %get3A_1024 = arith.index_cast %get3A_1023 : i32 to index
        %get3A_1025 = arith.index_cast %add3A_1010 : i32 to index
        %get3A_1026 = arith.constant 32 : index
        %get3A_1027 = tpu.vector_load %arg6[%get3A_1024, %get3A_1025, %get3A_1026] {strides = array<i32>} : memref<4x200x64xf32, #tpu.memory_space<vmem>>, vector<16xf32>,
        %add3A_1028 = arith.addf %add3A_972, %get3A_1027 : vector<16xf32>
        %get3A_1029 = arith.constant 3 : i32
        %get3A_1030 = arith.index_cast %get3A_1029 : i32 to index
        %get3A_1031 = arith.index_cast %add3A_1010 : i32 to index
        %get3A_1032 = arith.constant 48 : index
        %get3A_1033 = tpu.vector_load %arg6[%get3A_1030, %get3A_1031, %get3A_1032] {strides = array<i32>} : memref<4x200x64xf32, #tpu.memory_space<vmem>>, vector<16xf32>,
        %add3A_1034 = arith.addf %add3A_978, %get3A_1033 : vector<16xf32>
        %mul3A_1035 = arith.constant 8 : i32
        %mul3A_1036 = arith.muli %scan3A_942, %mul3A_1035 : i32
        %add3A_1037 = arith.constant 3 : i32
        %add3A_1038 = arith.addi %mul3A_1036, %add3A_1037 : i32
        %get3A_1039 = arith.constant 3 : i32
        %get3A_1040 = arith.index_cast %get3A_1039 : i32 to index
        %get3A_1041 = arith.index_cast %add3A_1038 : i32 to index
        %get3A_1042 = arith.constant 0 : index
        %get3A_1043 = tpu.vector_load %arg6[%get3A_1040, %get3A_1041, %get3A_1042] {strides = array<i32>} : memref<4x200x64xf32, #tpu.memory_space<vmem>>, vector<16xf32>,
        %add3A_1044 = arith.addf %add3A_988, %get3A_1043 : vector<16xf32>
        %get3A_1045 = arith.constant 3 : i32
        %get3A_1046 = arith.index_cast %get3A_1045 : i32 to index
        %get3A_1047 = arith.index_cast %add3A_1038 : i32 to index
        %get3A_1048 = arith.constant 16 : index
        %get3A_1049 = tpu.vector_load %arg6[%get3A_1046, %get3A_1047, %get3A_1048] {strides = array<i32>} : memref<4x200x64xf32, #tpu.memory_space<vmem>>, vector<16xf32>,
        %add3A_1050 = arith.addf %add3A_994, %get3A_1049 : vector<16xf32>
        %get3A_1051 = arith.constant 3 : i32
        %get3A_1052 = arith.index_cast %get3A_1051 : i32 to index
        %get3A_1053 = arith.index_cast %add3A_1038 : i32 to index
        %get3A_1054 = arith.constant 32 : index
        %get3A_1055 = tpu.vector_load %arg6[%get3A_1052, %get3A_1053, %get3A_1054] {strides = array<i32>} : memref<4x200x64xf32, #tpu.memory_space<vmem>>, vector<16xf32>,
        %add3A_1056 = arith.addf %add3A_1000, %get3A_1055 : vector<16xf32>
        %get3A_1057 = arith.constant 3 : i32
        %get3A_1058 = arith.index_cast %get3A_1057 : i32 to index
        %get3A_1059 = arith.index_cast %add3A_1038 : i32 to index
        %get3A_1060 = arith.constant 48 : index
        %get3A_1061 = tpu.vector_load %arg6[%get3A_1058, %get3A_1059, %get3A_1060] {strides = array<i32>} : memref<4x200x64xf32, #tpu.memory_space<vmem>>, vector<16xf32>,
        %add3A_1062 = arith.addf %add3A_1006, %get3A_1061 : vector<16xf32>
        %mul3A_1063 = arith.constant 8 : i32
        %mul3A_1064 = arith.muli %scan3A_942, %mul3A_1063 : i32
        %add3A_1065 = arith.constant 4 : i32
        %add3A_1066 = arith.addi %mul3A_1064, %add3A_1065 : i32
        %get3A_1067 = arith.constant 3 : i32
        %get3A_1068 = arith.index_cast %get3A_1067 : i32 to index
        %get3A_1069 = arith.index_cast %add3A_1066 : i32 to index
        %get3A_1070 = arith.constant 0 : index
        %get3A_1071 = tpu.vector_load %arg6[%get3A_1068, %get3A_1069, %get3A_1070] {strides = array<i32>} : memref<4x200x64xf32, #tpu.memory_space<vmem>>, vector<16xf32>,
        %add3A_1072 = arith.addf %add3A_1016, %get3A_1071 : vector<16xf32>
        %get3A_1073 = arith.constant 3 : i32
        %get3A_1074 = arith.index_cast %get3A_1073 : i32 to index
        %get3A_1075 = arith.index_cast %add3A_1066 : i32 to index
        %get3A_1076 = arith.constant 16 : index
        %get3A_1077 = tpu.vector_load %arg6[%get3A_1074, %get3A_1075, %get3A_1076] {strides = array<i32>} : memref<4x200x64xf32, #tpu.memory_space<vmem>>, vector<16xf32>,
        %add3A_1078 = arith.addf %add3A_1022, %get3A_1077 : vector<16xf32>
        %get3A_1079 = arith.constant 3 : i32
        %get3A_1080 = arith.index_cast %get3A_1079 : i32 to index
        %get3A_1081 = arith.index_cast %add3A_1066 : i32 to index
        %get3A_1082 = arith.constant 32 : index
        %get3A_1083 = tpu.vector_load %arg6[%get3A_1080, %get3A_1081, %get3A_1082] {strides = array<i32>} : memref<4x200x64xf32, #tpu.memory_space<vmem>>, vector<16xf32>,
        %add3A_1084 = arith.addf %add3A_1028, %get3A_1083 : vector<16xf32>
        %get3A_1085 = arith.constant 3 : i32
        %get3A_1086 = arith.index_cast %get3A_1085 : i32 to index
        %get3A_1087 = arith.index_cast %add3A_1066 : i32 to index
        %get3A_1088 = arith.constant 48 : index
        %get3A_1089 = tpu.vector_load %arg6[%get3A_1086, %get3A_1087, %get3A_1088] {strides = array<i32>} : memref<4x200x64xf32, #tpu.memory_space<vmem>>, vector<16xf32>,
        %add3A_1090 = arith.addf %add3A_1034, %get3A_1089 : vector<16xf32>
        %mul3A_1091 = arith.constant 8 : i32
        %mul3A_1092 = arith.muli %scan3A_942, %mul3A_1091 : i32
        %add3A_1093 = arith.constant 5 : i32
        %add3A_1094 = arith.addi %mul3A_1092, %add3A_1093 : i32
        %get3A_1095 = arith.constant 3 : i32
        %get3A_1096 = arith.index_cast %get3A_1095 : i32 to index
        %get3A_1097 = arith.index_cast %add3A_1094 : i32 to index
        %get3A_1098 = arith.constant 0 : index
        %get3A_1099 = tpu.vector_load %arg6[%get3A_1096, %get3A_1097, %get3A_1098] {strides = array<i32>} : memref<4x200x64xf32, #tpu.memory_space<vmem>>, vector<16xf32>,
        %add3A_1100 = arith.addf %add3A_1044, %get3A_1099 : vector<16xf32>
        %get3A_1101 = arith.constant 3 : i32
        %get3A_1102 = arith.index_cast %get3A_1101 : i32 to index
        %get3A_1103 = arith.index_cast %add3A_1094 : i32 to index
        %get3A_1104 = arith.constant 16 : index
        %get3A_1105 = tpu.vector_load %arg6[%get3A_1102, %get3A_1103, %get3A_1104] {strides = array<i32>} : memref<4x200x64xf32, #tpu.memory_space<vmem>>, vector<16xf32>,
        %add3A_1106 = arith.addf %add3A_1050, %get3A_1105 : vector<16xf32>
        %get3A_1107 = arith.constant 3 : i32
        %get3A_1108 = arith.index_cast %get3A_1107 : i32 to index
        %get3A_1109 = arith.index_cast %add3A_1094 : i32 to index
        %get3A_1110 = arith.constant 32 : index
        %get3A_1111 = tpu.vector_load %arg6[%get3A_1108, %get3A_1109, %get3A_1110] {strides = array<i32>} : memref<4x200x64xf32, #tpu.memory_space<vmem>>, vector<16xf32>,
        %add3A_1112 = arith.addf %add3A_1056, %get3A_1111 : vector<16xf32>
        %get3A_1113 = arith.constant 3 : i32
        %get3A_1114 = arith.index_cast %get3A_1113 : i32 to index
        %get3A_1115 = arith.index_cast %add3A_1094 : i32 to index
        %get3A_1116 = arith.constant 48 : index
        %get3A_1117 = tpu.vector_load %arg6[%get3A_1114, %get3A_1115, %get3A_1116] {strides = array<i32>} : memref<4x200x64xf32, #tpu.memory_space<vmem>>, vector<16xf32>,
        %add3A_1118 = arith.addf %add3A_1062, %get3A_1117 : vector<16xf32>
        %mul3A_1119 = arith.constant 8 : i32
        %mul3A_1120 = arith.muli %scan3A_942, %mul3A_1119 : i32
        %add3A_1121 = arith.constant 6 : i32
        %add3A_1122 = arith.addi %mul3A_1120, %add3A_1121 : i32
        %get3A_1123 = arith.constant 3 : i32
        %get3A_1124 = arith.index_cast %get3A_1123 : i32 to index
        %get3A_1125 = arith.index_cast %add3A_1122 : i32 to index
        %get3A_1126 = arith.constant 0 : index
        %get3A_1127 = tpu.vector_load %arg6[%get3A_1124, %get3A_1125, %get3A_1126] {strides = array<i32>} : memref<4x200x64xf32, #tpu.memory_space<vmem>>, vector<16xf32>,
        %add3A_1128 = arith.addf %add3A_1072, %get3A_1127 : vector<16xf32>
        %get3A_1129 = arith.constant 3 : i32
        %get3A_1130 = arith.index_cast %get3A_1129 : i32 to index
        %get3A_1131 = arith.index_cast %add3A_1122 : i32 to index
        %get3A_1132 = arith.constant 16 : index
        %get3A_1133 = tpu.vector_load %arg6[%get3A_1130, %get3A_1131, %get3A_1132] {strides = array<i32>} : memref<4x200x64xf32, #tpu.memory_space<vmem>>, vector<16xf32>,
        %add3A_1134 = arith.addf %add3A_1078, %get3A_1133 : vector<16xf32>
        %get3A_1135 = arith.constant 3 : i32
        %get3A_1136 = arith.index_cast %get3A_1135 : i32 to index
        %get3A_1137 = arith.index_cast %add3A_1122 : i32 to index
        %get3A_1138 = arith.constant 32 : index
        %get3A_1139 = tpu.vector_load %arg6[%get3A_1136, %get3A_1137, %get3A_1138] {strides = array<i32>} : memref<4x200x64xf32, #tpu.memory_space<vmem>>, vector<16xf32>,
        %add3A_1140 = arith.addf %add3A_1084, %get3A_1139 : vector<16xf32>
        %get3A_1141 = arith.constant 3 : i32
        %get3A_1142 = arith.index_cast %get3A_1141 : i32 to index
        %get3A_1143 = arith.index_cast %add3A_1122 : i32 to index
        %get3A_1144 = arith.constant 48 : index
        %get3A_1145 = tpu.vector_load %arg6[%get3A_1142, %get3A_1143, %get3A_1144] {strides = array<i32>} : memref<4x200x64xf32, #tpu.memory_space<vmem>>, vector<16xf32>,
        %add3A_1146 = arith.addf %add3A_1090, %get3A_1145 : vector<16xf32>
        %mul3A_1147 = arith.constant 8 : i32
        %mul3A_1148 = arith.muli %scan3A_942, %mul3A_1147 : i32
        %add3A_1149 = arith.constant 7 : i32
        %add3A_1150 = arith.addi %mul3A_1148, %add3A_1149 : i32
        %get3A_1151 = arith.constant 3 : i32
        %get3A_1152 = arith.index_cast %get3A_1151 : i32 to index
        %get3A_1153 = arith.index_cast %add3A_1150 : i32 to index
        %get3A_1154 = arith.constant 0 : index
        %get3A_1155 = tpu.vector_load %arg6[%get3A_1152, %get3A_1153, %get3A_1154] {strides = array<i32>} : memref<4x200x64xf32, #tpu.memory_space<vmem>>, vector<16xf32>,
        %add3A_1156 = arith.addf %add3A_1100, %get3A_1155 : vector<16xf32>
        %get3A_1157 = arith.constant 3 : i32
        %get3A_1158 = arith.index_cast %get3A_1157 : i32 to index
        %get3A_1159 = arith.index_cast %add3A_1150 : i32 to index
        %get3A_1160 = arith.constant 16 : index
        %get3A_1161 = tpu.vector_load %arg6[%get3A_1158, %get3A_1159, %get3A_1160] {strides = array<i32>} : memref<4x200x64xf32, #tpu.memory_space<vmem>>, vector<16xf32>,
        %add3A_1162 = arith.addf %add3A_1106, %get3A_1161 : vector<16xf32>
        %get3A_1163 = arith.constant 3 : i32
        %get3A_1164 = arith.index_cast %get3A_1163 : i32 to index
        %get3A_1165 = arith.index_cast %add3A_1150 : i32 to index
        %get3A_1166 = arith.constant 32 : index
        %get3A_1167 = tpu.vector_load %arg6[%get3A_1164, %get3A_1165, %get3A_1166] {strides = array<i32>} : memref<4x200x64xf32, #tpu.memory_space<vmem>>, vector<16xf32>,
        %add3A_1168 = arith.addf %add3A_1112, %get3A_1167 : vector<16xf32>
        %get3A_1169 = arith.constant 3 : i32
        %get3A_1170 = arith.index_cast %get3A_1169 : i32 to index
        %get3A_1171 = arith.index_cast %add3A_1150 : i32 to index
        %get3A_1172 = arith.constant 48 : index
        %get3A_1173 = tpu.vector_load %arg6[%get3A_1170, %get3A_1171, %get3A_1172] {strides = array<i32>} : memref<4x200x64xf32, #tpu.memory_space<vmem>>, vector<16xf32>,
        %add3A_1174 = arith.addf %add3A_1118, %get3A_1173 : vector<16xf32>
        scf.yield %add3A_1128, %add3A_1134, %add3A_1140, %add3A_1146, %add3A_1156, %add3A_1162, %add3A_1168, %add3A_1174 : vector<16xf32>, vector<16xf32>, vector<16xf32>, vector<16xf32>, vector<16xf32>, vector<16xf32>, vector<16xf32>, vector<16xf32>
      }
      %scan3A_921 = arith.constant 25 : i32
      %add3A_922 = arith.addf %scan3A_920#0, %scan3A_920#4 : vector<16xf32>
      %mul3A_923 = arith.mulf %add3A_922, %div3A_913 : vector<16xf32>
      %swap3A_924 = arith.index_cast %add3A_732 : i32 to index
      %swap3A_925 = arith.constant 0 : index
      %swap3A_926 = tpu.vector_load %arg7[%swap3A_924, %swap3A_925] {strides = array<i32>} : memref<128x64xf32, #tpu.memory_space<vmem>>, vector<16xf32>,
      tpu.vector_store %arg7[%swap3A_924, %swap3A_925], %mul3A_923 {strides = array<i32>} : memref<128x64xf32, #tpu.memory_space<vmem>>, vector<16xf32>,
      %add3A_927 = arith.addf %scan3A_920#1, %scan3A_920#5 : vector<16xf32>
      %mul3A_928 = arith.mulf %add3A_927, %div3A_913 : vector<16xf32>
      %swap3A_929 = arith.index_cast %add3A_732 : i32 to index
      %swap3A_930 = arith.constant 16 : index
      %swap3A_931 = tpu.vector_load %arg7[%swap3A_929, %swap3A_930] {strides = array<i32>} : memref<128x64xf32, #tpu.memory_space<vmem>>, vector<16xf32>,
      tpu.vector_store %arg7[%swap3A_929, %swap3A_930], %mul3A_928 {strides = array<i32>} : memref<128x64xf32, #tpu.memory_space<vmem>>, vector<16xf32>,
      %add3A_932 = arith.addf %scan3A_920#2, %scan3A_920#6 : vector<16xf32>
      %mul3A_933 = arith.mulf %add3A_932, %div3A_913 : vector<16xf32>
      %swap3A_934 = arith.index_cast %add3A_732 : i32 to index
      %swap3A_935 = arith.constant 32 : index
      %swap3A_936 = tpu.vector_load %arg7[%swap3A_934, %swap3A_935] {strides = array<i32>} : memref<128x64xf32, #tpu.memory_space<vmem>>, vector<16xf32>,
      tpu.vector_store %arg7[%swap3A_934, %swap3A_935], %mul3A_933 {strides = array<i32>} : memref<128x64xf32, #tpu.memory_space<vmem>>, vector<16xf32>,
      %add3A_937 = arith.addf %scan3A_920#3, %scan3A_920#7 : vector<16xf32>
      %mul3A_938 = arith.mulf %add3A_937, %div3A_913 : vector<16xf32>
      %swap3A_939 = arith.index_cast %add3A_732 : i32 to index
      %swap3A_940 = arith.constant 48 : index
      %swap3A_941 = tpu.vector_load %arg7[%swap3A_939, %swap3A_940] {strides = array<i32>} : memref<128x64xf32, #tpu.memory_space<vmem>>, vector<16xf32>,
      tpu.vector_store %arg7[%swap3A_939, %swap3A_940], %mul3A_938 {strides = array<i32>} : memref<128x64xf32, #tpu.memory_space<vmem>>, vector<16xf32>,
    }
    %scan3A_102 = arith.constant 32 : i32
    "tpu.region"() ({
      %run_scoped3A = tpu.sem_alloc : memref<!tpu.dma_semaphore, #tpu.memory_space<semaphore_mem>>
      %dma_start3A_103 = arith.constant 0 : i32
      %dma_start3A_104 = tpu.memref_slice %arg4[%mul3A_2, %dma_start3A_103] : memref<4096x64xf32, #tpu.memory_space<hbm>> -> memref<128x64xf32, #tpu.memory_space<hbm>>
      %dma_start3A_105 = arith.constant 0 : i32
      %dma_start3A_106 = tpu.memref_slice %arg4[%mul3A_2, %dma_start3A_105] : memref<4096x64xf32, #tpu.memory_space<hbm>> -> memref<128x64xf32, #tpu.memory_space<hbm>>
      tpu.enqueue_dma source(%arg7 : memref<128x64xf32, #tpu.memory_space<vmem>>) target(%dma_start3A_106 : memref<128x64xf32, #tpu.memory_space<hbm>>) target_semaphore(%run_scoped3A : memref<!tpu.dma_semaphore, #tpu.memory_space<semaphore_mem>>)
      %dma_wait3A = arith.constant 0 : i32
      %dma_wait3A_107 = tpu.memref_slice %arg4[%mul3A_2, %dma_wait3A] : memref<4096x64xf32, #tpu.memory_space<hbm>> -> memref<128x64xf32, #tpu.memory_space<hbm>>
      %dma_wait3A_108 = arith.constant 0 : i32
      %dma_wait3A_109 = tpu.memref_slice %arg4[%mul3A_2, %dma_wait3A_108] : memref<4096x64xf32, #tpu.memory_space<hbm>> -> memref<128x64xf32, #tpu.memory_space<hbm>>
      tpu.wait_dma2 semaphore(%run_scoped3A : memref<!tpu.dma_semaphore, #tpu.memory_space<semaphore_mem>>) src(%arg7 : memref<128x64xf32, #tpu.memory_space<vmem>>) dst(%dma_wait3A_109 : memref<128x64xf32, #tpu.memory_space<hbm>>)
      tpu.yield
    }) : () -> ()
    return
  }
}

</mosaic_0001>

<sc_bundles>
// kernel: _pool.3.cloned.1.call-start
scs
__scs_entry_jumppad:
0x0: {  	(pc) =	sbr.rel $0x88, $3  }
0x1: {  	(tag) =	ssettag $0x0;
	lr =	simm.s32 $0x1  }
0x2: {  	[smem:$0x3F9F] =	sst lr;
	_ =	strace $0xD0000000  }
0x3: {  	_ = 	snop  }
0x4: {  	_ = 	snop  }
0x5: {  	_ = 	snop  }
0x6: {  	_ = 	snop  }
0x7: {  	_ = 	snop  }
__scs_overlays_trampoline_lowered:
0x8: {  	[smem:$0x3FAE] =	sst s0  }
0x9: {  	[smem:$0x3FAF] =	sst s1  }
0xa: {  	[smem:$0x3FB0] =	sst s2  }
0xb: {  	[smem:$0x3FB1] =	sst s3  }
0xc: {  	[smem:$0x3FB2] =	sst s4  }
0xd: {  	[smem:$0x3FB3] =	sst s5  }
0xe: {  	[smem:$0x3FB4] =	sst s6  }
0xf: {  	[smem:$0x3FB5] =	sst s7  }
0x10: {  	[smem:$0x3FB6] =	sst s8  }
0x11: {  	[smem:$0x3FB7] =	sst s9;
	s0 =	simm.s32 @!p0 $0x0  }
0x12: {  	s1 =	sld [smem:$0x3F9D];
	s0 =	simm.s32 @p0 $0x1  }
0x13: {  	[smem:$0x3FB8] =	sst s0;
	s0 =	simm.s32 @!p1 $0x0  }
0x14: {  	s2 =	sld [smem:$0x3F9C];
	s0 =	simm.s32 @p1 $0x1  }
0x15: {  	[smem:$0x3FB9] =	sst s0;
	s0 =	simm.s32 @!p2 $0x0  }
0x16: {  	s3 =	sld [smem:$0x3FDB];
	s0 =	simm.s32 @p2 $0x1  }
0x17: {  	s4 =	simm.s32 $0x1BF5;
	[smem:$0x3FBB] =	sst s0  }
0x18: {  	s0 =	sld [smem:$0x3F9E];
	_ =	swait.ge [sflag:s4], $0x0  }
0x19: {  	s7 =	sld [smem:$0x3F9F]  }
0x1a: {  	s8 =	sadd.s32 $0xFFFFE003, lr  }
0x1b: {  	s9 =	sadd.s32 $0xFFFFFEF7, lr;
	s5 =	simm.s32 $0xFFFFFFFF;
	p2 =	slt.u32 s8, $0xFFFFF086  }
0x1c: {  	p1 =	slt.u32 s9, $0xF7A;
	s5 =	simm.s32 @!p2 $0x0  }
0x1d: {  	s5 =	simm.s32 @p1 $0x1;
	p0 =	seq.s32 s7, s2  }
0x1e: {  	s7 =	smul.u32 @!p0 $0xF7A, s2;
	p2 =	seq.s32 @!p0 s5, $0x0  }
0x1f: {  	s9 =	smul.u32 $0xF7A, s1;
	s8 =	simm.s32 @!p0 $0x1BF5;
	p2 =	por !p2, p0  }
0x20: {  	[sflag:s8] =	ssyncset.s32 @!p0 $0xFFFFF086;
	s6 =	sadd.s32 @!p0 s3, s7;
	s7 =	simm.s32 @!p0 $0x108  }
0x21: {  	s3 =	sadd.s32 s3, s9;
	s6 =	sadd.s32 @!p0 $0x88, s6;
	s7 =	simm.s32 @p2 $0x1082  }
0x22: {  	[simem:s7], [sflag:s8] =	dma.local @!p0 [hbm:s6], $0xF7A  }
0x23: {  	s9 =	sor.u32 $0xD0000000, s2;
	s6 =	simm.s32 $0x108;
	_ =	swait.ge @!p0 [sflag:s8], $0x0  }
0x24: {  	s3 =	sadd.s32 $0x88, s3;
	s6 =	simm.s32 @!p1 $0x1082;
	[sflag:s4] =	ssyncset.s32 $0xFFFFF086  }
0x25: {  	[simem:s6], [sflag:s4] =	dma.local [hbm:s3], $0xF7A  }
0x26: {  	[smem:$0x3F9F] =	sst s1;
	(tag) =	ssettag s2;
	_ =	strace s9  }
0x27: {  	s1 =	sld [smem:$0x3FAF]  }
0x28: {  	s2 =	sld [smem:$0x3FB0]  }
0x29: {  	s4 =	sld [smem:$0x3FB2]  }
0x2a: {  	p0 =	seq.s32 s5, $0x0;
	s5 =	sld [smem:$0x3FB3]  }
0x2b: {  	s6 =	sld [smem:$0x3FB4]  }
0x2c: {  	s7 =	sld [smem:$0x3FB5]  }
0x2d: {  	s3 =	simm.s32 $0x108;
	s8 =	sld [smem:$0x3FB6]  }
0x2e: {  	s3 =	simm.s32 @!p0 $0x1082;
	s9 =	sld [smem:$0x3FB7]  }
0x2f: {  	lr =	sadd.s32 s0, s3;
	s0 =	sld [smem:$0x3FAE]  }
0x30: {  	s3 =	sld [smem:$0x3FB1]  }
0x31: {  	[smem:$0x3FBA] =	sst s10  }
0x32: {  	s10 =	sld [smem:$0x3FB8];
	_ =	sdelay $0x3  }
0x33: {  	p0 =	seq.s32 s10, $0x1;
	s10 =	sld [smem:$0x3FBA];
	_ =	sdelay $0x3  }
0x34: {  	[smem:$0x3FBA] =	sst s10  }
0x35: {  	s10 =	sld [smem:$0x3FB9];
	_ =	sdelay $0x3  }
0x36: {  	p1 =	seq.s32 s10, $0x1;
	s10 =	sld [smem:$0x3FBA];
	_ =	sdelay $0x3  }
0x37: {  	[smem:$0x3FBA] =	sst s10  }
0x38: {  	s10 =	sld [smem:$0x3FBB]  }
0x39: {  	_ = 	snop;
	(pc) =	sbr.ind lr, $3  }
0x3a: {  	_ = 	snop  }
0x3b: {  	_ = 	snop  }
0x3c: {  	p2 =	seq.s32 s10, $0x1;
	s10 =	sld [smem:$0x3FBA]  }
0x3d: {  	_ =	shalt  }
0x3e: {  	_ =	shalt  }
0x3f: {  	_ =	shalt  }
0x40: {  	_ =	shalt  }
0x41: {  	_ =	shalt  }
0x42: {  	_ =	shalt  }
0x43: {  	_ =	shalt  }
0x44: {  	_ =	shalt  }
0x45: {  	_ =	shalt  }
0x46: {  	_ =	shalt  }
0x47: {  	_ =	shalt  }
0x48: {  	_ =	shalt  }
0x49: {  	_ =	shalt  }
0x4a: {  	_ =	shalt  }
0x4b: {  	_ =	shalt  }
0x4c: {  	_ =	shalt  }
0x4d: {  	_ =	shalt  }
0x4e: {  	_ =	shalt  }
0x4f: {  	_ =	shalt  }
0x50: {  	_ =	shalt  }
0x51: {  	_ =	shalt  }
0x52: {  	_ =	shalt  }
0x53: {  	_ =	shalt  }
0x54: {  	_ =	shalt  }
0x55: {  	_ =	shalt  }
0x56: {  	_ =	shalt  }
0x57: {  	_ =	shalt  }
0x58: {  	_ =	shalt  }
0x59: {  	_ =	shalt  }
0x5a: {  	_ =	shalt  }
0x5b: {  	_ =	shalt  }
0x5c: {  	_ =	shalt  }
0x5d: {  	_ =	shalt  }
0x5e: {  	_ =	shalt  }
0x5f: {  	_ =	shalt  }
0x60: {  	_ =	shalt  }
0x61: {  	_ =	shalt  }
0x62: {  	_ =	shalt  }
0x63: {  	_ =	shalt  }
0x64: {  	_ =	shalt  }
0x65: {  	_ =	shalt  }
0x66: {  	_ =	shalt  }
0x67: {  	_ =	shalt  }
0x68: {  	_ =	shalt  }
0x69: {  	_ =	shalt  }
0x6a: {  	_ =	shalt  }
0x6b: {  	_ =	shalt  }
0x6c: {  	_ =	shalt  }
0x6d: {  	_ =	shalt  }
0x6e: {  	_ =	shalt  }
0x6f: {  	_ =	shalt  }
0x70: {  	_ =	shalt  }
0x71: {  	_ =	shalt  }
0x72: {  	_ =	shalt  }
0x73: {  	_ =	shalt  }
0x74: {  	_ =	shalt  }
0x75: {  	_ =	shalt  }
0x76: {  	_ =	shalt  }
0x77: {  	_ =	shalt  }
0x78: {  	_ =	shalt  }
0x79: {  	_ =	shalt  }
0x7a: {  	_ =	shalt  }
0x7b: {  	_ =	shalt  }
0x7c: {  	_ =	shalt  }
0x7d: {  	_ =	shalt  }
0x7e: {  	_ =	shalt  }
0x7f: {  	_ =	shalt  }
0x80: {  	_ =	shalt  }
0x81: {  	_ =	shalt  }
0x82: {  	_ =	shalt  }
0x83: {  	_ =	shalt  }
0x84: {  	_ =	shalt  }
0x85: {  	_ =	shalt  }
0x86: {  	_ =	shalt  }
0x87: {  	_ =	shalt  }
.Lfunc_end0:
.L_simem_size_0:
called_computation_lowered:
.L_overlay_start_0:
0x88: {  	s2 =	sld [smem:$0x3FD9]  }
0x89: {  	s3 =	sld [smem:$0x3FFE];
	_ =	sdelay $0x1  }
0x8a: {  	s1 =	srdreg.scid  }
0x8b: {  	s0 =	sand.u32 $0x1, s1  }
0x8c: {  	s17 =	sshll.u32 s0, $0xA;
	s2 =	sadd.s32 s3, s2  }
0x8d: {  	s2 =	sadd.s32 s2, s17  }
0x8e: {  	[smem:$0x3FC6] =	sst s2  }
0x8f: {  	_ = 	snop  }
0x90: {  	s2 =	sld [smem:$0x3FD0];
	(tm) =	ssettm $0x1  }
0x91: {  	s18 =	sld [smem:$0x3FFB];
	_ =	sdelay $0x3  }
0x92: {  	_ =	strace s18  }
0x93: {  	s3 =	sld [smem:$0x3FFC];
	_ =	sdelay $0x3  }
0x94: {  	_ =	strace s3  }
0x95: {  	s3 =	sld [smem:$0x3FFD];
	_ =	sdelay $0x3  }
0x96: {  	_ =	strace s3  }
0x97: {  	_ =	strace $0x8FFFFFFF  }
0x98: {  	s19 =	sld [smem:$0x3FDB];
	_ =	sdelay $0x1  }
0x99: {  	s4 =	simm.s32 $_scs_section_size  }
0x9a: {  	s5 =	simm.s32 $_size__tile_overlayer_lowered;
	s6 =	simm.s32 $_tile_overlayer_lowered  }
0x9b: {  	s22 =	simm.s32 $0x1BFF;
	s21 =	sshll.u32 s6, $0x1;
	s3 =	sadd.s32 s4, s19  }
0x9c: {  	s7 =	simm.s32 $0x0;
	s20 =	sshll.u32 s5, $0x1;
	s5 =	sadd.s32 s21, s3  }
0x9d: {  	[timem:s7], [sflag:s22] =	dma.local [hbm:s5], s20  }
0x9e: {  	_ =	swait.ge [sflag:s22], s20  }
0x9f: {  	s4 =	ssub.s32 $0x0, s20;
	[sflag:s22] =	ssyncset.done $0x0  }
0xa0: {  	[sflag:s22] =	ssyncadd.s32 s4;
	_ =	sdelay $0x1  }
0xa1: {  	s23 =	simm.s32 $0x1B8B  }
0xa2: {  	_ =	swait.ge [sflag:s23], $0x1  }
0xa3: {  	[sflag:s23] =	ssyncset.done $0x0  }
0xa4: {  	s25 =	simm.s32 $0x1B8E;
	s24 =	sld [smem:$0x3FFE];
	[sflag:s23] =	ssyncadd.s32 $0xFFFFFFFF  }
0xa5: {  	s26 =	simm.s32 $execute0_lowered;
	[smem:$0x3FD2] =	sst s25  }
0xa6: {  	s5 =	sshll.u32 s26, $0x1;
	_ =	strace $0x80000046;
	[dreg:$0x1] =	wrdreg $0xFFFFFFFF  }
0xa7: {  	s28 =	simm.s32 $_size_execute0_lowered;
	s3 =	sadd.s32 s3, s5;
	[dreg:$0x0] =	wrdreg $0x0  }
0xa8: {  	s5 =	sshll.u32 s28, $0x1;
	[dreg:$0x2] =	wrdreg s3  }
0xa9: {  	[dreg:$0x3] =	wrdreg s5  }
0xaa: {  	[dreg:$0x4] =	wrdreg $0xC0  }
0xab: {  	_ =	task [dreg:s7], $0x5FFFF  }
0xac: {  	[dreg:$0x1] =	wrdreg $0xFFFFFFFF  }
0xad: {  	[dreg:$0x0] =	wrdreg $0x60  }
0xae: {  	[dreg:$0x2] =	wrdreg s24  }
0xaf: {  	[dreg:$0x3] =	wrdreg s2  }
0xb0: {  	[dreg:$0x4] =	wrdreg $0x9  }
0xb1: {  	_ =	task.clear_ibuf [dreg:s7], $0x5FFFF;
	_ =	strace $0x90000046  }
0xb2: {  	s29 =	simm.s32 $0x9;
	_ =	strace $0x80000048  }
0xb3: {  	_ =	swait.ge [sflag:s29], $0x1  }
0xb4: {  	[sflag:s29] =	ssyncadd.s32 $0xFFFFFFFF  }
0xb5: {  	_ =	strace $0x90000048  }
0xb6: {  	_ =	sfence  }
0xb7: {  	s30 =	sld [smem:$0x0];
	_ =	sdelay $0x2  }
0xb8: {  	s31 =	sshll.u32 s1, $0xD;
	s1 =	sshrl.u32 s1, $0x2  }
0xb9: {  	s3 =	sand.u32 $0x4000, s31;
	s1 =	sadd.s32 s1, s30  }
0xba: {  	s0 =	sor.u32 s3, s0;
	s1 =	sshll.u32 s1, $0x11  }
0xbb: {  	s0 =	sor.u32 s1, s0  }
0xbc: {  	s0 =	sadd.s32 $0x8F2B, s0  }
0xbd: {  	[sflag:s0] =	ssyncadd.remote.s32 $0x1  }
0xbe: {  	_ =	sfence.sel $0xFFFF  }
0xbf: {  	[dreg:$0x0] =	wrdreg $0xFFFFFFFF;
	(pc) =	sbr.abs _section_cstart, $3  }
0xc0: {  	[dreg:$0x1] =	wrdreg $0xFFFFFFFF  }
0xc1: {  	_ =	task.clear_ibuf [dreg:s7], $0x2FFFF;
	_ =	strace $0x9FFFFFFF  }
0xc2: {  	(tm) =	ssettm $0x7FFFFFFF  }
0xc3: {  	_ =	shalt  }
tec
execute0_lowered:
.L_overlay_start_1:
0x0: {  	(tag) =	ssettag $0x1  }
0x1: {  	s0 =	srdreg.scid;
	s1 =	rddreg [dreg:$0x0]  }
0x2: {  	s2 =	stileid.u32;
	s5 =	rddreg [dreg:$0x1]  }
0x3: {  	s8 =	simm.s32 $0x68;
	s10 =	simm.s32 $0x60;
	s15 =	simm.s32 $0xB000  }
0x4: {  	s16 =	simm.s32 $0x190;
	s17 =	simm.s32 $0xC800;
	s18 =	simm.s32 $0x1F8  }
0x5: {  	s19 =	simm.s32 $0xE200;
	s20 =	simm.s32 $0x1;
	s21 =	simm.s32 $0xFA00  }
0x6: {  	s22 =	simm.s32 $0x11400;
	s23 =	simm.s32 $0x2;
	s24 =	simm.s32 $0x3  }
0x7: {  	s25 =	simm.s32 $0x4;
	s26 =	simm.s32 $0x12C00;
	s0 =	sand.u32 $0x1, s0  }
0x8: {  	s28 =	simm.s32 $0x0;
	s2 =	sshll.u32 s2, $0x8;
	s3 =	sshll.u32 s0, $0x7  }
0x9: {  	s0 =	ssub.s32 $0x2, s0;
	s4 =	sor.u32 s3, s2;
	s2 =	simm.s32 $0x0  }
0xa: {  	s7 =	sshrl.u32 s0, $0x1;
	s3 =	smul.u32 $0x19, s4;
	[smem:$0x7FF] =	sst s2  }
0xb: {  	s0 =	ssub.s32 s0, s7;
	s31 =	sshll.u32 s4, $0x3;
	s7 =	simm.s32 $0x5  }
0xc: {  	_ =	strace $0x80000047;
	s5 =	sadd.s32 s5, s31;
	s6 =	sadd.s32 s3, s1  }
0xd: {  	vm0 =	vmmov $0xff;
	vm1 =	vcmask $0x3F20;
	s3 =	sadd.s32 $0xF80600, s1;
	s4 =	sadd.s32 $0x600, s6;
	s6 =	smax.u32 s0, $0x1  }
.LBB2_1:
0xe: {  	[tilespmem:s2], [sflag:$0x5] =	stream.linear.gather [hbm4b:s4+s2], $0x6400, $0x38;
	[tilespmem:$0x14C00] =	vst v63  }
0xf: {  	_ =	swait.ge [sflag:s7], $0x6400  }
0x10: {  	[sflag:s7] =	ssyncset.done $0x0  }
0x11: {  	s0 =	simm.s32 $0x0;
	[sflag:s7] =	ssyncadd.s32 $0xFFFF9C00  }
0x12: {  	v0 =	vld [tilespmem:s0+$0x90]  }
0x13: {  	v1 =	vld [tilespmem:s0+$0xA0]  }
0x14: {  	v2 =	vld [tilespmem:s0+$0x50]  }
0x15: {  	v3 =	vld [tilespmem:s0+$0x70]  }
0x16: {  	v4 =	vld [tilespmem:s0+$0x80]  }
0x17: {  	v5 =	vld [tilespmem:s0+$0x20]  }
0x18: {  	v6 =	vld [tilespmem:s0+$0x60]  }
0x19: {  	v9 =	vld [tilespmem:s0+$0x40];
	v7 =	vshll.u32 v0, $0x1  }
0x1a: {  	v8 =	vshrl.u32 v0, $0xE;
	v10 =	vshll.u32 v2, $0x1;
	v0 =	vand.u32 $0xFFFF8000, v0  }
0x1b: {  	v11 =	vshrl.u32 v1, $0xE;
	v12 =	vshll.u32 v4, $0x1;
	v13 =	vshll.u32 v1, $0x1  }
0x1c: {  	v14 =	vand.u32 $0xFFFF8000, v2;
	v15 =	vshll.u32 v5, $0x1;
	v2 =	vshrl.u32 v2, $0xE  }
0x1d: {  	v16 =	vshrl.u32 v6, $0xE;
	v17 =	vshrl.u32 v4, $0xE;
	v18 =	vand.u32 $0xFFFF8000, v6  }
0x1e: {  	v19 =	vand.u32 $0xFFFF8000, v3;
	v20 =	vshll.u32 v9, $0x1;
	v1 =	vand.u32 $0xFFFF8000, v1  }
0x1f: {  	v6 =	vshll.u32 v6, $0x1;
	v7 =	vand.u32 $0x7FFE, v7;
	v8 =	vand.u32 $0x1, v8  }
0x20: {  	v10 =	vand.u32 $0x7FFE, v10;
	v2 =	vand.u32 $0x1, v2;
	v20 =	vand.u32 $0x7FFE, v20  }
0x21: {  	v22 =	vld [tilespmem:s0+$0x30];
	v10 =	vor.u32 v14, v10;
	v0 =	vor.u32 v0, v7;
	v7 =	vand.u32 $0x7FFE, v12  }
0x22: {  	v2 =	vor.u32 v2, v10;
	v10 =	vand.u32 $0x7FFE, v13;
	v13 =	vshrl.u32 v9, $0xE  }
0x23: {  	v14 =	vld [tilespmem:s0+$0x0];
	v9 =	vand.u32 $0xFFFF8000, v9;
	v0 =	vor.u32 v8, v0;
	v8 =	vand.u32 $0x1, v11  }
0x24: {  	v13 =	vand.u32 $0x1, v13;
	v9 =	vor.u32 v9, v20;
	[tilespmem:s0+$0x50] =	vst v2;
	v2 =	vand.u32 $0xFFFF8000, v4  }
0x25: {  	v4 =	vshll.u32 v3, $0x1;
	v1 =	vor.u32 v1, v10;
	v3 =	vshrl.u32 v3, $0xE  }
0x26: {  	[tilespmem:s0+$0x90] =	vst v0;
	v10 =	vshll.u32 v22, $0x1;
	v0 =	vor.u32 v13, v9;
	v2 =	vor.u32 v2, v7  }
0x27: {  	v4 =	vand.u32 $0x7FFE, v4;
	v1 =	vor.u32 v8, v1;
	v3 =	vand.u32 $0x1, v3  }
0x28: {  	s1 =	simm.s32 $0xC8;
	v21 =	vld [tilespmem:s0+$0x10];
	[tilespmem:s0+$0x40] =	vst v0;
	v0 =	vand.u32 $0x1, v17;
	v4 =	vor.u32 v19, v4;
	v53 =	vand.u32 $0xFFFF8000, v14  }
0x29: {  	v7 =	vshll.u32 v14, $0x1;
	v0 =	vor.u32 v0, v2;
	v2 =	vld [tilespmem:s1+$0x90];
	[tilespmem:s0+$0xA0] =	vst v1;
	v3 =	vor.u32 v3, v4  }
0x2a: {  	v4 =	vand.u32 $0x7FFE, v6;
	[tilespmem:s0+$0x80] =	vst v0;
	v0 =	vshrl.u32 v14, $0xE;
	v1 =	vand.u32 $0x7FFE, v7  }
0x2b: {  	v6 =	vand.u32 $0xFFFF8000, v22;
	v0 =	vand.u32 $0x1, v0;
	v1 =	vor.u32 v53, v1  }
0x2c: {  	v4 =	vor.u32 v18, v4;
	v7 =	vld [tilespmem:s1+$0xA0];
	[tilespmem:s0+$0x70] =	vst v3;
	v3 =	vand.u32 $0x1, v16;
	v0 =	vor.u32 v0, v1  }
0x2d: {  	v1 =	vshll.u32 v21, $0x1;
	v3 =	vor.u32 v3, v4;
	v4 =	vand.u32 $0xFFFF8000, v5  }
0x2e: {  	v9 =	vld [tilespmem:s1+$0x70];
	[tilespmem:s0+$0x0] =	vst v0;
	v0 =	vshrl.u32 v5, $0xE;
	v5 =	vand.u32 $0x7FFE, v15;
	v1 =	vand.u32 $0x7FFE, v1  }
0x2f: {  	v8 =	vld [tilespmem:s1+$0x50];
	v4 =	vor.u32 v4, v5;
	v0 =	vand.u32 $0x1, v0;
	[tilespmem:s0+$0x60] =	vst v3;
	v3 =	vshrl.u32 v22, $0xE  }
0x30: {  	v5 =	vand.u32 $0x7FFE, v10;
	v0 =	vor.u32 v0, v4;
	v4 =	vshrl.u32 v21, $0xE  }
0x31: {  	v3 =	vand.u32 $0x1, v3;
	v5 =	vor.u32 v6, v5;
	v6 =	vand.u32 $0xFFFF8000, v21  }
0x32: {  	v3 =	vor.u32 v3, v5;
	v4 =	vand.u32 $0x1, v4;
	v1 =	vor.u32 v6, v1  }
0x33: {  	v10 =	vld [tilespmem:s1+$0x80];
	[tilespmem:s0+$0x20] =	vst v0;
	v5 =	vand.u32 $0xFFFF8000, v2;
	v13 =	vshrl.u32 v7, $0xE;
	v6 =	vshll.u32 v7, $0x1  }
0x34: {  	v24 =	vand.u32 $0xFFFF8000, v7;
	v0 =	vld [tilespmem:s1+$0x20];
	[tilespmem:s0+$0x30] =	vst v3;
	v1 =	vor.u32 v4, v1;
	v3 =	vshll.u32 v2, $0x1  }
0x35: {  	v4 =	vshrl.u32 v2, $0xE;
	v59 =	vand.u32 $0xFFFF8000, v9;
	v23 =	vand.u32 $0x7FFE, v6  }
0x36: {  	v25 =	vshll.u32 v9, $0x1;
	v7 =	vand.u32 $0x1, v13;
	v9 =	vshrl.u32 v9, $0xE  }
0x37: {  	v3 =	vand.u32 $0x7FFE, v3;
	v12 =	vand.u32 $0x1, v4;
	v13 =	vand.u32 $0x7FFE, v25  }
0x38: {  	v11 =	vld [tilespmem:s1+$0x60];
	[tilespmem:s0+$0x10] =	vst v1;
	v63 =	vand.u32 $0x1, v9;
	v1 =	vshll.u32 v8, $0x1;
	v15 =	vand.u32 $0xFFFF8000, v8  }
0x39: {  	v8 =	vshrl.u32 v8, $0xE;
	v3 =	vor.u32 v5, v3;
	v21 =	vor.u32 v59, v13  }
0x3a: {  	v4 =	vld [tilespmem:s1+$0x40];
	v13 =	vor.u32 v24, v23;
	v2 =	vand.u32 $0x7FFE, v1;
	v14 =	vshll.u32 v10, $0x1  }
0x3b: {  	v57 =	vld [tilespmem:s1+$0x0];
	v56 =	vshrl.u32 v10, $0xE;
	v8 =	vand.u32 $0x1, v8;
	v12 =	vor.u32 v12, v3  }
0x3c: {  	v10 =	vand.u32 $0xFFFF8000, v10;
	v15 =	vor.u32 v15, v2;
	v14 =	vand.u32 $0x7FFE, v14  }
0x3d: {  	[tilespmem:s1+$0x90] =	vst v12;
	v12 =	vor.u32 v63, v21;
	v1 =	vshll.u32 v0, $0x1;
	v15 =	vor.u32 v8, v15  }
0x3e: {  	v54 =	vld [tilespmem:s1+$0x10];
	v14 =	vor.u32 v10, v14;
	v55 =	vshrl.u32 v11, $0xE;
	v58 =	vand.u32 $0xFFFF8000, v11  }
0x3f: {  	v11 =	vshll.u32 v11, $0x1;
	[tilespmem:s1+$0x50] =	vst v15;
	v15 =	vand.u32 $0x1, v56;
	v60 =	vshll.u32 v4, $0x1  }
0x40: {  	v2 =	vld [tilespmem:s1+$0x30];
	v6 =	vshrl.u32 v4, $0xE;
	v4 =	vand.u32 $0xFFFF8000, v4;
	v5 =	vand.u32 $0xFFFF8000, v57  }
0x41: {  	v10 =	vshll.u32 v57, $0x1;
	v19 =	vshrl.u32 v57, $0xE;
	v62 =	vand.u32 $0x7FFE, v11  }
0x42: {  	v17 =	vand.u32 $0x1, v55;
	v14 =	vor.u32 v15, v14;
	v8 =	vand.u32 $0x7FFE, v60  }
0x43: {  	v61 =	vand.u32 $0x1, v6;
	v6 =	vshll.u32 v54, $0x1;
	v10 =	vand.u32 $0x7FFE, v10  }
0x44: {  	v11 =	vand.u32 $0x1, v19;
	v9 =	vor.u32 v58, v62;
	v8 =	vor.u32 v4, v8  }
0x45: {  	v4 =	vshrl.u32 v54, $0xE;
	v3 =	vand.u32 $0xFFFF8000, v2;
	v22 =	vor.u32 v61, v8  }
0x46: {  	s9 =	simm.s32 $0x640;
	v9 =	vor.u32 v17, v9;
	v4 =	vand.u32 $0x1, v4;
	v8 =	vand.u32 $0xFFFF8000, v54;
	[tilespmem:s1+$0x40] =	vst v22  }
.LBB2_2:
0x47: {  	s11 =	sshra.s32 s9, $0x2;
	p0 =	sne.s32 s9, $0x18CE0;
	s9 =	sadd.s32 $0x320, s9;
	v6 =	vand.u32 $0x7FFE, v6;
	v15 =	vshll.u32 v2, $0x1;
	v7 =	vor.u32 v7, v13;
	v13 =	vld [tilespmem:s0+$0xB0]  }
0x48: {  	v5 =	vor.u32 v5, v10;
	v16 =	vld [tilespmem:s11+$0x90];
	v6 =	vor.u32 v8, v6;
	v8 =	vshrl.u32 v0, $0xE;
	[tilespmem:s1+$0x80] =	vst v14  }
0x49: {  	v2 =	vshrl.u32 v2, $0xE;
	v0 =	vand.u32 $0xFFFF8000, v0;
	v4 =	vor.u32 v4, v6;
	[tilespmem:s1+$0xA0] =	vst v7  }
0x4a: {  	v1 =	vand.u32 $0x7FFE, v1;
	v5 =	vor.u32 v11, v5;
	v2 =	vand.u32 $0x1, v2;
	v7 =	vld [tilespmem:s11+$0xA0];
	[tilespmem:s1+$0x70] =	vst v12  }
0x4b: {  	v0 =	vor.u32 v0, v1;
	v1 =	vand.u32 $0x1, v8;
	v11 =	vld [tilespmem:s11+$0x70];
	[tilespmem:s1+$0x0] =	vst v5;
	v5 =	vand.u32 $0x7FFE, v15  }
0x4c: {  	v0 =	vor.u32 v1, v0;
	v6 =	vld [tilespmem:s11+$0x50];
	v1 =	vor.u32 v3, v5;
	[tilespmem:s1+$0x60] =	vst v9;
	v3 =	vshrl.u32 v13, $0xE  }
0x4d: {  	v8 =	vld [tilespmem:s11+$0x80];
	[tilespmem:s1+$0x20] =	vst v0;
	v1 =	vor.u32 v2, v1;
	v2 =	vshll.u32 v13, $0x1;
	v3 =	vand.u32 $0x1, v3  }
0x4e: {  	v0 =	vld [tilespmem:s11+$0x20];
	[tilespmem:s1+$0x30] =	vst v1;
	v1 =	vand.u32 $0xFFFF8000, v13;
	v2 =	vand.u32 $0x7FFE, v2  }
0x4f: {  	v5 =	vshll.u32 v16, $0x1;
	v10 =	vshrl.u32 v16, $0xE;
	v9 =	vld [tilespmem:s11+$0x60];
	[tilespmem:s1+$0x10] =	vst v4;
	v1 =	vor.u32 v1, v2  }
0x50: {  	v12 =	vand.u32 $0x7FFE, v5;
	v10 =	vand.u32 $0x1, v10;
	v1 =	vor.u32 v3, v1  }
0x51: {  	v13 =	vand.u32 $0xFFFF8000, v16;
	v14 =	vshrl.u32 v7, $0xE;
	v3 =	vld [tilespmem:s11+$0x40];
	v2 =	vshll.u32 v6, $0x1;
	[tilespmem:s0+$0xB0] =	vst v1  }
0x52: {  	v4 =	vshll.u32 v7, $0x1;
	v2 =	vand.u32 $0x7FFE, v2;
	v15 =	vshll.u32 v8, $0x1;
	v16 =	vld [tilespmem:s0+$0xB8]  }
0x53: {  	v5 =	vand.u32 $0xFFFF8000, v6;
	v6 =	vshrl.u32 v6, $0xE;
	v1 =	vshll.u32 v0, $0x1  }
0x54: {  	v19 =	vshrl.u32 v8, $0xE;
	v2 =	vor.u32 v5, v2;
	v17 =	vld [tilespmem:s11+$0x10];
	v18 =	vshrl.u32 v9, $0xE  }
0x55: {  	v22 =	vand.u32 $0xFFFF8000, v11;
	v5 =	vand.u32 $0x1, v6;
	v21 =	vand.u32 $0xFFFF8000, v9;
	v20 =	vld [tilespmem:s11+$0x0]  }
0x56: {  	v23 =	vand.u32 $0x7FFE, v4;
	v5 =	vor.u32 v5, v2;
	v6 =	vshll.u32 v3, $0x1  }
0x57: {  	v2 =	vld [tilespmem:s11+$0x30];
	v4 =	vand.u32 $0x7FFE, v6;
	v6 =	vshrl.u32 v3, $0xE;
	[tilespmem:s11+$0x50] =	vst v5;
	v24 =	vshll.u32 v16, $0x1  }
0x58: {  	v3 =	vand.u32 $0xFFFF8000, v3;
	v26 =	vshrl.u32 v16, $0xE;
	v25 =	vand.u32 $0x1, v6  }
0x59: {  	v28 =	vor.u32 v3, v4;
	v6 =	vshll.u32 v17, $0x1;
	v27 =	vshrl.u32 v17, $0xE  }
0x5a: {  	v5 =	vand.u32 $0xFFFF8000, v20;
	v4 =	vand.u32 $0x1, v27;
	v27 =	vand.u32 $0xFFFF8000, v16  }
0x5b: {  	v12 =	vor.u32 v13, v12;
	v13 =	vand.u32 $0xFFFF8000, v7;
	v26 =	vand.u32 $0x1, v26  }
0x5c: {  	v7 =	vor.u32 v10, v12;
	v29 =	vand.u32 $0xFFFF8000, v8;
	v3 =	vand.u32 $0xFFFF8000, v2  }
0x5d: {  	v12 =	vshll.u32 v11, $0x1;
	v10 =	vand.u32 $0x7FFE, v15;
	[tilespmem:s11+$0x90] =	vst v7;
	v7 =	vand.u32 $0x1, v14  }
0x5e: {  	v15 =	vshrl.u32 v20, $0xE;
	v14 =	vshll.u32 v20, $0x1;
	v20 =	vand.u32 $0x7FFE, v24  }
0x5f: {  	v8 =	vand.u32 $0xFFFF8000, v17;
	v17 =	vor.u32 v25, v28;
	v24 =	vor.u32 v29, v10  }
0x60: {  	v12 =	vand.u32 $0x7FFE, v12;
	v10 =	vand.u32 $0x7FFE, v14;
	v14 =	vor.u32 v27, v20;
	[tilespmem:s11+$0x40] =	vst v17  }
.Ltmp0:
0x61: {  	v11 =	vshrl.u32 v11, $0xE;
	v9 =	vshll.u32 v9, $0x1;
	v14 =	vor.u32 v26, v14;
	(pc) =	sbr.rel @p0 .LBB2_2-.Ltmp0, $4  }
0x62: {  	v12 =	vor.u32 v22, v12;
	v9 =	vand.u32 $0x7FFE, v9;
	v17 =	vand.u32 $0x1, v19  }
0x63: {  	v13 =	vor.u32 v13, v23;
	v18 =	vand.u32 $0x1, v18;
	v19 =	vand.u32 $0x1, v11  }
0x64: {  	v9 =	vor.u32 v21, v9;
	v11 =	vand.u32 $0x1, v15;
	v15 =	vsel vm0, v16, v14  }
0x65: {  	v9 =	vor.u32 v18, v9;
	v12 =	vor.u32 v19, v12;
	v14 =	vor.u32 v17, v24;
	[tilespmem:s0+$0xB8] =	vst v15;
	s0 =	smov.u32 s1;
	s1 =	smov.u32 s11  }
0x66: {  	v6 =	vand.u32 $0x7FFE, v6;
	v15 =	vshll.u32 v2, $0x1;
	v7 =	vor.u32 v7, v13;
	v43 =	vld [tilespmem:s0+$0xB0]  }
0x67: {  	v5 =	vor.u32 v5, v10;
	v44 =	vshrl.u32 v0, $0xE;
	[tilespmem:s1+$0x80] =	vst v14;
	v45 =	vand.u32 $0xFFFF8000, v0  }
0x68: {  	v46 =	vshrl.u32 v2, $0xE;
	v1 =	vand.u32 $0x7FFE, v1;
	[tilespmem:s1+$0x70] =	vst v12;
	v6 =	vor.u32 v8, v6  }
0x69: {  	[tilespmem:s1+$0x60] =	vst v9;
	v5 =	vor.u32 v11, v5;
	v0 =	vor.u32 v45, v1;
	v47 =	vand.u32 $0x1, v44  }
0x6a: {  	[tilespmem:s1+$0xA0] =	vst v7;
	v2 =	vand.u32 $0x1, v46;
	v48 =	vand.u32 $0x7FFE, v15;
	v0 =	vor.u32 v47, v0  }
0x6b: {  	[tilespmem:s1+$0x0] =	vst v5;
	v49 =	vor.u32 v3, v48;
	v4 =	vor.u32 v4, v6;
	v51 =	vshll.u32 v43, $0x1  }
0x6c: {  	[tilespmem:s1+$0x20] =	vst v0;
	v50 =	vshrl.u32 v43, $0xE;
	v53 =	vand.u32 $0xFFFF8000, v43;
	v54 =	vand.u32 $0x7FFE, v51  }
0x6d: {  	v52 =	vor.u32 v2, v49;
	[tilespmem:s1+$0x10] =	vst v4;
	v3 =	vand.u32 $0x1, v50;
	v55 =	vor.u32 v53, v54  }
0x6e: {  	[tilespmem:s1+$0x30] =	vst v52;
	v0 =	vor.u32 v3, v55  }
0x6f: {  	[tilespmem:s0+$0xB0] =	vst v0  }
0x70: {  	v0 =	vld [tilespmem:s0+$0xB8];
	_ =	sdelay $0x4  }
0x71: {  	v56 =	vshll.u32 v0, $0x1  }
0x72: {  	v57 =	vshrl.u32 v0, $0xE;
	v58 =	vand.u32 $0xFFFF8000, v0;
	v1 =	vand.u32 $0x7FFE, v56  }
0x73: {  	v2 =	vand.u32 $0x1, v57;
	v1 =	vor.u32 v58, v1  }
0x74: {  	v1 =	vor.u32 v2, v1  }
0x75: {  	v0 =	vsel vm0, v0, v1  }
0x76: {  	[tilespmem:s0+$0xB8] =	vst v0  }
0x77: {  	v0 =	vld [tilespmem:s1+$0xB0];
	_ =	sdelay $0x4  }
0x78: {  	v59 =	vshll.u32 v0, $0x1  }
0x79: {  	v60 =	vshrl.u32 v0, $0xE;
	v0 =	vand.u32 $0xFFFF8000, v0;
	v1 =	vand.u32 $0x7FFE, v59  }
0x7a: {  	v2 =	vand.u32 $0x1, v60;
	v0 =	vor.u32 v0, v1  }
0x7b: {  	v0 =	vor.u32 v2, v0  }
0x7c: {  	[tilespmem:s1+$0xB0] =	vst v0  }
0x7d: {  	v0 =	vld [tilespmem:s1+$0xB8];
	_ =	sdelay $0x4  }
0x7e: {  	v61 =	vshll.u32 v0, $0x1  }
0x7f: {  	v62 =	vshrl.u32 v0, $0xE;
	v63 =	vand.u32 $0xFFFF8000, v0;
	v1 =	vand.u32 $0x7FFE, v61  }
0x80: {  	v2 =	vand.u32 $0x1, v62;
	v1 =	vor.u32 v63, v1  }
0x81: {  	v1 =	vor.u32 v2, v1  }
0x82: {  	v0 =	vsel vm0, v0, v1  }
0x83: {  	s29 =	simm.s32 $0x0;
	s12 =	simm.s32 $0x6400;
	[tilespmem:s1+$0xB8] =	vst v0  }
0x84: {  	[tilespmem:s12], [sflag:$0x1] =	stream.indirect.gather [hbm4b:s3+s8], $0x40, s29, s8, $0xb8;
	[tilespmem:$0x14C00] =	vst v63  }
0x85: {  	s13 =	simm.s32 $0x7E00  }
0x86: {  	[tilespmem:s13], [sflag:$0x1] =	stream.indirect.gather [hbm4b:s3+s10], $0x40, s8, s10, $0xb8;
	[tilespmem:$0x14C00] =	vst v63  }
0x87: {  	s14 =	simm.s32 $0xC8;
	s30 =	simm.s32 $0x9600  }
0x88: {  	[tilespmem:s30], [sflag:$0x2] =	stream.indirect.gather [hbm4b:s3+s8], $0x40, s14, s8, $0xb8;
	[tilespmem:$0x14C00] =	vst v63  }
0x89: {  	s31 =	simm.s32 $0x130  }
0x8a: {  	[tilespmem:s15], [sflag:$0x2] =	stream.indirect.gather [hbm4b:s3+s10], $0x40, s31, s10, $0xb8;
	[tilespmem:$0x14C00] =	vst v63  }
0x8b: {  	_ = 	snop  }
0x8c: {  	[tilespmem:s17], [sflag:$0x3] =	stream.indirect.gather [hbm4b:s3+s8], $0x40, s16, s8, $0xb8;
	[tilespmem:$0x14C00] =	vst v63  }
0x8d: {  	_ = 	snop  }
0x8e: {  	[tilespmem:s19], [sflag:$0x3] =	stream.indirect.gather [hbm4b:s3+s10], $0x40, s18, s10, $0xb8;
	[tilespmem:$0x14C00] =	vst v63  }
.LBB2_4:
0x8f: {  	_ =	swait.ge [sflag:s20], $0x1A00  }
0x90: {  	[sflag:s20] =	ssyncset.done $0x0  }
0x91: {  	s30 =	sshllo.u32 s29, $0x2;
	[sflag:s20] =	ssyncadd.s32 $0xFFFFE600  }
0x92: {  	s0 =	smul.u32 $0x320, s30;
	_ =	swait.ge [sflag:s20], $0x1800  }
0x93: {  	[sflag:s20] =	ssyncset.done $0x0  }
0x94: {  	s1 =	smul.u32 $0xC80, s29;
	s31 =	sshra.s32 s0, $0x2;
	[sflag:s20] =	ssyncadd.s32 $0xFFFFE800  }
0x95: {  	[tilespmem:s21], [sflag:$0x4] =	stream.indirect.gather [hbm4b:s3+s8], $0x40, s31, s8, $0xb8;
	[tilespmem:$0x14C00] =	vst v63  }
0x96: {  	s1 =	sshra.s32 s1, $0x2;
	s0 =	sadd.s32 $0x68, s31  }
0x97: {  	[tilespmem:s22], [sflag:$0x4] =	stream.indirect.gather [hbm4b:s3+s10], $0x40, s0, s10, $0xb8;
	[tilespmem:$0x14C00] =	vst v63  }
0x98: {  	v7 =	vld [tilespmem:s1+$0x0]  }
0x99: {  	v8 =	vld [tilespmem:s1+$0x10]  }
0x9a: {  	v9 =	vld [tilespmem:s1+$0x20]  }
0x9b: {  	v10 =	vld [tilespmem:s1+$0x30]  }
0x9c: {  	v11 =	vld [tilespmem:s1+$0x40]  }
0x9d: {  	v12 =	vld [tilespmem:s1+$0x50]  }
0x9e: {  	v13 =	vld [tilespmem:s1+$0x60]  }
0x9f: {  	v14 =	vld [tilespmem:s1+$0x70]  }
0xa0: {  	v15 =	vld [tilespmem:s1+$0x80]  }
0xa1: {  	v16 =	vld [tilespmem:s1+$0x90]  }
0xa2: {  	v17 =	vld [tilespmem:s1+$0xA0]  }
0xa3: {  	v19 =	vld [tilespmem:s1+$0xB0]  }
0xa4: {  	s9 =	simm.s32 $0x0;
	v24 =	vld [tilespmem:s1+$0xB8]  }
0xa5: {  	v3 =	vld [tilespmem:s9+$0x6580]  }
0xa6: {  	v6 =	vld [tilespmem:s9+$0x6590]  }
0xa7: {  	v4 =	vld [tilespmem:s9+$0x65A0]  }
0xa8: {  	v5 =	vld [tilespmem:s9+$0x65B0]  }
0xa9: {  	v0 =	vld [tilespmem:s9+$0x65C0]  }
0xaa: {  	v1 =	vld [tilespmem:s9+$0x65D0]  }
0xab: {  	v28 =	vld [tilespmem:s9+$0x6400]  }
0xac: {  	v30 =	vld [tilespmem:s9+$0x6410]  }
0xad: {  	v31 =	vld [tilespmem:s9+$0x6420]  }
0xae: {  	v32 =	vld [tilespmem:s9+$0x6430]  }
0xaf: {  	v22 =	vld [tilespmem:s9+$0x6500]  }
0xb0: {  	v23 =	vimm.f32 $0.0e+00;
	v25 =	vld [tilespmem:s9+$0x6510]  }
0xb1: {  	v20 =	vld [tilespmem:s9+$0x6520];
	vm2 =	vne.s32 v7, $0x0;
	v28 =	vadd.f32 v28, v23  }
0xb2: {  	v21 =	vld [tilespmem:s9+$0x6530];
	vm3 =	vne.s32 v10, $0x0;
	v35 =	vadd.f32 v30, v23;
	v36 =	vadd.f32 v31, v23  }
0xb3: {  	v26 =	vld [tilespmem:s9+$0x6480];
	v38 =	vadd.f32 v32, v23;
	v7 =	vmpcnt.ones.xlane vm2;
	vm2 =	vne.s32 v8, $0x0  }
0xb4: {  	v27 =	vld [tilespmem:s9+$0x6490];
	v10 =	vmpcnt.ones.xlane vm3;
	v8 =	vmpcnt.ones.xlane vm2;
	vm2 =	vne.s32 v9, $0x0  }
0xb5: {  	v33 =	vld [tilespmem:s9+$0x64A0];
	vm3 =	vne.s32 v13, $0x0;
	v9 =	vmpcnt.ones.xlane vm2;
	vm2 =	vne.s32 v11, $0x0  }
0xb6: {  	v37 =	vld [tilespmem:s9+$0x64B0];
	v13 =	vmpcnt.ones.xlane vm3;
	v11 =	vmpcnt.ones.xlane vm2;
	vm2 =	vne.s32 v12, $0x0  }
0xb7: {  	v2 =	vld [tilespmem:s9+$0x6540];
	vm3 =	vne.s32 v16, $0x0;
	v12 =	vmpcnt.ones.xlane vm2;
	vm2 =	vne.s32 v14, $0x0  }
0xb8: {  	v29 =	vld [tilespmem:s9+$0x64C0];
	v34 =	vadd.f32 v26, v28;
	v14 =	vmpcnt.ones.xlane vm2;
	vm2 =	vne.s32 v15, $0x0  }
0xb9: {  	v30 =	vld [tilespmem:s9+$0x64D0];
	v35 =	vadd.f32 v27, v35;
	v15 =	vmpcnt.ones.xlane vm2;
	vm2 =	vne.s32 v17, $0x0  }
0xba: {  	v31 =	vld [tilespmem:s9+$0x6440];
	v36 =	vadd.f32 v33, v36;
	v18 =	vmpcnt.ones.xlane vm2;
	vm2 =	vne.s32 v19, $0x0  }
0xbb: {  	v32 =	vld [tilespmem:s9+$0x6450];
	v37 =	vadd.f32 v37, v38;
	v19 =	vmpcnt.ones.xlane vm2;
	vm2 =	vne.s32 v24, $0x0  }
0xbc: {  	v33 =	vld [tilespmem:s9+$0x6460];
	v28 =	vimm.f32 $0.0e+00;
	v27 =	vimm.f32 $0.0e+00;
	vm2 =	vmand vm2, vm1  }
0xbd: {  	s11 =	simm.s32 $0x800;
	s0 =	sshll.u32 s29, $0x2;
	v26 =	vimm.f32 $0.0e+00;
	v16 =	vmpcnt.ones.xlane vm3;
	v17 =	vld [tilespmem:s9+$0x6550];
	v24 =	vmpcnt.ones.xlane vm2  }
.LBB2_5:
0xbe: {  	p0 =	sne.s32 s11, $0xC000;
	v38 =	vld [tilespmem:s9+$0x6470];
	v22 =	vadd.f32 v22, v34;
	v25 =	vadd.f32 v25, v35  }
0xbf: {  	v34 =	vld [tilespmem:s9+$0x64E0];
	v20 =	vadd.f32 v20, v36;
	v21 =	vadd.f32 v21, v37  }
0xc0: {  	v35 =	vld [tilespmem:s9+$0x64F0];
	v36 =	vadd.f32 v3, v22;
	v37 =	vadd.f32 v6, v25  }
0xc1: {  	v22 =	vld [tilespmem:s9+$0x6560];
	v39 =	vadd.f32 v4, v20;
	v40 =	vadd.f32 v5, v21  }
0xc2: {  	v3 =	vadd.f32 v31, v23;
	v4 =	vadd.f32 v32, v28;
	v5 =	vld [tilespmem:s9+$0x6570]  }
0xc3: {  	v6 =	vadd.f32 v33, v27;
	v20 =	vadd.f32 v38, v26;
	v21 =	vld [tilespmem:s9+$0x65E0]  }
0xc4: {  	v23 =	vadd.f32 v29, v3;
	v4 =	vadd.f32 v30, v4;
	v25 =	vld [tilespmem:s9+$0x65F0];
	s9 =	sshra.s32 s11, $0x2  }
0xc5: {  	v26 =	vadd.f32 v34, v6;
	v3 =	vld [tilespmem:s9+$0x6580];
	v20 =	vadd.f32 v35, v20  }
0xc6: {  	v2 =	vadd.f32 v2, v23;
	v17 =	vadd.f32 v17, v4;
	v6 =	vld [tilespmem:s9+$0x6590]  }
0xc7: {  	v22 =	vadd.f32 v22, v26;
	v4 =	vld [tilespmem:s9+$0x65A0];
	v20 =	vadd.f32 v5, v20  }
0xc8: {  	v23 =	vadd.f32 v0, v2;
	v28 =	vadd.f32 v1, v17;
	v5 =	vld [tilespmem:s9+$0x65B0]  }
0xc9: {  	v27 =	vadd.f32 v21, v22;
	v0 =	vld [tilespmem:s9+$0x65C0];
	v26 =	vadd.f32 v25, v20  }
0xca: {  	v1 =	vld [tilespmem:s9+$0x65D0]  }
0xcb: {  	v22 =	vld [tilespmem:s9+$0x6500]  }
0xcc: {  	v25 =	vld [tilespmem:s9+$0x6510]  }
0xcd: {  	v20 =	vld [tilespmem:s9+$0x6520]  }
0xce: {  	v21 =	vld [tilespmem:s9+$0x6530]  }
0xcf: {  	v2 =	vld [tilespmem:s9+$0x6540]  }
0xd0: {  	v17 =	vld [tilespmem:s9+$0x6550]  }
0xd1: {  	v33 =	vld [tilespmem:s9+$0x6480]  }
0xd2: {  	v35 =	vld [tilespmem:s9+$0x6490]  }
0xd3: {  	v30 =	vld [tilespmem:s9+$0x6400]  }
0xd4: {  	v31 =	vld [tilespmem:s9+$0x6410]  }
0xd5: {  	v32 =	vld [tilespmem:s9+$0x6420]  }
0xd6: {  	v34 =	vld [tilespmem:s9+$0x6430]  }
0xd7: {  	v38 =	vld [tilespmem:s9+$0x64A0]  }
0xd8: {  	v41 =	vld [tilespmem:s9+$0x64B0]  }
.Ltmp1:
0xd9: {  	v29 =	vld [tilespmem:s9+$0x64C0];
	(pc) =	sbr.rel @p0 .LBB2_5-.Ltmp1, $4  }
0xda: {  	v36 =	vadd.f32 v30, v36;
	v37 =	vadd.f32 v31, v37;
	v30 =	vld [tilespmem:s9+$0x64D0]  }
0xdb: {  	v39 =	vadd.f32 v32, v39;
	v40 =	vadd.f32 v34, v40;
	v31 =	vld [tilespmem:s9+$0x6440]  }
0xdc: {  	v34 =	vadd.f32 v33, v36;
	v35 =	vadd.f32 v35, v37;
	v32 =	vld [tilespmem:s9+$0x6450]  }
0xdd: {  	s11 =	sadd.s32 $0x800, s11;
	v36 =	vadd.f32 v38, v39;
	v33 =	vld [tilespmem:s9+$0x6460];
	v37 =	vadd.f32 v41, v40  }
0xde: {  	v7 =	vadd.s32 v7, v8  }
0xdf: {  	v7 =	vadd.s32 v9, v7  }
0xe0: {  	v7 =	vadd.s32 v10, v7  }
0xe1: {  	v7 =	vadd.s32 v11, v7  }
0xe2: {  	v7 =	vadd.s32 v12, v7  }
0xe3: {  	v7 =	vadd.s32 v13, v7  }
0xe4: {  	v7 =	vadd.s32 v14, v7  }
0xe5: {  	v7 =	vadd.s32 v15, v7  }
0xe6: {  	v7 =	vadd.s32 v16, v7  }
0xe7: {  	v7 =	vadd.s32 v18, v7  }
0xe8: {  	v7 =	vadd.s32 v19, v7  }
0xe9: {  	v8 =	vadd.f32 v22, v34;
	v7 =	vadd.s32 v24, v7  }
0xea: {  	v9 =	vadd.f32 v25, v35;
	v7 =	vcvt.s32.f32 v7  }
0xeb: {  	v10 =	vld [tilespmem:s9+$0x6470];
	v3 =	vadd.f32 v3, v8;
	v11 =	vadd.f32 v20, v36  }
0xec: {  	v6 =	vadd.f32 v6, v9;
	v9 =	vadd.f32 v31, v23;
	v13 =	vld [tilespmem:s9+$0x64E0];
	v7 =	vmax.f32 v7, $9.999999970e-07  }
0xed: {  	v8 =	vld [tilespmem:s9+$0x64F0];
	v12 =	vadd.f32 v21, v37;
	v4 =	vadd.f32 v4, v11;
	(erf) = vrcp.f32 v7  }
0xee: {  	v11 =	vadd.f32 v32, v28;
	v9 =	vadd.f32 v29, v9;
	v7 =	vld [tilespmem:s9+$0x6560]  }
0xef: {  	v5 =	vadd.f32 v5, v12;
	v12 =	vld [tilespmem:s9+$0x6570];
	v14 =	vadd.f32 v33, v27  }
0xf0: {  	v10 =	vadd.f32 v10, v26;
	v15 =	vld [tilespmem:s9+$0x65E0];
	v11 =	vadd.f32 v30, v11  }
0xf1: {  	v2 =	vadd.f32 v2, v9;
	v16 =	vld [tilespmem:s9+$0x65F0];
	v13 =	vadd.f32 v13, v14  }
0xf2: {  	v8 =	vadd.f32 v8, v10;
	v9 =	vadd.f32 v17, v11  }
0xf3: {  	v0 =	vadd.f32 v0, v2;
	v7 =	vadd.f32 v7, v13  }
0xf4: {  	v2 =	vadd.f32 v12, v8;
	v1 =	vadd.f32 v1, v9  }
0xf5: {  	v0 =	vadd.f32 v0, v3;
	v7 =	vadd.f32 v15, v7  }
0xf6: {  	v2 =	vadd.f32 v16, v2;
	v1 =	vadd.f32 v1, v6;
	v3 =	vpop (erf)  }
0xf7: {  	s13 =	sshll.u32 s29, $0x8;
	v4 =	vadd.f32 v7, v4;
	v0 =	vmul.f32 v0, v3  }
0xf8: {  	s9 =	sand.u32 $0x3FFFFF00, s13;
	v2 =	vadd.f32 v2, v5;
	v1 =	vmul.f32 v1, v3  }
0xf9: {  	[tilespmem:s9+$0x12C00] =	vst v0;
	v0 =	vmul.f32 v4, v3  }
0xfa: {  	[tilespmem:s9+$0x12C10] =	vst v1;
	v1 =	vmul.f32 v2, v3  }
0xfb: {  	[tilespmem:s9+$0x12C20] =	vst v0  }
0xfc: {  	[tilespmem:s9+$0x12C30] =	vst v1  }
0xfd: {  	_ =	swait.ge [sflag:s23], $0x1A00  }
0xfe: {  	[sflag:s23] =	ssyncset.done $0x0  }
0xff: {  	[sflag:s23] =	ssyncadd.s32 $0xFFFFE600  }
0x100: {  	p0 =	seq.s32 s29, $0x1F;
	_ =	swait.ge [sflag:s23], $0x1800  }
0x101: {  	s11 =	simm.s32 @!p0 $0x68;
	[sflag:s23] =	ssyncset.done $0x0  }
0x102: {  	s12 =	simm.s32 @!p0 $0x6400;
	s9 =	sadd.s32 @!p0 $0x320, s1;
	[sflag:s23] =	ssyncadd.s32 $0xFFFFE800  }
0x103: {  	[tilespmem:s12], [sflag:$0x1] =	stream.indirect.gather @!p0 [hbm4b:s3+s11], $0x40, s9, s11, $0xb8;
	[tilespmem:$0x14C00] =	vst v63  }
0x104: {  	s13 =	simm.s32 @!p0 $0x7E00;
	s11 =	sadd.s32 @!p0 $0x388, s1;
	s12 =	simm.s32 @!p0 $0x60  }
0x105: {  	[tilespmem:s13], [sflag:$0x1] =	stream.indirect.gather @!p0 [hbm4b:s3+s12], $0x40, s11, s12, $0xb8;
	[tilespmem:$0x14C00] =	vst v63  }
0x106: {  	s11 =	simm.s32 $0x0  }
0x107: {  	v3 =	vld [tilespmem:s11+$0x9780]  }
0x108: {  	v6 =	vld [tilespmem:s11+$0x9790]  }
0x109: {  	v4 =	vld [tilespmem:s11+$0x97A0]  }
0x10a: {  	v5 =	vld [tilespmem:s11+$0x97B0]  }
0x10b: {  	v0 =	vld [tilespmem:s11+$0x97C0]  }
0x10c: {  	v1 =	vld [tilespmem:s11+$0x97D0]  }
0x10d: {  	v22 =	vld [tilespmem:s11+$0x9700]  }
0x10e: {  	v25 =	vld [tilespmem:s11+$0x9710]  }
0x10f: {  	v20 =	vld [tilespmem:s11+$0x9720]  }
0x110: {  	v21 =	vld [tilespmem:s11+$0x9730]  }
0x111: {  	v2 =	vld [tilespmem:s11+$0x9740]  }
0x112: {  	v26 =	vld [tilespmem:s11+$0x9680]  }
0x113: {  	v27 =	vld [tilespmem:s11+$0x9690]  }
0x114: {  	v28 =	vld [tilespmem:s11+$0x9600]  }
0x115: {  	v30 =	vld [tilespmem:s11+$0x9610]  }
0x116: {  	s9 =	sor.u32 $0x1, s0;
	v31 =	vld [tilespmem:s11+$0x9620]  }
0x117: {  	s14 =	smul.u32 $0x320, s9;
	v59 =	vld [tilespmem:s11+$0x9630]  }
0x118: {  	v60 =	vld [tilespmem:s11+$0x96A0]  }
0x119: {  	s14 =	sshra.s32 s14, $0x2;
	v61 =	vld [tilespmem:s11+$0x96B0]  }
0x11a: {  	v7 =	vld [tilespmem:s14+$0x0]  }
0x11b: {  	v8 =	vld [tilespmem:s14+$0x10]  }
0x11c: {  	v9 =	vld [tilespmem:s14+$0x20]  }
0x11d: {  	v10 =	vld [tilespmem:s14+$0x30]  }
0x11e: {  	v11 =	vld [tilespmem:s14+$0x40]  }
0x11f: {  	v23 =	vimm.f32 $0.0e+00;
	v13 =	vld [tilespmem:s14+$0x60]  }
0x120: {  	v12 =	vld [tilespmem:s14+$0x50];
	v28 =	vadd.f32 v28, v23;
	v62 =	vadd.f32 v30, v23  }
0x121: {  	v14 =	vld [tilespmem:s14+$0x70];
	v63 =	vadd.f32 v31, v23;
	v38 =	vadd.f32 v59, v23;
	vm2 =	vne.s32 v7, $0x0  }
0x122: {  	v15 =	vld [tilespmem:s14+$0x80];
	vm3 =	vne.s32 v10, $0x0;
	v7 =	vmpcnt.ones.xlane vm2;
	vm2 =	vne.s32 v8, $0x0  }
0x123: {  	v17 =	vld [tilespmem:s14+$0xA0];
	v10 =	vmpcnt.ones.xlane vm3;
	v8 =	vmpcnt.ones.xlane vm2;
	vm2 =	vne.s32 v9, $0x0  }
0x124: {  	v19 =	vld [tilespmem:s14+$0xB0];
	vm3 =	vne.s32 v13, $0x0;
	v9 =	vmpcnt.ones.xlane vm2;
	vm2 =	vne.s32 v11, $0x0  }
0x125: {  	v24 =	vld [tilespmem:s14+$0xB8];
	v34 =	vadd.f32 v26, v28;
	v11 =	vmpcnt.ones.xlane vm2;
	vm2 =	vne.s32 v12, $0x0  }
0x126: {  	v16 =	vld [tilespmem:s14+$0x90];
	v35 =	vadd.f32 v27, v62;
	v12 =	vmpcnt.ones.xlane vm2;
	vm2 =	vne.s32 v14, $0x0  }
0x127: {  	v29 =	vld [tilespmem:s11+$0x96C0];
	v36 =	vadd.f32 v60, v63;
	v14 =	vmpcnt.ones.xlane vm2;
	vm2 =	vne.s32 v15, $0x0  }
0x128: {  	v32 =	vld [tilespmem:s11+$0x9650];
	v37 =	vadd.f32 v61, v38;
	v15 =	vmpcnt.ones.xlane vm2;
	vm2 =	vne.s32 v17, $0x0  }
0x129: {  	v33 =	vld [tilespmem:s11+$0x9660];
	v28 =	vimm.f32 $0.0e+00;
	v18 =	vmpcnt.ones.xlane vm2;
	vm2 =	vne.s32 v19, $0x0  }
0x12a: {  	v30 =	vld [tilespmem:s11+$0x96D0];
	v27 =	vimm.f32 $0.0e+00;
	v19 =	vmpcnt.ones.xlane vm2;
	vm2 =	vne.s32 v24, $0x0  }
0x12b: {  	v31 =	vld [tilespmem:s11+$0x9640];
	v13 =	vmpcnt.ones.xlane vm3;
	vm3 =	vne.s32 v16, $0x0;
	vm2 =	vmand vm2, vm1  }
0x12c: {  	s12 =	simm.s32 $0x800;
	v26 =	vimm.f32 $0.0e+00;
	v16 =	vmpcnt.ones.xlane vm3;
	v17 =	vld [tilespmem:s11+$0x9750];
	v24 =	vmpcnt.ones.xlane vm2  }
.LBB2_7:
0x12d: {  	p1 =	sne.s32 s12, $0xC000;
	v38 =	vld [tilespmem:s11+$0x9670];
	v22 =	vadd.f32 v22, v34;
	v25 =	vadd.f32 v25, v35  }
0x12e: {  	v34 =	vld [tilespmem:s11+$0x96E0];
	v20 =	vadd.f32 v20, v36;
	v21 =	vadd.f32 v21, v37  }
0x12f: {  	v35 =	vld [tilespmem:s11+$0x96F0];
	v36 =	vadd.f32 v3, v22;
	v37 =	vadd.f32 v6, v25  }
0x130: {  	v22 =	vld [tilespmem:s11+$0x9760];
	v39 =	vadd.f32 v4, v20;
	v40 =	vadd.f32 v5, v21  }
0x131: {  	v3 =	vadd.f32 v31, v23;
	v4 =	vadd.f32 v32, v28;
	v5 =	vld [tilespmem:s11+$0x9770]  }
0x132: {  	v6 =	vadd.f32 v33, v27;
	v20 =	vadd.f32 v38, v26;
	v21 =	vld [tilespmem:s11+$0x97E0]  }
0x133: {  	v23 =	vadd.f32 v29, v3;
	v4 =	vadd.f32 v30, v4;
	v25 =	vld [tilespmem:s11+$0x97F0];
	s11 =	sshra.s32 s12, $0x2  }
0x134: {  	v26 =	vadd.f32 v34, v6;
	v3 =	vld [tilespmem:s11+$0x9780];
	v20 =	vadd.f32 v35, v20  }
0x135: {  	v2 =	vadd.f32 v2, v23;
	v17 =	vadd.f32 v17, v4;
	v6 =	vld [tilespmem:s11+$0x9790]  }
0x136: {  	v22 =	vadd.f32 v22, v26;
	v4 =	vld [tilespmem:s11+$0x97A0];
	v20 =	vadd.f32 v5, v20  }
0x137: {  	v23 =	vadd.f32 v0, v2;
	v28 =	vadd.f32 v1, v17;
	v5 =	vld [tilespmem:s11+$0x97B0]  }
0x138: {  	v27 =	vadd.f32 v21, v22;
	v0 =	vld [tilespmem:s11+$0x97C0];
	v26 =	vadd.f32 v25, v20  }
0x139: {  	v1 =	vld [tilespmem:s11+$0x97D0]  }
0x13a: {  	v22 =	vld [tilespmem:s11+$0x9700]  }
0x13b: {  	v25 =	vld [tilespmem:s11+$0x9710]  }
0x13c: {  	v20 =	vld [tilespmem:s11+$0x9720]  }
0x13d: {  	v21 =	vld [tilespmem:s11+$0x9730]  }
0x13e: {  	v2 =	vld [tilespmem:s11+$0x9740]  }
0x13f: {  	v17 =	vld [tilespmem:s11+$0x9750]  }
0x140: {  	v33 =	vld [tilespmem:s11+$0x9680]  }
0x141: {  	v35 =	vld [tilespmem:s11+$0x9690]  }
0x142: {  	v30 =	vld [tilespmem:s11+$0x9600]  }
0x143: {  	v31 =	vld [tilespmem:s11+$0x9610]  }
0x144: {  	v32 =	vld [tilespmem:s11+$0x9620]  }
0x145: {  	v34 =	vld [tilespmem:s11+$0x9630]  }
0x146: {  	v38 =	vld [tilespmem:s11+$0x96A0]  }
0x147: {  	v41 =	vld [tilespmem:s11+$0x96B0]  }
.Ltmp2:
0x148: {  	v29 =	vld [tilespmem:s11+$0x96C0];
	(pc) =	sbr.rel @p1 .LBB2_7-.Ltmp2, $4  }
0x149: {  	v36 =	vadd.f32 v30, v36;
	v37 =	vadd.f32 v31, v37;
	v30 =	vld [tilespmem:s11+$0x96D0]  }
0x14a: {  	v39 =	vadd.f32 v32, v39;
	v40 =	vadd.f32 v34, v40;
	v31 =	vld [tilespmem:s11+$0x9640]  }
0x14b: {  	v34 =	vadd.f32 v33, v36;
	v35 =	vadd.f32 v35, v37;
	v32 =	vld [tilespmem:s11+$0x9650]  }
0x14c: {  	s12 =	sadd.s32 $0x800, s12;
	v36 =	vadd.f32 v38, v39;
	v33 =	vld [tilespmem:s11+$0x9660];
	v37 =	vadd.f32 v41, v40  }
0x14d: {  	v7 =	vadd.s32 v7, v8  }
0x14e: {  	v7 =	vadd.s32 v9, v7  }
0x14f: {  	v7 =	vadd.s32 v10, v7  }
0x150: {  	v7 =	vadd.s32 v11, v7  }
0x151: {  	v7 =	vadd.s32 v12, v7  }
0x152: {  	v7 =	vadd.s32 v13, v7  }
0x153: {  	v7 =	vadd.s32 v14, v7  }
0x154: {  	v7 =	vadd.s32 v15, v7  }
0x155: {  	v7 =	vadd.s32 v16, v7  }
0x156: {  	v7 =	vadd.s32 v18, v7  }
0x157: {  	v7 =	vadd.s32 v19, v7  }
0x158: {  	v8 =	vadd.f32 v22, v34;
	v7 =	vadd.s32 v24, v7  }
0x159: {  	v9 =	vadd.f32 v25, v35;
	v7 =	vcvt.s32.f32 v7  }
0x15a: {  	v10 =	vld [tilespmem:s11+$0x9670];
	v3 =	vadd.f32 v3, v8;
	v11 =	vadd.f32 v20, v36  }
0x15b: {  	v6 =	vadd.f32 v6, v9;
	v9 =	vadd.f32 v31, v23;
	v13 =	vld [tilespmem:s11+$0x96E0];
	v7 =	vmax.f32 v7, $9.999999970e-07  }
0x15c: {  	v8 =	vld [tilespmem:s11+$0x96F0];
	v12 =	vadd.f32 v21, v37;
	v4 =	vadd.f32 v4, v11;
	(erf) = vrcp.f32 v7  }
0x15d: {  	v11 =	vadd.f32 v32, v28;
	v9 =	vadd.f32 v29, v9;
	v7 =	vld [tilespmem:s11+$0x9760]  }
0x15e: {  	v5 =	vadd.f32 v5, v12;
	v12 =	vld [tilespmem:s11+$0x9770];
	v14 =	vadd.f32 v33, v27  }
0x15f: {  	v10 =	vadd.f32 v10, v26;
	v15 =	vld [tilespmem:s11+$0x97E0];
	v11 =	vadd.f32 v30, v11  }
0x160: {  	v2 =	vadd.f32 v2, v9;
	v16 =	vld [tilespmem:s11+$0x97F0];
	v13 =	vadd.f32 v13, v14  }
0x161: {  	v8 =	vadd.f32 v8, v10;
	v9 =	vadd.f32 v17, v11  }
0x162: {  	v0 =	vadd.f32 v0, v2;
	v7 =	vadd.f32 v7, v13  }
0x163: {  	v2 =	vadd.f32 v12, v8;
	v1 =	vadd.f32 v1, v9  }
0x164: {  	v0 =	vadd.f32 v0, v3;
	v7 =	vadd.f32 v15, v7  }
0x165: {  	v2 =	vadd.f32 v16, v2;
	v1 =	vadd.f32 v1, v6;
	v3 =	vpop (erf)  }
0x166: {  	s9 =	sshll.u32 s9, $0x6;
	v4 =	vadd.f32 v7, v4;
	v0 =	vmul.f32 v0, v3  }
0x167: {  	s9 =	sand.u32 $0x3FFFFFC0, s9;
	v2 =	vadd.f32 v2, v5;
	v1 =	vmul.f32 v1, v3  }
0x168: {  	[tilespmem:s9+$0x12C00] =	vst v0;
	v0 =	vmul.f32 v4, v3  }
0x169: {  	[tilespmem:s9+$0x12C10] =	vst v1;
	v1 =	vmul.f32 v2, v3  }
0x16a: {  	[tilespmem:s9+$0x12C20] =	vst v0  }
0x16b: {  	[tilespmem:s9+$0x12C30] =	vst v1  }
0x16c: {  	_ =	swait.ge [sflag:s24], $0x1A00  }
0x16d: {  	s0 =	sor.u32 $0x2, s0;
	[sflag:s24] =	ssyncset.done $0x0  }
0x16e: {  	s13 =	smul.u32 $0x320, s0;
	[sflag:s24] =	ssyncadd.s32 $0xFFFFE600  }
0x16f: {  	_ =	swait.ge [sflag:s24], $0x1800  }
0x170: {  	s12 =	simm.s32 @!p0 $0x9600;
	s14 =	sshra.s32 s13, $0x2;
	[sflag:s24] =	ssyncset.done $0x0  }
0x171: {  	s11 =	simm.s32 @!p0 $0x68;
	s9 =	sadd.s32 @!p0 $0x3E8, s1;
	[sflag:s24] =	ssyncadd.s32 $0xFFFFE800  }
0x172: {  	[tilespmem:s12], [sflag:$0x2] =	stream.indirect.gather @!p0 [hbm4b:s3+s11], $0x40, s9, s11, $0xb8;
	[tilespmem:$0x14C00] =	vst v63  }
0x173: {  	s9 =	sadd.s32 @!p0 $0x450, s1;
	s11 =	simm.s32 @!p0 $0x60;
	s12 =	simm.s32 @!p0 $0xB000  }
0x174: {  	[tilespmem:s12], [sflag:$0x2] =	stream.indirect.gather @!p0 [hbm4b:s3+s11], $0x40, s9, s11, $0xb8;
	[tilespmem:$0x14C00] =	vst v63  }
0x175: {  	v7 =	vld [tilespmem:s14+$0x0]  }
0x176: {  	v8 =	vld [tilespmem:s14+$0x10]  }
0x177: {  	v9 =	vld [tilespmem:s14+$0x20]  }
0x178: {  	v10 =	vld [tilespmem:s14+$0x30]  }
0x179: {  	v11 =	vld [tilespmem:s14+$0x40]  }
0x17a: {  	v12 =	vld [tilespmem:s14+$0x50]  }
0x17b: {  	v13 =	vld [tilespmem:s14+$0x60]  }
0x17c: {  	v14 =	vld [tilespmem:s14+$0x70]  }
0x17d: {  	v15 =	vld [tilespmem:s14+$0x80]  }
0x17e: {  	v16 =	vld [tilespmem:s14+$0x90]  }
0x17f: {  	v17 =	vld [tilespmem:s14+$0xA0]  }
0x180: {  	v19 =	vld [tilespmem:s14+$0xB0]  }
0x181: {  	s9 =	simm.s32 $0x0;
	v24 =	vld [tilespmem:s14+$0xB8]  }
0x182: {  	v3 =	vld [tilespmem:s9+$0xC980]  }
0x183: {  	v6 =	vld [tilespmem:s9+$0xC990]  }
0x184: {  	v4 =	vld [tilespmem:s9+$0xC9A0]  }
0x185: {  	v5 =	vld [tilespmem:s9+$0xC9B0]  }
0x186: {  	v0 =	vld [tilespmem:s9+$0xC9C0]  }
0x187: {  	v1 =	vld [tilespmem:s9+$0xC9D0]  }
0x188: {  	v28 =	vld [tilespmem:s9+$0xC800]  }
0x189: {  	v30 =	vld [tilespmem:s9+$0xC810]  }
0x18a: {  	v31 =	vld [tilespmem:s9+$0xC820]  }
0x18b: {  	v59 =	vld [tilespmem:s9+$0xC830]  }
0x18c: {  	v22 =	vld [tilespmem:s9+$0xC900]  }
0x18d: {  	v23 =	vimm.f32 $0.0e+00;
	v25 =	vld [tilespmem:s9+$0xC910]  }
0x18e: {  	v20 =	vld [tilespmem:s9+$0xC920];
	vm2 =	vne.s32 v7, $0x0;
	v28 =	vadd.f32 v28, v23  }
0x18f: {  	v21 =	vld [tilespmem:s9+$0xC930];
	vm3 =	vne.s32 v10, $0x0;
	v62 =	vadd.f32 v30, v23;
	v63 =	vadd.f32 v31, v23  }
0x190: {  	v26 =	vld [tilespmem:s9+$0xC880];
	v38 =	vadd.f32 v59, v23;
	v7 =	vmpcnt.ones.xlane vm2;
	vm2 =	vne.s32 v8, $0x0  }
0x191: {  	v27 =	vld [tilespmem:s9+$0xC890];
	v10 =	vmpcnt.ones.xlane vm3;
	v8 =	vmpcnt.ones.xlane vm2;
	vm2 =	vne.s32 v9, $0x0  }
0x192: {  	v60 =	vld [tilespmem:s9+$0xC8A0];
	vm3 =	vne.s32 v13, $0x0;
	v9 =	vmpcnt.ones.xlane vm2;
	vm2 =	vne.s32 v11, $0x0  }
0x193: {  	v61 =	vld [tilespmem:s9+$0xC8B0];
	v13 =	vmpcnt.ones.xlane vm3;
	v11 =	vmpcnt.ones.xlane vm2;
	vm2 =	vne.s32 v12, $0x0  }
0x194: {  	v2 =	vld [tilespmem:s9+$0xC940];
	vm3 =	vne.s32 v16, $0x0;
	v12 =	vmpcnt.ones.xlane vm2;
	vm2 =	vne.s32 v14, $0x0  }
0x195: {  	v29 =	vld [tilespmem:s9+$0xC8C0];
	v34 =	vadd.f32 v26, v28;
	v14 =	vmpcnt.ones.xlane vm2;
	vm2 =	vne.s32 v15, $0x0  }
0x196: {  	v32 =	vld [tilespmem:s9+$0xC850];
	v35 =	vadd.f32 v27, v62;
	v15 =	vmpcnt.ones.xlane vm2;
	vm2 =	vne.s32 v17, $0x0  }
0x197: {  	v33 =	vld [tilespmem:s9+$0xC860];
	v36 =	vadd.f32 v60, v63;
	v18 =	vmpcnt.ones.xlane vm2;
	vm2 =	vne.s32 v19, $0x0  }
0x198: {  	v30 =	vld [tilespmem:s9+$0xC8D0];
	v37 =	vadd.f32 v61, v38;
	v19 =	vmpcnt.ones.xlane vm2;
	vm2 =	vne.s32 v24, $0x0  }
0x199: {  	v31 =	vld [tilespmem:s9+$0xC840];
	v28 =	vimm.f32 $0.0e+00;
	v27 =	vimm.f32 $0.0e+00;
	vm2 =	vmand vm2, vm1  }
0x19a: {  	s11 =	simm.s32 $0x800;
	v26 =	vimm.f32 $0.0e+00;
	v16 =	vmpcnt.ones.xlane vm3;
	v17 =	vld [tilespmem:s9+$0xC950];
	v24 =	vmpcnt.ones.xlane vm2  }
.LBB2_9:
0x19b: {  	p1 =	sne.s32 s11, $0xC000;
	v38 =	vld [tilespmem:s9+$0xC870];
	v22 =	vadd.f32 v22, v34;
	v25 =	vadd.f32 v25, v35  }
0x19c: {  	v34 =	vld [tilespmem:s9+$0xC8E0];
	v20 =	vadd.f32 v20, v36;
	v21 =	vadd.f32 v21, v37  }
0x19d: {  	v35 =	vld [tilespmem:s9+$0xC8F0];
	v36 =	vadd.f32 v3, v22;
	v37 =	vadd.f32 v6, v25  }
0x19e: {  	v22 =	vld [tilespmem:s9+$0xC960];
	v39 =	vadd.f32 v4, v20;
	v40 =	vadd.f32 v5, v21  }
0x19f: {  	v3 =	vadd.f32 v31, v23;
	v4 =	vadd.f32 v32, v28;
	v5 =	vld [tilespmem:s9+$0xC970]  }
0x1a0: {  	v6 =	vadd.f32 v33, v27;
	v20 =	vadd.f32 v38, v26;
	v21 =	vld [tilespmem:s9+$0xC9E0]  }
0x1a1: {  	v23 =	vadd.f32 v29, v3;
	v4 =	vadd.f32 v30, v4;
	v25 =	vld [tilespmem:s9+$0xC9F0];
	s9 =	sshra.s32 s11, $0x2  }
0x1a2: {  	v26 =	vadd.f32 v34, v6;
	v3 =	vld [tilespmem:s9+$0xC980];
	v20 =	vadd.f32 v35, v20  }
0x1a3: {  	v2 =	vadd.f32 v2, v23;
	v17 =	vadd.f32 v17, v4;
	v6 =	vld [tilespmem:s9+$0xC990]  }
0x1a4: {  	v22 =	vadd.f32 v22, v26;
	v4 =	vld [tilespmem:s9+$0xC9A0];
	v20 =	vadd.f32 v5, v20  }
0x1a5: {  	v23 =	vadd.f32 v0, v2;
	v28 =	vadd.f32 v1, v17;
	v5 =	vld [tilespmem:s9+$0xC9B0]  }
0x1a6: {  	v27 =	vadd.f32 v21, v22;
	v0 =	vld [tilespmem:s9+$0xC9C0];
	v26 =	vadd.f32 v25, v20  }
0x1a7: {  	v1 =	vld [tilespmem:s9+$0xC9D0]  }
0x1a8: {  	v22 =	vld [tilespmem:s9+$0xC900]  }
0x1a9: {  	v25 =	vld [tilespmem:s9+$0xC910]  }
0x1aa: {  	v20 =	vld [tilespmem:s9+$0xC920]  }
0x1ab: {  	v21 =	vld [tilespmem:s9+$0xC930]  }
0x1ac: {  	v2 =	vld [tilespmem:s9+$0xC940]  }
0x1ad: {  	v17 =	vld [tilespmem:s9+$0xC950]  }
0x1ae: {  	v33 =	vld [tilespmem:s9+$0xC880]  }
0x1af: {  	v35 =	vld [tilespmem:s9+$0xC890]  }
0x1b0: {  	v30 =	vld [tilespmem:s9+$0xC800]  }
0x1b1: {  	v31 =	vld [tilespmem:s9+$0xC810]  }
0x1b2: {  	v32 =	vld [tilespmem:s9+$0xC820]  }
0x1b3: {  	v34 =	vld [tilespmem:s9+$0xC830]  }
0x1b4: {  	v38 =	vld [tilespmem:s9+$0xC8A0]  }
0x1b5: {  	v41 =	vld [tilespmem:s9+$0xC8B0]  }
.Ltmp3:
0x1b6: {  	v29 =	vld [tilespmem:s9+$0xC8C0];
	(pc) =	sbr.rel @p1 .LBB2_9-.Ltmp3, $4  }
0x1b7: {  	v36 =	vadd.f32 v30, v36;
	v37 =	vadd.f32 v31, v37;
	v30 =	vld [tilespmem:s9+$0xC8D0]  }
0x1b8: {  	v39 =	vadd.f32 v32, v39;
	v40 =	vadd.f32 v34, v40;
	v31 =	vld [tilespmem:s9+$0xC840]  }
0x1b9: {  	v34 =	vadd.f32 v33, v36;
	v35 =	vadd.f32 v35, v37;
	v32 =	vld [tilespmem:s9+$0xC850]  }
0x1ba: {  	s11 =	sadd.s32 $0x800, s11;
	v36 =	vadd.f32 v38, v39;
	v33 =	vld [tilespmem:s9+$0xC860];
	v37 =	vadd.f32 v41, v40  }
0x1bb: {  	v7 =	vadd.s32 v7, v8  }
0x1bc: {  	v7 =	vadd.s32 v9, v7  }
0x1bd: {  	v7 =	vadd.s32 v10, v7  }
0x1be: {  	v7 =	vadd.s32 v11, v7  }
0x1bf: {  	v7 =	vadd.s32 v12, v7  }
0x1c0: {  	v7 =	vadd.s32 v13, v7  }
0x1c1: {  	v7 =	vadd.s32 v14, v7  }
0x1c2: {  	v7 =	vadd.s32 v15, v7  }
0x1c3: {  	v7 =	vadd.s32 v16, v7  }
0x1c4: {  	v7 =	vadd.s32 v18, v7  }
0x1c5: {  	v7 =	vadd.s32 v19, v7  }
0x1c6: {  	v8 =	vadd.f32 v22, v34;
	v7 =	vadd.s32 v24, v7  }
0x1c7: {  	v9 =	vadd.f32 v25, v35;
	v7 =	vcvt.s32.f32 v7  }
0x1c8: {  	v10 =	vld [tilespmem:s9+$0xC870];
	v3 =	vadd.f32 v3, v8;
	v11 =	vadd.f32 v20, v36  }
0x1c9: {  	v6 =	vadd.f32 v6, v9;
	v9 =	vadd.f32 v31, v23;
	v13 =	vld [tilespmem:s9+$0xC8E0];
	v7 =	vmax.f32 v7, $9.999999970e-07  }
0x1ca: {  	v8 =	vld [tilespmem:s9+$0xC8F0];
	v12 =	vadd.f32 v21, v37;
	v4 =	vadd.f32 v4, v11;
	(erf) = vrcp.f32 v7  }
0x1cb: {  	v11 =	vadd.f32 v32, v28;
	v9 =	vadd.f32 v29, v9;
	v7 =	vld [tilespmem:s9+$0xC960]  }
0x1cc: {  	v5 =	vadd.f32 v5, v12;
	v12 =	vld [tilespmem:s9+$0xC970];
	v14 =	vadd.f32 v33, v27  }
0x1cd: {  	v10 =	vadd.f32 v10, v26;
	v15 =	vld [tilespmem:s9+$0xC9E0];
	v11 =	vadd.f32 v30, v11  }
0x1ce: {  	v2 =	vadd.f32 v2, v9;
	v16 =	vld [tilespmem:s9+$0xC9F0];
	v13 =	vadd.f32 v13, v14  }
0x1cf: {  	v8 =	vadd.f32 v8, v10;
	v9 =	vadd.f32 v17, v11  }
0x1d0: {  	v0 =	vadd.f32 v0, v2;
	v7 =	vadd.f32 v7, v13  }
0x1d1: {  	v2 =	vadd.f32 v12, v8;
	v1 =	vadd.f32 v1, v9  }
0x1d2: {  	v0 =	vadd.f32 v0, v3;
	v7 =	vadd.f32 v15, v7  }
0x1d3: {  	v2 =	vadd.f32 v16, v2;
	v1 =	vadd.f32 v1, v6;
	v3 =	vpop (erf)  }
0x1d4: {  	s0 =	sshll.u32 s0, $0x6;
	v4 =	vadd.f32 v7, v4;
	v0 =	vmul.f32 v0, v3  }
0x1d5: {  	s0 =	sand.u32 $0x3FFFFFC0, s0;
	v2 =	vadd.f32 v2, v5;
	v1 =	vmul.f32 v1, v3  }
0x1d6: {  	[tilespmem:s0+$0x12C00] =	vst v0;
	v0 =	vmul.f32 v4, v3  }
0x1d7: {  	[tilespmem:s0+$0x12C10] =	vst v1;
	v1 =	vmul.f32 v2, v3  }
0x1d8: {  	[tilespmem:s0+$0x12C20] =	vst v0  }
0x1d9: {  	[tilespmem:s0+$0x12C30] =	vst v1  }
0x1da: {  	_ =	swait.ge [sflag:s25], $0x1A00  }
0x1db: {  	[sflag:s25] =	ssyncset.done $0x0  }
0x1dc: {  	[sflag:s25] =	ssyncadd.s32 $0xFFFFE600  }
0x1dd: {  	_ =	swait.ge [sflag:s25], $0x1800  }
0x1de: {  	s11 =	simm.s32 @!p0 $0xC800;
	[sflag:s25] =	ssyncset.done $0x0  }
0x1df: {  	s9 =	simm.s32 @!p0 $0x68;
	s0 =	sadd.s32 @!p0 $0x4B0, s1;
	[sflag:s25] =	ssyncadd.s32 $0xFFFFE800  }
0x1e0: {  	[tilespmem:s11], [sflag:$0x3] =	stream.indirect.gather @!p0 [hbm4b:s3+s9], $0x40, s0, s9, $0xb8;
	[tilespmem:$0x14C00] =	vst v63  }
0x1e1: {  	s0 =	sadd.s32 @!p0 $0x518, s1;
	s1 =	simm.s32 @!p0 $0x60;
	s9 =	simm.s32 @!p0 $0xE200  }
0x1e2: {  	[tilespmem:s9], [sflag:$0x3] =	stream.indirect.gather @!p0 [hbm4b:s3+s1], $0x40, s0, s1, $0xb8;
	[tilespmem:$0x14C00] =	vst v63  }
0x1e3: {  	v7 =	vld [tilespmem:s31+$0x0]  }
0x1e4: {  	v8 =	vld [tilespmem:s31+$0x10]  }
0x1e5: {  	v9 =	vld [tilespmem:s31+$0x20]  }
0x1e6: {  	v10 =	vld [tilespmem:s31+$0x30]  }
0x1e7: {  	v11 =	vld [tilespmem:s31+$0x40]  }
0x1e8: {  	v12 =	vld [tilespmem:s31+$0x50]  }
0x1e9: {  	v13 =	vld [tilespmem:s31+$0x60]  }
0x1ea: {  	v14 =	vld [tilespmem:s31+$0x70]  }
0x1eb: {  	v15 =	vld [tilespmem:s31+$0x80]  }
0x1ec: {  	v16 =	vld [tilespmem:s31+$0x90]  }
0x1ed: {  	v17 =	vld [tilespmem:s31+$0xA0]  }
0x1ee: {  	v19 =	vld [tilespmem:s31+$0xB0]  }
0x1ef: {  	s0 =	simm.s32 $0x0;
	v24 =	vld [tilespmem:s31+$0xB8]  }
0x1f0: {  	v3 =	vld [tilespmem:s0+$0xFB80]  }
0x1f1: {  	v6 =	vld [tilespmem:s0+$0xFB90]  }
0x1f2: {  	v4 =	vld [tilespmem:s0+$0xFBA0]  }
0x1f3: {  	v5 =	vld [tilespmem:s0+$0xFBB0]  }
0x1f4: {  	v0 =	vld [tilespmem:s0+$0xFBC0]  }
0x1f5: {  	v1 =	vld [tilespmem:s0+$0xFBD0]  }
0x1f6: {  	v28 =	vld [tilespmem:s0+$0xFA00]  }
0x1f7: {  	v30 =	vld [tilespmem:s0+$0xFA10]  }
0x1f8: {  	v31 =	vld [tilespmem:s0+$0xFA20]  }
0x1f9: {  	v59 =	vld [tilespmem:s0+$0xFA30]  }
0x1fa: {  	v22 =	vld [tilespmem:s0+$0xFB00]  }
0x1fb: {  	v23 =	vimm.f32 $0.0e+00;
	v25 =	vld [tilespmem:s0+$0xFB10]  }
0x1fc: {  	v20 =	vld [tilespmem:s0+$0xFB20];
	vm2 =	vne.s32 v7, $0x0;
	v28 =	vadd.f32 v28, v23  }
0x1fd: {  	v21 =	vld [tilespmem:s0+$0xFB30];
	vm3 =	vne.s32 v10, $0x0;
	v62 =	vadd.f32 v30, v23;
	v63 =	vadd.f32 v31, v23  }
0x1fe: {  	v26 =	vld [tilespmem:s0+$0xFA80];
	v38 =	vadd.f32 v59, v23;
	v7 =	vmpcnt.ones.xlane vm2;
	vm2 =	vne.s32 v8, $0x0  }
0x1ff: {  	v27 =	vld [tilespmem:s0+$0xFA90];
	v10 =	vmpcnt.ones.xlane vm3;
	v8 =	vmpcnt.ones.xlane vm2;
	vm2 =	vne.s32 v9, $0x0  }
0x200: {  	v60 =	vld [tilespmem:s0+$0xFAA0];
	vm3 =	vne.s32 v13, $0x0;
	v9 =	vmpcnt.ones.xlane vm2;
	vm2 =	vne.s32 v11, $0x0  }
0x201: {  	v61 =	vld [tilespmem:s0+$0xFAB0];
	v13 =	vmpcnt.ones.xlane vm3;
	v11 =	vmpcnt.ones.xlane vm2;
	vm2 =	vne.s32 v12, $0x0  }
0x202: {  	v2 =	vld [tilespmem:s0+$0xFB40];
	vm3 =	vne.s32 v16, $0x0;
	v12 =	vmpcnt.ones.xlane vm2;
	vm2 =	vne.s32 v14, $0x0  }
0x203: {  	v29 =	vld [tilespmem:s0+$0xFAC0];
	v34 =	vadd.f32 v26, v28;
	v14 =	vmpcnt.ones.xlane vm2;
	vm2 =	vne.s32 v15, $0x0  }
0x204: {  	v32 =	vld [tilespmem:s0+$0xFA50];
	v35 =	vadd.f32 v27, v62;
	v15 =	vmpcnt.ones.xlane vm2;
	vm2 =	vne.s32 v17, $0x0  }
0x205: {  	v33 =	vld [tilespmem:s0+$0xFA60];
	v36 =	vadd.f32 v60, v63;
	v18 =	vmpcnt.ones.xlane vm2;
	vm2 =	vne.s32 v19, $0x0  }
0x206: {  	v30 =	vld [tilespmem:s0+$0xFAD0];
	v37 =	vadd.f32 v61, v38;
	v19 =	vmpcnt.ones.xlane vm2;
	vm2 =	vne.s32 v24, $0x0  }
0x207: {  	v31 =	vld [tilespmem:s0+$0xFA40];
	v28 =	vimm.f32 $0.0e+00;
	v27 =	vimm.f32 $0.0e+00;
	vm2 =	vmand vm2, vm1  }
0x208: {  	s1 =	simm.s32 $0x800;
	v26 =	vimm.f32 $0.0e+00;
	v16 =	vmpcnt.ones.xlane vm3;
	v17 =	vld [tilespmem:s0+$0xFB50];
	v24 =	vmpcnt.ones.xlane vm2  }
.LBB2_11:
0x209: {  	p0 =	sne.s32 s1, $0xC000;
	v38 =	vld [tilespmem:s0+$0xFA70];
	v22 =	vadd.f32 v22, v34;
	v25 =	vadd.f32 v25, v35  }
0x20a: {  	v34 =	vld [tilespmem:s0+$0xFAE0];
	v20 =	vadd.f32 v20, v36;
	v21 =	vadd.f32 v21, v37  }
0x20b: {  	v35 =	vld [tilespmem:s0+$0xFAF0];
	v36 =	vadd.f32 v3, v22;
	v37 =	vadd.f32 v6, v25  }
0x20c: {  	v22 =	vld [tilespmem:s0+$0xFB60];
	v39 =	vadd.f32 v4, v20;
	v40 =	vadd.f32 v5, v21  }
0x20d: {  	v3 =	vadd.f32 v31, v23;
	v4 =	vadd.f32 v32, v28;
	v5 =	vld [tilespmem:s0+$0xFB70]  }
0x20e: {  	v6 =	vadd.f32 v33, v27;
	v20 =	vadd.f32 v38, v26;
	v21 =	vld [tilespmem:s0+$0xFBE0]  }
0x20f: {  	v23 =	vadd.f32 v29, v3;
	v4 =	vadd.f32 v30, v4;
	v25 =	vld [tilespmem:s0+$0xFBF0];
	s0 =	sshra.s32 s1, $0x2  }
0x210: {  	v26 =	vadd.f32 v34, v6;
	v3 =	vld [tilespmem:s0+$0xFB80];
	v20 =	vadd.f32 v35, v20  }
0x211: {  	v2 =	vadd.f32 v2, v23;
	v17 =	vadd.f32 v17, v4;
	v6 =	vld [tilespmem:s0+$0xFB90]  }
0x212: {  	v22 =	vadd.f32 v22, v26;
	v4 =	vld [tilespmem:s0+$0xFBA0];
	v20 =	vadd.f32 v5, v20  }
0x213: {  	v23 =	vadd.f32 v0, v2;
	v28 =	vadd.f32 v1, v17;
	v5 =	vld [tilespmem:s0+$0xFBB0]  }
0x214: {  	v27 =	vadd.f32 v21, v22;
	v0 =	vld [tilespmem:s0+$0xFBC0];
	v26 =	vadd.f32 v25, v20  }
0x215: {  	v1 =	vld [tilespmem:s0+$0xFBD0]  }
0x216: {  	v22 =	vld [tilespmem:s0+$0xFB00]  }
0x217: {  	v25 =	vld [tilespmem:s0+$0xFB10]  }
0x218: {  	v20 =	vld [tilespmem:s0+$0xFB20]  }
0x219: {  	v21 =	vld [tilespmem:s0+$0xFB30]  }
0x21a: {  	v2 =	vld [tilespmem:s0+$0xFB40]  }
0x21b: {  	v17 =	vld [tilespmem:s0+$0xFB50]  }
0x21c: {  	v33 =	vld [tilespmem:s0+$0xFA80]  }
0x21d: {  	v35 =	vld [tilespmem:s0+$0xFA90]  }
0x21e: {  	v30 =	vld [tilespmem:s0+$0xFA00]  }
0x21f: {  	v31 =	vld [tilespmem:s0+$0xFA10]  }
0x220: {  	v32 =	vld [tilespmem:s0+$0xFA20]  }
0x221: {  	v34 =	vld [tilespmem:s0+$0xFA30]  }
0x222: {  	v38 =	vld [tilespmem:s0+$0xFAA0]  }
0x223: {  	v41 =	vld [tilespmem:s0+$0xFAB0]  }
.Ltmp4:
0x224: {  	v29 =	vld [tilespmem:s0+$0xFAC0];
	(pc) =	sbr.rel @p0 .LBB2_11-.Ltmp4, $4  }
0x225: {  	v36 =	vadd.f32 v30, v36;
	v37 =	vadd.f32 v31, v37;
	v30 =	vld [tilespmem:s0+$0xFAD0]  }
0x226: {  	v39 =	vadd.f32 v32, v39;
	v40 =	vadd.f32 v34, v40;
	v31 =	vld [tilespmem:s0+$0xFA40]  }
0x227: {  	v34 =	vadd.f32 v33, v36;
	v35 =	vadd.f32 v35, v37;
	v32 =	vld [tilespmem:s0+$0xFA50]  }
0x228: {  	s1 =	sadd.s32 $0x800, s1;
	v36 =	vadd.f32 v38, v39;
	v33 =	vld [tilespmem:s0+$0xFA60];
	v37 =	vadd.f32 v41, v40  }
0x229: {  	v7 =	vadd.s32 v7, v8  }
0x22a: {  	v7 =	vadd.s32 v9, v7  }
0x22b: {  	v7 =	vadd.s32 v10, v7  }
0x22c: {  	v7 =	vadd.s32 v11, v7  }
0x22d: {  	v7 =	vadd.s32 v12, v7  }
0x22e: {  	v7 =	vadd.s32 v13, v7  }
0x22f: {  	v7 =	vadd.s32 v14, v7  }
0x230: {  	v7 =	vadd.s32 v15, v7  }
0x231: {  	v7 =	vadd.s32 v16, v7  }
0x232: {  	v7 =	vadd.s32 v18, v7  }
0x233: {  	v7 =	vadd.s32 v19, v7  }
0x234: {  	v7 =	vadd.s32 v24, v7  }
0x235: {  	v45 =	vadd.f32 v22, v34;
	v46 =	vadd.f32 v25, v35;
	v7 =	vcvt.s32.f32 v7  }
0x236: {  	v47 =	vld [tilespmem:s0+$0xFA70];
	v48 =	vadd.f32 v20, v36;
	v49 =	vadd.f32 v21, v37  }
0x237: {  	v50 =	vld [tilespmem:s0+$0xFAE0];
	v3 =	vadd.f32 v3, v45;
	v6 =	vadd.f32 v6, v46;
	v7 =	vmax.f32 v7, $9.999999970e-07  }
0x238: {  	v51 =	vld [tilespmem:s0+$0xFAF0];
	v52 =	vadd.f32 v31, v23;
	v4 =	vadd.f32 v4, v48;
	(erf) = vrcp.f32 v7  }
0x239: {  	v53 =	vld [tilespmem:s0+$0xFB60];
	v5 =	vadd.f32 v5, v49;
	v54 =	vadd.f32 v32, v28  }
0x23a: {  	v55 =	vld [tilespmem:s0+$0xFB70];
	v56 =	vadd.f32 v33, v27;
	v9 =	vadd.f32 v29, v52  }
0x23b: {  	v57 =	vld [tilespmem:s0+$0xFBE0];
	v10 =	vadd.f32 v47, v26;
	v11 =	vadd.f32 v30, v54  }
0x23c: {  	v58 =	vld [tilespmem:s0+$0xFBF0];
	v13 =	vadd.f32 v50, v56;
	v2 =	vadd.f32 v2, v9  }
0x23d: {  	v8 =	vadd.f32 v51, v10;
	v59 =	vadd.f32 v17, v11  }
0x23e: {  	v0 =	vadd.f32 v0, v2;
	v7 =	vadd.f32 v53, v13  }
0x23f: {  	v60 =	vadd.f32 v55, v8;
	v1 =	vadd.f32 v1, v59  }
0x240: {  	v0 =	vadd.f32 v0, v3;
	v7 =	vadd.f32 v57, v7  }
0x241: {  	s29 =	sadd.s32 $0x1, s29;
	v2 =	vadd.f32 v58, v60;
	v1 =	vadd.f32 v1, v6;
	v61 =	vpop (erf)  }
0x242: {  	s31 =	sshll.u32 s30, $0x6;
	p0 =	sne.s32 s29, $0x20;
	v4 =	vadd.f32 v7, v4;
	v0 =	vmul.f32 v0, v61  }
.Ltmp5:
0x243: {  	s0 =	sand.u32 $0x3FFFFFC0, s31;
	v2 =	vadd.f32 v2, v5;
	v1 =	vmul.f32 v1, v61;
	(pc) =	sbr.rel @p0 .LBB2_4-.Ltmp5, $4  }
0x244: {  	v62 =	vmul.f32 v4, v61;
	[tilespmem:s0+$0x12C00] =	vst v0  }
0x245: {  	v63 =	vmul.f32 v2, v61;
	[tilespmem:s0+$0x12C10] =	vst v1  }
0x246: {  	[tilespmem:s0+$0x12C20] =	vst v62  }
0x247: {  	[tilespmem:s0+$0x12C30] =	vst v63  }
0x248: {  	s28 =	sadd.s32 $0x1, s28  }
0x249: {  	p0 =	sne.s32 s28, s6  }
.Ltmp6:
0x24a: {  	_ = 	snop;
	(pc) =	sbr.rel @p0 .LBB2_1-.Ltmp6, $4  }
0x24b: {  	[hbm4b:s5+s2] =	stream.linear.scatter [tilespmem:s26], [sflag:$0x5], $0x2000, $0x38;
	[tilespmem:$0x14C00] =	vst v63  }
0x24c: {  	_ =	swait.ge [sflag:s7], $0x2000  }
0x24d: {  	[sflag:s7] =	ssyncset.done $0x0  }
0x24e: {  	[sflag:s7] =	ssyncadd.s32 $0xFFFFE000  }
0x24f: {  	_ =	sfence.sel $0x180000  }
0x250: {  	[bflag:$0x0] =	sbarrier.arrive $0xFFFF  }
0x251: {  	_ =	strace $0x90000047  }
0x252: {  	s0 =	stileid.u32;
	[bflag:$0x2] =	sbarrier.arrive $0xFFFF  }
0x253: {  	p0 =	sne.s32 s0, $0x0;
	s0 =	rddreg [dreg:$0x2]  }
0x254: {  	s0 =	sadd.s32 @!p0 $0x100000, s0  }
0x255: {  	[sflag:s0] =	ssyncadd.tile.s32 @!p0 $0x1;
	_ =	shalt  }
.Lfunc_end2:
_tile_overlayer_lowered:
.L_overlay_start_2:
0x256: {  	(tag) =	ssettag $0x2  }
0x257: {  	s0 =	rddreg [dreg:$0x0];
	s2 =	stileid.u32  }
0x258: {  	s1 =	rddreg [dreg:$0x1];
	p0 =	sne.s32 s2, $0x0  }
0x259: {  	s3 =	rddreg [dreg:$0x2];
	[bflag:$0x3] =	sbarrier.arrive $0xFFFF;
	s2 =	simm.s32 @!p0 $0x1C05  }
0x25a: {  	[timem:s3], [sflag:s2] =	dma.local @!p0 [hbm:s0], s1  }
0x25b: {  	s0 =	simm.s32 @!p0 $0x5  }
0x25c: {  	_ =	swait.ge @!p0 [sflag:s0], s1  }
0x25d: {  	s1 =	ssub.s32 @!p0 $0x0, s1;
	[sflag:s0] =	ssyncset.done @!p0 $0x0  }
0x25e: {  	[sflag:s0] =	ssyncadd.s32 @!p0 s1  }
0x25f: {  	[bflag:$0x3] =	sbarrier.arrive $0xFFFF  }
0x260: {  	_ =	shalt  }

</sc_bundles>
